<compile_context>
chip_gen: v7x
topology: tpu7x:2x2x1
jax: 0.10.2.dev20260603
libtpu: 0.0.44.dev20260713+nightly
codegen_flags: <defaults>
</compile_context>

<pallas_src>
import jax
import jax.numpy as jnp
from jax import lax
from jax.experimental import pallas as pl
from jax.experimental.pallas import tpu as pltpu
from jax.experimental.pallas import tpu_sc as plsc

_N = 10000
_E = 320000
_D = 128
_NC, _NS = 2, 16
_NW = _NC * _NS
_EPW = _E // _NW
_C = 80
_NCH = _EPW // _C
_NP = 5
_CP = _NCH // _NP
_CR = 80
_NPAD = 10112
_RPS = _NPAD // _NS
_NB = 3


def _sc_body(x_hbm, edge_hbm, zeros_hbm, zeros1_hbm, out_hbm, cnt_hbm,
             src_v, dst_v, rows_v, hist_v, acc_sh,
             gsem, ssem, isem):
    c = lax.axis_index("c")
    s = lax.axis_index("s")
    wid = s * _NC + c
    ebase = wid * _EPW

    ones16 = jnp.full((16,), 1.0, dtype=jnp.float32)

    def _stage(p, pb):
        pbase = ebase + p * (_CP * _C)
        pltpu.async_copy(edge_hbm.at[0, pl.ds(pbase, _CP * _C)],
                         src_v.at[pb], isem)
        for k in range(_CP):
            pltpu.async_copy(edge_hbm.at[1, pl.ds(pbase + k * _C, _C)],
                             dst_v.at[pb, k], isem)

    def _stage_wait(pb):
        pltpu.make_async_copy(edge_hbm.at[0, pl.ds(ebase, _CP * _C)],
                              src_v.at[pb], isem).wait()
        for k in range(_CP):
            pltpu.make_async_copy(edge_hbm.at[1, pl.ds(ebase, _C)],
                                  dst_v.at[pb, k], isem).wait()

    pltpu.async_copy(zeros_hbm, acc_sh.at[pl.ds(s * _RPS, _RPS)], ssem)
    _stage(0, 0)
    pltpu.sync_copy(zeros1_hbm, hist_v)
    pltpu.make_async_copy(zeros_hbm, acc_sh.at[pl.ds(s * _RPS, _RPS)],
                          ssem).wait()
    _stage_wait(0)
    pltpu.async_copy(x_hbm.at[src_v.at[0, pl.ds(0, _C)]], rows_v.at[0],
                     gsem)
    pltpu.async_copy(x_hbm.at[src_v.at[0, pl.ds(_C, _C)]], rows_v.at[1],
                     gsem)
    plsc.subcore_barrier()

    @pl.loop(0, _NCH)
    def _(j):
        q = lax.div(j, _CP)
        k = lax.rem(j, _CP)
        pb = lax.rem(q, 2)
        b = lax.rem(j, _NB)

        @pl.when((k == 1) & (j + _CP < _NCH))
        def _():
            _stage(q + 1, 1 - pb)

        for i in range(_C // 16):
            d16 = dst_v[pb, k, pl.ds(i * 16, 16)]
            plsc.addupdate_scatter(hist_v, [d16], ones16)

        pltpu.make_async_copy(x_hbm.at[src_v.at[pb, pl.ds(k * _C, _C)]],
                              rows_v.at[b], gsem).wait()
        pltpu.async_copy(rows_v.at[b], acc_sh.at[dst_v.at[pb, k]], ssem,
                         add=True)

        @pl.when((k == _CP - 2) & (j + 2 < _NCH))
        def _():
            _stage_wait(1 - pb)

        @pl.when(j + 2 < _NCH)
        def _():
            bn = lax.rem(j + 2, _NB)

            @pl.when(j >= 1)
            def _():
                pltpu.make_async_copy(rows_v.at[bn],
                                      acc_sh.at[dst_v.at[0, 0]],
                                      ssem).wait()
            j2 = j + 2
            q2 = lax.div(j2, _CP)
            k2 = lax.rem(j2, _CP)
            pltpu.async_copy(
                x_hbm.at[src_v.at[lax.rem(q2, 2), pl.ds(k2 * _C, _C)]],
                rows_v.at[bn], gsem)

    pltpu.async_copy(hist_v, cnt_hbm.at[c, s], gsem)
    for b in range(_NB):
        pltpu.make_async_copy(rows_v.at[b], acc_sh.at[dst_v.at[0, 0]],
                              ssem).wait()
    pltpu.make_async_copy(hist_v, cnt_hbm.at[c, s], gsem).wait()
    plsc.subcore_barrier()
    pltpu.sync_copy(acc_sh.at[pl.ds(s * _RPS, _RPS)],
                    out_hbm.at[c, pl.ds(s * _RPS, _RPS)])


_sc_agg_cache = []


def _sc_agg(*arrs):
    if not _sc_agg_cache:
        _sc_agg_cache.append(pl.kernel(
            _sc_body,
            out_type=(jax.ShapeDtypeStruct((_NC, _NPAD, _D), jnp.float32),
                      jax.ShapeDtypeStruct((_NC, _NS, _CR * _D),
                                           jnp.float32)),
            mesh=plsc.VectorSubcoreMesh(core_axis_name="c",
                                        subcore_axis_name="s",
                                        num_cores=_NC, num_subcores=_NS),
            scratch_types=[
                pltpu.VMEM((2, _CP * _C), jnp.int32),
                pltpu.VMEM((2, _CP, _C), jnp.int32),
                pltpu.VMEM((_NB, _C, _D), jnp.float32),
                pltpu.VMEM((_CR * _D,), jnp.float32),
                pltpu.VMEM_SHARED((_NPAD, _D), jnp.float32),
                pltpu.SemaphoreType.DMA,
                pltpu.SemaphoreType.DMA,
                pltpu.SemaphoreType.DMA,
            ],
            compiler_params=pltpu.CompilerParams(use_tc_tiling_on_sc=False,
                                                 needs_layout_passes=False),
        ))
    return _sc_agg_cache[0](*arrs)


def _tc_body(p_ref, h_ref, x_ref, wl_ref, bl_ref, wr_ref, g_ref, b_ref,
             o_ref):
    sums = p_ref[0, :_N] + p_ref[1, :_N]
    cflat = jnp.sum(h_ref[...], axis=(0, 1))
    cnt = cflat[:_N].reshape(_N, 1)
    mean = sums / jnp.maximum(cnt, 1.0)
    x = x_ref[...]
    out = (lax.dot_general(mean, wl_ref[...], (((1,), (1,)), ((), ())),
                           preferred_element_type=jnp.float32)
           + bl_ref[...]
           + lax.dot_general(x, wr_ref[...], (((1,), (1,)), ((), ())),
                             preferred_element_type=jnp.float32))
    mu = jnp.mean(out, axis=0, keepdims=True)
    var = jnp.mean((out - mu) * (out - mu), axis=0, keepdims=True)
    y = (out - mu) * lax.rsqrt(var + 1e-5) * g_ref[...] + b_ref[...]
    o_ref[...] = jnp.maximum(y, 0.0) + x


def kernel(x, edge_index, W_l, b_l, W_r, gamma, beta):
    zeros = jnp.zeros((_RPS, _D), jnp.float32)
    zeros1 = jnp.zeros((_CR * _D,), jnp.float32)
    p, h = _sc_agg(x, edge_index, zeros, zeros1)
    return pl.pallas_call(
        _tc_body,
        out_shape=jax.ShapeDtypeStruct((_N, _D), jnp.float32),
    )(p, h, x, W_l, b_l.reshape(1, _D), W_r,
      gamma.reshape(1, _D), beta.reshape(1, _D))

# --- scband reference (transcript-rebuilt; emitter-appended) ---
"""Pipeline reference for scband-sageblock-8830452761020 (READ-ONLY COPY).

The authoritative reference and input builder live on the scoring server;
editing this copy changes nothing except your own understanding.
"""

import jax, jax.numpy as jnp
import numpy as np

N = 10000
E = 320000
D = 128


def setup_inputs(seed: int = 0) -> dict:
    key = jax.random.key(seed)
    ks = jax.random.split(key, 8)
    x = jax.random.normal(ks[0], (N, D), dtype=jnp.float32)
    edge_index = jax.random.randint(ks[1], (2, E), 0, N, dtype=jnp.int32)
    s = 1.0 / np.sqrt(D)
    W_l = jax.random.normal(ks[2], (D, D), dtype=jnp.float32) * s
    b_l = jnp.zeros((D,), dtype=jnp.float32)
    W_r = jax.random.normal(ks[3], (D, D), dtype=jnp.float32) * s
    gamma = jnp.ones((D,), dtype=jnp.float32)
    beta = jnp.zeros((D,), dtype=jnp.float32)
    return {"x": x, "edge_index": edge_index, "W_l": W_l, "b_l": b_l, "W_r": W_r, "gamma": gamma, "beta": beta}


def reference(x, edge_index, W_l, b_l, W_r, gamma, beta):
    # SAGEConv (mean aggregation): out = lin_l(mean_{j->i} x_j) + lin_r(x_i)
    src = edge_index[0]
    dst = edge_index[1]
    msgs = jnp.take(x, src, axis=0)                      # gather [E, D]
    summed = jax.ops.segment_sum(msgs, dst, num_segments=N)
    cnt = jax.ops.segment_sum(jnp.ones((E,), dtype=x.dtype), dst, num_segments=N)
    mean = summed / jnp.clip(cnt, 1.0)[:, None]
    out = mean @ W_l.T + b_l + x @ W_r.T
    # BatchNorm over nodes (training-mode batch statistics, biased variance)
    mu = jnp.mean(out, axis=0)
    var = jnp.var(out, axis=0)
    out = (out - mu) / jnp.sqrt(var + 1e-5) * gamma + beta
    out = jax.nn.relu(out)
    # Dropout is identity in eval mode; skip is Identity since in==out channels
    return out + x

if __name__ == "__main__":
    import jax
    _d = setup_inputs()
    print(jax.jit(kernel)(*tuple(_d.values())))

</pallas_src>

<mosaic_0001>
#map = affine_map<(d0, d1) -> (0, 0)>
#map1 = affine_map<(d0, d1) -> (0)>
#map2 = affine_map<(d0, d1) -> (0, 0, 0)>
module attributes {stable_mosaic.version = 14 : i64} {
  func.func @_sc_body(%arg0: i32, %arg1: i32, %arg2: memref<10000x128xf32, #tpu.memory_space<hbm>>, %arg3: memref<2x320000xi32, #tpu.memory_space<hbm>>, %arg4: memref<632x128xf32, #tpu.memory_space<hbm>>, %arg5: memref<10240xf32, #tpu.memory_space<hbm>>, %arg6: memref<2x10112x128xf32, #tpu.memory_space<hbm>>, %arg7: memref<2x16x10240xf32, #tpu.memory_space<hbm>>, %arg8: memref<2x2000xi32, #tpu.memory_space<vmem>>, %arg9: memref<2x25x80xi32, #tpu.memory_space<vmem>>, %arg10: memref<3x80x128xf32, #tpu.memory_space<vmem>>, %arg11: memref<10240xf32, #tpu.memory_space<vmem>>, %arg12: memref<10112x128xf32, #tpu.memory_space<vmem_shared>>, %arg13: memref<!tpu.dma_semaphore, #tpu.memory_space<semaphore_mem>>, %arg14: memref<!tpu.dma_semaphore, #tpu.memory_space<semaphore_mem>>, %arg15: memref<!tpu.dma_semaphore, #tpu.memory_space<semaphore_mem>>) attributes {dimension_semantics = [#tpu.dimension_semantics<core_parallel>, #tpu.dimension_semantics<subcore_parallel>], iteration_bounds = array<i64: 2, 16>, scalar_prefetch = 0 : i64, scratch_operands = 8 : i64, tpu.core_type = #tpu.core_type<sc_vector_subcore>, window_params = [{transform_indices = #map}, {transform_indices = #map}, {transform_indices = #map}, {transform_indices = #map1}, {transform_indices = #map2}, {transform_indices = #map2}]} {
    %mul3A = arith.constant 2 : i32
    %mul3A_0 = arith.muli %arg1, %mul3A : i32
    %add3A = arith.addi %mul3A_0, %arg0 : i32
    %mul3A_1 = arith.constant 10000 : i32
    %mul3A_2 = arith.muli %add3A, %mul3A_1 : i32
    %broadcast_in_dim3A = arith.constant 1.000000e+00 : f32
    %broadcast_in_dim3A_3 = vector.broadcast %broadcast_in_dim3A : f32 to vector<16xf32>
    %mul3A_4 = arith.constant 632 : i32
    %mul3A_5 = arith.muli %arg1, %mul3A_4 : i32
    %dma_start3A = arith.constant 0 : i32
    %dma_start3A_6 = tpu.memref_slice %arg12[%mul3A_5, %dma_start3A] : memref<10112x128xf32, #tpu.memory_space<vmem_shared>> -> memref<632x128xf32, #tpu.memory_space<vmem_shared>>
    tpu.enqueue_dma source(%arg4 : memref<632x128xf32, #tpu.memory_space<hbm>>) target(%dma_start3A_6 : memref<632x128xf32, #tpu.memory_space<vmem_shared>>) target_semaphore(%arg14 : memref<!tpu.dma_semaphore, #tpu.memory_space<semaphore_mem>>)
    %add3A_7 = arith.constant 0 : i32
    %add3A_8 = arith.addi %mul3A_2, %add3A_7 : i32
    %dma_start3A_9 = arith.constant 0 : i32
    %dma_start3A_10 = arith.constant 0 : i32
    %dma_start3A_11 = arith.constant 0 : i32
    %dma_start3A_12 = tpu.memref_slice %arg8[%dma_start3A_10, %dma_start3A_11] : memref<2x2000xi32, #tpu.memory_space<vmem>> -> memref<1x2000xi32, #tpu.memory_space<vmem>>
    %dma_start3A_13 = tpu.memref_squeeze %dma_start3A_12 : memref<1x2000xi32, #tpu.memory_space<vmem>> -> memref<2000xi32, #tpu.memory_space<vmem>>
    %dma_start3A_14 = tpu.memref_slice %arg3[%dma_start3A_9, %add3A_8] : memref<2x320000xi32, #tpu.memory_space<hbm>> -> memref<1x2000xi32, #tpu.memory_space<hbm>>
    %dma_start3A_15 = tpu.memref_squeeze %dma_start3A_14 : memref<1x2000xi32, #tpu.memory_space<hbm>> -> memref<2000xi32, #tpu.memory_space<hbm>>
    %dma_start3A_16 = arith.constant 0 : i32
    %dma_start3A_17 = tpu.memref_slice %arg8[%dma_start3A_10, %dma_start3A_16] : memref<2x2000xi32, #tpu.memory_space<vmem>> -> memref<1x2000xi32, #tpu.memory_space<vmem>>
    %dma_start3A_18 = tpu.memref_squeeze %dma_start3A_17 : memref<1x2000xi32, #tpu.memory_space<vmem>> -> memref<2000xi32, #tpu.memory_space<vmem>>
    %dma_start3A_19 = tpu.memref_slice %arg3[%dma_start3A_9, %add3A_8] : memref<2x320000xi32, #tpu.memory_space<hbm>> -> memref<1x2000xi32, #tpu.memory_space<hbm>>
    %dma_start3A_20 = tpu.memref_squeeze %dma_start3A_19 : memref<1x2000xi32, #tpu.memory_space<hbm>> -> memref<2000xi32, #tpu.memory_space<hbm>>
    tpu.enqueue_dma source(%dma_start3A_20 : memref<2000xi32, #tpu.memory_space<hbm>>) target(%dma_start3A_18 : memref<2000xi32, #tpu.memory_space<vmem>>) target_semaphore(%arg15 : memref<!tpu.dma_semaphore, #tpu.memory_space<semaphore_mem>>)
    %add3A_21 = arith.constant 0 : i32
    %add3A_22 = arith.addi %add3A_8, %add3A_21 : i32
    %dma_start3A_23 = arith.constant 1 : i32
    %dma_start3A_24 = arith.constant 0 : i32
    %dma_start3A_25 = arith.constant 0 : i32
    %dma_start3A_26 = arith.constant 0 : i32
    %dma_start3A_27 = tpu.memref_slice %arg9[%dma_start3A_24, %dma_start3A_25, %dma_start3A_26] : memref<2x25x80xi32, #tpu.memory_space<vmem>> -> memref<1x1x80xi32, #tpu.memory_space<vmem>>
    %dma_start3A_28 = tpu.memref_squeeze %dma_start3A_27 : memref<1x1x80xi32, #tpu.memory_space<vmem>> -> memref<80xi32, #tpu.memory_space<vmem>>
    %dma_start3A_29 = tpu.memref_slice %arg3[%dma_start3A_23, %add3A_22] : memref<2x320000xi32, #tpu.memory_space<hbm>> -> memref<1x80xi32, #tpu.memory_space<hbm>>
    %dma_start3A_30 = tpu.memref_squeeze %dma_start3A_29 : memref<1x80xi32, #tpu.memory_space<hbm>> -> memref<80xi32, #tpu.memory_space<hbm>>
    %dma_start3A_31 = arith.constant 0 : i32
    %dma_start3A_32 = tpu.memref_slice %arg9[%dma_start3A_24, %dma_start3A_25, %dma_start3A_31] : memref<2x25x80xi32, #tpu.memory_space<vmem>> -> memref<1x1x80xi32, #tpu.memory_space<vmem>>
    %dma_start3A_33 = tpu.memref_squeeze %dma_start3A_32 : memref<1x1x80xi32, #tpu.memory_space<vmem>> -> memref<80xi32, #tpu.memory_space<vmem>>
    %dma_start3A_34 = tpu.memref_slice %arg3[%dma_start3A_23, %add3A_22] : memref<2x320000xi32, #tpu.memory_space<hbm>> -> memref<1x80xi32, #tpu.memory_space<hbm>>
    %dma_start3A_35 = tpu.memref_squeeze %dma_start3A_34 : memref<1x80xi32, #tpu.memory_space<hbm>> -> memref<80xi32, #tpu.memory_space<hbm>>
    tpu.enqueue_dma source(%dma_start3A_35 : memref<80xi32, #tpu.memory_space<hbm>>) target(%dma_start3A_33 : memref<80xi32, #tpu.memory_space<vmem>>) target_semaphore(%arg15 : memref<!tpu.dma_semaphore, #tpu.memory_space<semaphore_mem>>)
    %add3A_36 = arith.constant 80 : i32
    %add3A_37 = arith.addi %add3A_8, %add3A_36 : i32
    %dma_start3A_38 = arith.constant 1 : i32
    %dma_start3A_39 = arith.constant 0 : i32
    %dma_start3A_40 = arith.constant 1 : i32
    %dma_start3A_41 = arith.constant 0 : i32
    %dma_start3A_42 = tpu.memref_slice %arg9[%dma_start3A_39, %dma_start3A_40, %dma_start3A_41] : memref<2x25x80xi32, #tpu.memory_space<vmem>> -> memref<1x1x80xi32, #tpu.memory_space<vmem>>
    %dma_start3A_43 = tpu.memref_squeeze %dma_start3A_42 : memref<1x1x80xi32, #tpu.memory_space<vmem>> -> memref<80xi32, #tpu.memory_space<vmem>>
    %dma_start3A_44 = tpu.memref_slice %arg3[%dma_start3A_38, %add3A_37] : memref<2x320000xi32, #tpu.memory_space<hbm>> -> memref<1x80xi32, #tpu.memory_space<hbm>>
    %dma_start3A_45 = tpu.memref_squeeze %dma_start3A_44 : memref<1x80xi32, #tpu.memory_space<hbm>> -> memref<80xi32, #tpu.memory_space<hbm>>
    %dma_start3A_46 = arith.constant 0 : i32
    %dma_start3A_47 = tpu.memref_slice %arg9[%dma_start3A_39, %dma_start3A_40, %dma_start3A_46] : memref<2x25x80xi32, #tpu.memory_space<vmem>> -> memref<1x1x80xi32, #tpu.memory_space<vmem>>
    %dma_start3A_48 = tpu.memref_squeeze %dma_start3A_47 : memref<1x1x80xi32, #tpu.memory_space<vmem>> -> memref<80xi32, #tpu.memory_space<vmem>>
    %dma_start3A_49 = tpu.memref_slice %arg3[%dma_start3A_38, %add3A_37] : memref<2x320000xi32, #tpu.memory_space<hbm>> -> memref<1x80xi32, #tpu.memory_space<hbm>>
    %dma_start3A_50 = tpu.memref_squeeze %dma_start3A_49 : memref<1x80xi32, #tpu.memory_space<hbm>> -> memref<80xi32, #tpu.memory_space<hbm>>
    tpu.enqueue_dma source(%dma_start3A_50 : memref<80xi32, #tpu.memory_space<hbm>>) target(%dma_start3A_48 : memref<80xi32, #tpu.memory_space<vmem>>) target_semaphore(%arg15 : memref<!tpu.dma_semaphore, #tpu.memory_space<semaphore_mem>>)
    %add3A_51 = arith.constant 160 : i32
    %add3A_52 = arith.addi %add3A_8, %add3A_51 : i32
    %dma_start3A_53 = arith.constant 1 : i32
    %dma_start3A_54 = arith.constant 0 : i32
    %dma_start3A_55 = arith.constant 2 : i32
    %dma_start3A_56 = arith.constant 0 : i32
    %dma_start3A_57 = tpu.memref_slice %arg9[%dma_start3A_54, %dma_start3A_55, %dma_start3A_56] : memref<2x25x80xi32, #tpu.memory_space<vmem>> -> memref<1x1x80xi32, #tpu.memory_space<vmem>>
    %dma_start3A_58 = tpu.memref_squeeze %dma_start3A_57 : memref<1x1x80xi32, #tpu.memory_space<vmem>> -> memref<80xi32, #tpu.memory_space<vmem>>
    %dma_start3A_59 = tpu.memref_slice %arg3[%dma_start3A_53, %add3A_52] : memref<2x320000xi32, #tpu.memory_space<hbm>> -> memref<1x80xi32, #tpu.memory_space<hbm>>
    %dma_start3A_60 = tpu.memref_squeeze %dma_start3A_59 : memref<1x80xi32, #tpu.memory_space<hbm>> -> memref<80xi32, #tpu.memory_space<hbm>>
    %dma_start3A_61 = arith.constant 0 : i32
    %dma_start3A_62 = tpu.memref_slice %arg9[%dma_start3A_54, %dma_start3A_55, %dma_start3A_61] : memref<2x25x80xi32, #tpu.memory_space<vmem>> -> memref<1x1x80xi32, #tpu.memory_space<vmem>>
    %dma_start3A_63 = tpu.memref_squeeze %dma_start3A_62 : memref<1x1x80xi32, #tpu.memory_space<vmem>> -> memref<80xi32, #tpu.memory_space<vmem>>
    %dma_start3A_64 = tpu.memref_slice %arg3[%dma_start3A_53, %add3A_52] : memref<2x320000xi32, #tpu.memory_space<hbm>> -> memref<1x80xi32, #tpu.memory_space<hbm>>
    %dma_start3A_65 = tpu.memref_squeeze %dma_start3A_64 : memref<1x80xi32, #tpu.memory_space<hbm>> -> memref<80xi32, #tpu.memory_space<hbm>>
    tpu.enqueue_dma source(%dma_start3A_65 : memref<80xi32, #tpu.memory_space<hbm>>) target(%dma_start3A_63 : memref<80xi32, #tpu.memory_space<vmem>>) target_semaphore(%arg15 : memref<!tpu.dma_semaphore, #tpu.memory_space<semaphore_mem>>)
    %add3A_66 = arith.constant 240 : i32
    %add3A_67 = arith.addi %add3A_8, %add3A_66 : i32
    %dma_start3A_68 = arith.constant 1 : i32
    %dma_start3A_69 = arith.constant 0 : i32
    %dma_start3A_70 = arith.constant 3 : i32
    %dma_start3A_71 = arith.constant 0 : i32
    %dma_start3A_72 = tpu.memref_slice %arg9[%dma_start3A_69, %dma_start3A_70, %dma_start3A_71] : memref<2x25x80xi32, #tpu.memory_space<vmem>> -> memref<1x1x80xi32, #tpu.memory_space<vmem>>
    %dma_start3A_73 = tpu.memref_squeeze %dma_start3A_72 : memref<1x1x80xi32, #tpu.memory_space<vmem>> -> memref<80xi32, #tpu.memory_space<vmem>>
    %dma_start3A_74 = tpu.memref_slice %arg3[%dma_start3A_68, %add3A_67] : memref<2x320000xi32, #tpu.memory_space<hbm>> -> memref<1x80xi32, #tpu.memory_space<hbm>>
    %dma_start3A_75 = tpu.memref_squeeze %dma_start3A_74 : memref<1x80xi32, #tpu.memory_space<hbm>> -> memref<80xi32, #tpu.memory_space<hbm>>
    %dma_start3A_76 = arith.constant 0 : i32
    %dma_start3A_77 = tpu.memref_slice %arg9[%dma_start3A_69, %dma_start3A_70, %dma_start3A_76] : memref<2x25x80xi32, #tpu.memory_space<vmem>> -> memref<1x1x80xi32, #tpu.memory_space<vmem>>
    %dma_start3A_78 = tpu.memref_squeeze %dma_start3A_77 : memref<1x1x80xi32, #tpu.memory_space<vmem>> -> memref<80xi32, #tpu.memory_space<vmem>>
    %dma_start3A_79 = tpu.memref_slice %arg3[%dma_start3A_68, %add3A_67] : memref<2x320000xi32, #tpu.memory_space<hbm>> -> memref<1x80xi32, #tpu.memory_space<hbm>>
    %dma_start3A_80 = tpu.memref_squeeze %dma_start3A_79 : memref<1x80xi32, #tpu.memory_space<hbm>> -> memref<80xi32, #tpu.memory_space<hbm>>
    tpu.enqueue_dma source(%dma_start3A_80 : memref<80xi32, #tpu.memory_space<hbm>>) target(%dma_start3A_78 : memref<80xi32, #tpu.memory_space<vmem>>) target_semaphore(%arg15 : memref<!tpu.dma_semaphore, #tpu.memory_space<semaphore_mem>>)
    %add3A_81 = arith.constant 320 : i32
    %add3A_82 = arith.addi %add3A_8, %add3A_81 : i32
    %dma_start3A_83 = arith.constant 1 : i32
    %dma_start3A_84 = arith.constant 0 : i32
    %dma_start3A_85 = arith.constant 4 : i32
    %dma_start3A_86 = arith.constant 0 : i32
    %dma_start3A_87 = tpu.memref_slice %arg9[%dma_start3A_84, %dma_start3A_85, %dma_start3A_86] : memref<2x25x80xi32, #tpu.memory_space<vmem>> -> memref<1x1x80xi32, #tpu.memory_space<vmem>>
    %dma_start3A_88 = tpu.memref_squeeze %dma_start3A_87 : memref<1x1x80xi32, #tpu.memory_space<vmem>> -> memref<80xi32, #tpu.memory_space<vmem>>
    %dma_start3A_89 = tpu.memref_slice %arg3[%dma_start3A_83, %add3A_82] : memref<2x320000xi32, #tpu.memory_space<hbm>> -> memref<1x80xi32, #tpu.memory_space<hbm>>
    %dma_start3A_90 = tpu.memref_squeeze %dma_start3A_89 : memref<1x80xi32, #tpu.memory_space<hbm>> -> memref<80xi32, #tpu.memory_space<hbm>>
    %dma_start3A_91 = arith.constant 0 : i32
    %dma_start3A_92 = tpu.memref_slice %arg9[%dma_start3A_84, %dma_start3A_85, %dma_start3A_91] : memref<2x25x80xi32, #tpu.memory_space<vmem>> -> memref<1x1x80xi32, #tpu.memory_space<vmem>>
    %dma_start3A_93 = tpu.memref_squeeze %dma_start3A_92 : memref<1x1x80xi32, #tpu.memory_space<vmem>> -> memref<80xi32, #tpu.memory_space<vmem>>
    %dma_start3A_94 = tpu.memref_slice %arg3[%dma_start3A_83, %add3A_82] : memref<2x320000xi32, #tpu.memory_space<hbm>> -> memref<1x80xi32, #tpu.memory_space<hbm>>
    %dma_start3A_95 = tpu.memref_squeeze %dma_start3A_94 : memref<1x80xi32, #tpu.memory_space<hbm>> -> memref<80xi32, #tpu.memory_space<hbm>>
    tpu.enqueue_dma source(%dma_start3A_95 : memref<80xi32, #tpu.memory_space<hbm>>) target(%dma_start3A_93 : memref<80xi32, #tpu.memory_space<vmem>>) target_semaphore(%arg15 : memref<!tpu.dma_semaphore, #tpu.memory_space<semaphore_mem>>)
    %add3A_96 = arith.constant 400 : i32
    %add3A_97 = arith.addi %add3A_8, %add3A_96 : i32
    %dma_start3A_98 = arith.constant 1 : i32
    %dma_start3A_99 = arith.constant 0 : i32
    %dma_start3A_100 = arith.constant 5 : i32
    %dma_start3A_101 = arith.constant 0 : i32
    %dma_start3A_102 = tpu.memref_slice %arg9[%dma_start3A_99, %dma_start3A_100, %dma_start3A_101] : memref<2x25x80xi32, #tpu.memory_space<vmem>> -> memref<1x1x80xi32, #tpu.memory_space<vmem>>
    %dma_start3A_103 = tpu.memref_squeeze %dma_start3A_102 : memref<1x1x80xi32, #tpu.memory_space<vmem>> -> memref<80xi32, #tpu.memory_space<vmem>>
    %dma_start3A_104 = tpu.memref_slice %arg3[%dma_start3A_98, %add3A_97] : memref<2x320000xi32, #tpu.memory_space<hbm>> -> memref<1x80xi32, #tpu.memory_space<hbm>>
    %dma_start3A_105 = tpu.memref_squeeze %dma_start3A_104 : memref<1x80xi32, #tpu.memory_space<hbm>> -> memref<80xi32, #tpu.memory_space<hbm>>
    %dma_start3A_106 = arith.constant 0 : i32
    %dma_start3A_107 = tpu.memref_slice %arg9[%dma_start3A_99, %dma_start3A_100, %dma_start3A_106] : memref<2x25x80xi32, #tpu.memory_space<vmem>> -> memref<1x1x80xi32, #tpu.memory_space<vmem>>
    %dma_start3A_108 = tpu.memref_squeeze %dma_start3A_107 : memref<1x1x80xi32, #tpu.memory_space<vmem>> -> memref<80xi32, #tpu.memory_space<vmem>>
    %dma_start3A_109 = tpu.memref_slice %arg3[%dma_start3A_98, %add3A_97] : memref<2x320000xi32, #tpu.memory_space<hbm>> -> memref<1x80xi32, #tpu.memory_space<hbm>>
    %dma_start3A_110 = tpu.memref_squeeze %dma_start3A_109 : memref<1x80xi32, #tpu.memory_space<hbm>> -> memref<80xi32, #tpu.memory_space<hbm>>
    tpu.enqueue_dma source(%dma_start3A_110 : memref<80xi32, #tpu.memory_space<hbm>>) target(%dma_start3A_108 : memref<80xi32, #tpu.memory_space<vmem>>) target_semaphore(%arg15 : memref<!tpu.dma_semaphore, #tpu.memory_space<semaphore_mem>>)
    %add3A_111 = arith.constant 480 : i32
    %add3A_112 = arith.addi %add3A_8, %add3A_111 : i32
    %dma_start3A_113 = arith.constant 1 : i32
    %dma_start3A_114 = arith.constant 0 : i32
    %dma_start3A_115 = arith.constant 6 : i32
    %dma_start3A_116 = arith.constant 0 : i32
    %dma_start3A_117 = tpu.memref_slice %arg9[%dma_start3A_114, %dma_start3A_115, %dma_start3A_116] : memref<2x25x80xi32, #tpu.memory_space<vmem>> -> memref<1x1x80xi32, #tpu.memory_space<vmem>>
    %dma_start3A_118 = tpu.memref_squeeze %dma_start3A_117 : memref<1x1x80xi32, #tpu.memory_space<vmem>> -> memref<80xi32, #tpu.memory_space<vmem>>
    %dma_start3A_119 = tpu.memref_slice %arg3[%dma_start3A_113, %add3A_112] : memref<2x320000xi32, #tpu.memory_space<hbm>> -> memref<1x80xi32, #tpu.memory_space<hbm>>
    %dma_start3A_120 = tpu.memref_squeeze %dma_start3A_119 : memref<1x80xi32, #tpu.memory_space<hbm>> -> memref<80xi32, #tpu.memory_space<hbm>>
    %dma_start3A_121 = arith.constant 0 : i32
    %dma_start3A_122 = tpu.memref_slice %arg9[%dma_start3A_114, %dma_start3A_115, %dma_start3A_121] : memref<2x25x80xi32, #tpu.memory_space<vmem>> -> memref<1x1x80xi32, #tpu.memory_space<vmem>>
    %dma_start3A_123 = tpu.memref_squeeze %dma_start3A_122 : memref<1x1x80xi32, #tpu.memory_space<vmem>> -> memref<80xi32, #tpu.memory_space<vmem>>
    %dma_start3A_124 = tpu.memref_slice %arg3[%dma_start3A_113, %add3A_112] : memref<2x320000xi32, #tpu.memory_space<hbm>> -> memref<1x80xi32, #tpu.memory_space<hbm>>
    %dma_start3A_125 = tpu.memref_squeeze %dma_start3A_124 : memref<1x80xi32, #tpu.memory_space<hbm>> -> memref<80xi32, #tpu.memory_space<hbm>>
    tpu.enqueue_dma source(%dma_start3A_125 : memref<80xi32, #tpu.memory_space<hbm>>) target(%dma_start3A_123 : memref<80xi32, #tpu.memory_space<vmem>>) target_semaphore(%arg15 : memref<!tpu.dma_semaphore, #tpu.memory_space<semaphore_mem>>)
    %add3A_126 = arith.constant 560 : i32
    %add3A_127 = arith.addi %add3A_8, %add3A_126 : i32
    %dma_start3A_128 = arith.constant 1 : i32
    %dma_start3A_129 = arith.constant 0 : i32
    %dma_start3A_130 = arith.constant 7 : i32
    %dma_start3A_131 = arith.constant 0 : i32
    %dma_start3A_132 = tpu.memref_slice %arg9[%dma_start3A_129, %dma_start3A_130, %dma_start3A_131] : memref<2x25x80xi32, #tpu.memory_space<vmem>> -> memref<1x1x80xi32, #tpu.memory_space<vmem>>
    %dma_start3A_133 = tpu.memref_squeeze %dma_start3A_132 : memref<1x1x80xi32, #tpu.memory_space<vmem>> -> memref<80xi32, #tpu.memory_space<vmem>>
    %dma_start3A_134 = tpu.memref_slice %arg3[%dma_start3A_128, %add3A_127] : memref<2x320000xi32, #tpu.memory_space<hbm>> -> memref<1x80xi32, #tpu.memory_space<hbm>>
    %dma_start3A_135 = tpu.memref_squeeze %dma_start3A_134 : memref<1x80xi32, #tpu.memory_space<hbm>> -> memref<80xi32, #tpu.memory_space<hbm>>
    %dma_start3A_136 = arith.constant 0 : i32
    %dma_start3A_137 = tpu.memref_slice %arg9[%dma_start3A_129, %dma_start3A_130, %dma_start3A_136] : memref<2x25x80xi32, #tpu.memory_space<vmem>> -> memref<1x1x80xi32, #tpu.memory_space<vmem>>
    %dma_start3A_138 = tpu.memref_squeeze %dma_start3A_137 : memref<1x1x80xi32, #tpu.memory_space<vmem>> -> memref<80xi32, #tpu.memory_space<vmem>>
    %dma_start3A_139 = tpu.memref_slice %arg3[%dma_start3A_128, %add3A_127] : memref<2x320000xi32, #tpu.memory_space<hbm>> -> memref<1x80xi32, #tpu.memory_space<hbm>>
    %dma_start3A_140 = tpu.memref_squeeze %dma_start3A_139 : memref<1x80xi32, #tpu.memory_space<hbm>> -> memref<80xi32, #tpu.memory_space<hbm>>
    tpu.enqueue_dma source(%dma_start3A_140 : memref<80xi32, #tpu.memory_space<hbm>>) target(%dma_start3A_138 : memref<80xi32, #tpu.memory_space<vmem>>) target_semaphore(%arg15 : memref<!tpu.dma_semaphore, #tpu.memory_space<semaphore_mem>>)
    %add3A_141 = arith.constant 640 : i32
    %add3A_142 = arith.addi %add3A_8, %add3A_141 : i32
    %dma_start3A_143 = arith.constant 1 : i32
    %dma_start3A_144 = arith.constant 0 : i32
    %dma_start3A_145 = arith.constant 8 : i32
    %dma_start3A_146 = arith.constant 0 : i32
    %dma_start3A_147 = tpu.memref_slice %arg9[%dma_start3A_144, %dma_start3A_145, %dma_start3A_146] : memref<2x25x80xi32, #tpu.memory_space<vmem>> -> memref<1x1x80xi32, #tpu.memory_space<vmem>>
    %dma_start3A_148 = tpu.memref_squeeze %dma_start3A_147 : memref<1x1x80xi32, #tpu.memory_space<vmem>> -> memref<80xi32, #tpu.memory_space<vmem>>
    %dma_start3A_149 = tpu.memref_slice %arg3[%dma_start3A_143, %add3A_142] : memref<2x320000xi32, #tpu.memory_space<hbm>> -> memref<1x80xi32, #tpu.memory_space<hbm>>
    %dma_start3A_150 = tpu.memref_squeeze %dma_start3A_149 : memref<1x80xi32, #tpu.memory_space<hbm>> -> memref<80xi32, #tpu.memory_space<hbm>>
    %dma_start3A_151 = arith.constant 0 : i32
    %dma_start3A_152 = tpu.memref_slice %arg9[%dma_start3A_144, %dma_start3A_145, %dma_start3A_151] : memref<2x25x80xi32, #tpu.memory_space<vmem>> -> memref<1x1x80xi32, #tpu.memory_space<vmem>>
    %dma_start3A_153 = tpu.memref_squeeze %dma_start3A_152 : memref<1x1x80xi32, #tpu.memory_space<vmem>> -> memref<80xi32, #tpu.memory_space<vmem>>
    %dma_start3A_154 = tpu.memref_slice %arg3[%dma_start3A_143, %add3A_142] : memref<2x320000xi32, #tpu.memory_space<hbm>> -> memref<1x80xi32, #tpu.memory_space<hbm>>
    %dma_start3A_155 = tpu.memref_squeeze %dma_start3A_154 : memref<1x80xi32, #tpu.memory_space<hbm>> -> memref<80xi32, #tpu.memory_space<hbm>>
    tpu.enqueue_dma source(%dma_start3A_155 : memref<80xi32, #tpu.memory_space<hbm>>) target(%dma_start3A_153 : memref<80xi32, #tpu.memory_space<vmem>>) target_semaphore(%arg15 : memref<!tpu.dma_semaphore, #tpu.memory_space<semaphore_mem>>)
    %add3A_156 = arith.constant 720 : i32
    %add3A_157 = arith.addi %add3A_8, %add3A_156 : i32
    %dma_start3A_158 = arith.constant 1 : i32
    %dma_start3A_159 = arith.constant 0 : i32
    %dma_start3A_160 = arith.constant 9 : i32
    %dma_start3A_161 = arith.constant 0 : i32
    %dma_start3A_162 = tpu.memref_slice %arg9[%dma_start3A_159, %dma_start3A_160, %dma_start3A_161] : memref<2x25x80xi32, #tpu.memory_space<vmem>> -> memref<1x1x80xi32, #tpu.memory_space<vmem>>
    %dma_start3A_163 = tpu.memref_squeeze %dma_start3A_162 : memref<1x1x80xi32, #tpu.memory_space<vmem>> -> memref<80xi32, #tpu.memory_space<vmem>>
    %dma_start3A_164 = tpu.memref_slice %arg3[%dma_start3A_158, %add3A_157] : memref<2x320000xi32, #tpu.memory_space<hbm>> -> memref<1x80xi32, #tpu.memory_space<hbm>>
    %dma_start3A_165 = tpu.memref_squeeze %dma_start3A_164 : memref<1x80xi32, #tpu.memory_space<hbm>> -> memref<80xi32, #tpu.memory_space<hbm>>
    %dma_start3A_166 = arith.constant 0 : i32
    %dma_start3A_167 = tpu.memref_slice %arg9[%dma_start3A_159, %dma_start3A_160, %dma_start3A_166] : memref<2x25x80xi32, #tpu.memory_space<vmem>> -> memref<1x1x80xi32, #tpu.memory_space<vmem>>
    %dma_start3A_168 = tpu.memref_squeeze %dma_start3A_167 : memref<1x1x80xi32, #tpu.memory_space<vmem>> -> memref<80xi32, #tpu.memory_space<vmem>>
    %dma_start3A_169 = tpu.memref_slice %arg3[%dma_start3A_158, %add3A_157] : memref<2x320000xi32, #tpu.memory_space<hbm>> -> memref<1x80xi32, #tpu.memory_space<hbm>>
    %dma_start3A_170 = tpu.memref_squeeze %dma_start3A_169 : memref<1x80xi32, #tpu.memory_space<hbm>> -> memref<80xi32, #tpu.memory_space<hbm>>
    tpu.enqueue_dma source(%dma_start3A_170 : memref<80xi32, #tpu.memory_space<hbm>>) target(%dma_start3A_168 : memref<80xi32, #tpu.memory_space<vmem>>) target_semaphore(%arg15 : memref<!tpu.dma_semaphore, #tpu.memory_space<semaphore_mem>>)
    %add3A_171 = arith.constant 800 : i32
    %add3A_172 = arith.addi %add3A_8, %add3A_171 : i32
    %dma_start3A_173 = arith.constant 1 : i32
    %dma_start3A_174 = arith.constant 0 : i32
    %dma_start3A_175 = arith.constant 10 : i32
    %dma_start3A_176 = arith.constant 0 : i32
    %dma_start3A_177 = tpu.memref_slice %arg9[%dma_start3A_174, %dma_start3A_175, %dma_start3A_176] : memref<2x25x80xi32, #tpu.memory_space<vmem>> -> memref<1x1x80xi32, #tpu.memory_space<vmem>>
    %dma_start3A_178 = tpu.memref_squeeze %dma_start3A_177 : memref<1x1x80xi32, #tpu.memory_space<vmem>> -> memref<80xi32, #tpu.memory_space<vmem>>
    %dma_start3A_179 = tpu.memref_slice %arg3[%dma_start3A_173, %add3A_172] : memref<2x320000xi32, #tpu.memory_space<hbm>> -> memref<1x80xi32, #tpu.memory_space<hbm>>
    %dma_start3A_180 = tpu.memref_squeeze %dma_start3A_179 : memref<1x80xi32, #tpu.memory_space<hbm>> -> memref<80xi32, #tpu.memory_space<hbm>>
    %dma_start3A_181 = arith.constant 0 : i32
    %dma_start3A_182 = tpu.memref_slice %arg9[%dma_start3A_174, %dma_start3A_175, %dma_start3A_181] : memref<2x25x80xi32, #tpu.memory_space<vmem>> -> memref<1x1x80xi32, #tpu.memory_space<vmem>>
    %dma_start3A_183 = tpu.memref_squeeze %dma_start3A_182 : memref<1x1x80xi32, #tpu.memory_space<vmem>> -> memref<80xi32, #tpu.memory_space<vmem>>
    %dma_start3A_184 = tpu.memref_slice %arg3[%dma_start3A_173, %add3A_172] : memref<2x320000xi32, #tpu.memory_space<hbm>> -> memref<1x80xi32, #tpu.memory_space<hbm>>
    %dma_start3A_185 = tpu.memref_squeeze %dma_start3A_184 : memref<1x80xi32, #tpu.memory_space<hbm>> -> memref<80xi32, #tpu.memory_space<hbm>>
    tpu.enqueue_dma source(%dma_start3A_185 : memref<80xi32, #tpu.memory_space<hbm>>) target(%dma_start3A_183 : memref<80xi32, #tpu.memory_space<vmem>>) target_semaphore(%arg15 : memref<!tpu.dma_semaphore, #tpu.memory_space<semaphore_mem>>)
    %add3A_186 = arith.constant 880 : i32
    %add3A_187 = arith.addi %add3A_8, %add3A_186 : i32
    %dma_start3A_188 = arith.constant 1 : i32
    %dma_start3A_189 = arith.constant 0 : i32
    %dma_start3A_190 = arith.constant 11 : i32
    %dma_start3A_191 = arith.constant 0 : i32
    %dma_start3A_192 = tpu.memref_slice %arg9[%dma_start3A_189, %dma_start3A_190, %dma_start3A_191] : memref<2x25x80xi32, #tpu.memory_space<vmem>> -> memref<1x1x80xi32, #tpu.memory_space<vmem>>
    %dma_start3A_193 = tpu.memref_squeeze %dma_start3A_192 : memref<1x1x80xi32, #tpu.memory_space<vmem>> -> memref<80xi32, #tpu.memory_space<vmem>>
    %dma_start3A_194 = tpu.memref_slice %arg3[%dma_start3A_188, %add3A_187] : memref<2x320000xi32, #tpu.memory_space<hbm>> -> memref<1x80xi32, #tpu.memory_space<hbm>>
    %dma_start3A_195 = tpu.memref_squeeze %dma_start3A_194 : memref<1x80xi32, #tpu.memory_space<hbm>> -> memref<80xi32, #tpu.memory_space<hbm>>
    %dma_start3A_196 = arith.constant 0 : i32
    %dma_start3A_197 = tpu.memref_slice %arg9[%dma_start3A_189, %dma_start3A_190, %dma_start3A_196] : memref<2x25x80xi32, #tpu.memory_space<vmem>> -> memref<1x1x80xi32, #tpu.memory_space<vmem>>
    %dma_start3A_198 = tpu.memref_squeeze %dma_start3A_197 : memref<1x1x80xi32, #tpu.memory_space<vmem>> -> memref<80xi32, #tpu.memory_space<vmem>>
    %dma_start3A_199 = tpu.memref_slice %arg3[%dma_start3A_188, %add3A_187] : memref<2x320000xi32, #tpu.memory_space<hbm>> -> memref<1x80xi32, #tpu.memory_space<hbm>>
    %dma_start3A_200 = tpu.memref_squeeze %dma_start3A_199 : memref<1x80xi32, #tpu.memory_space<hbm>> -> memref<80xi32, #tpu.memory_space<hbm>>
    tpu.enqueue_dma source(%dma_start3A_200 : memref<80xi32, #tpu.memory_space<hbm>>) target(%dma_start3A_198 : memref<80xi32, #tpu.memory_space<vmem>>) target_semaphore(%arg15 : memref<!tpu.dma_semaphore, #tpu.memory_space<semaphore_mem>>)
    %add3A_201 = arith.constant 960 : i32
    %add3A_202 = arith.addi %add3A_8, %add3A_201 : i32
    %dma_start3A_203 = arith.constant 1 : i32
    %dma_start3A_204 = arith.constant 0 : i32
    %dma_start3A_205 = arith.constant 12 : i32
    %dma_start3A_206 = arith.constant 0 : i32
    %dma_start3A_207 = tpu.memref_slice %arg9[%dma_start3A_204, %dma_start3A_205, %dma_start3A_206] : memref<2x25x80xi32, #tpu.memory_space<vmem>> -> memref<1x1x80xi32, #tpu.memory_space<vmem>>
    %dma_start3A_208 = tpu.memref_squeeze %dma_start3A_207 : memref<1x1x80xi32, #tpu.memory_space<vmem>> -> memref<80xi32, #tpu.memory_space<vmem>>
    %dma_start3A_209 = tpu.memref_slice %arg3[%dma_start3A_203, %add3A_202] : memref<2x320000xi32, #tpu.memory_space<hbm>> -> memref<1x80xi32, #tpu.memory_space<hbm>>
    %dma_start3A_210 = tpu.memref_squeeze %dma_start3A_209 : memref<1x80xi32, #tpu.memory_space<hbm>> -> memref<80xi32, #tpu.memory_space<hbm>>
    %dma_start3A_211 = arith.constant 0 : i32
    %dma_start3A_212 = tpu.memref_slice %arg9[%dma_start3A_204, %dma_start3A_205, %dma_start3A_211] : memref<2x25x80xi32, #tpu.memory_space<vmem>> -> memref<1x1x80xi32, #tpu.memory_space<vmem>>
    %dma_start3A_213 = tpu.memref_squeeze %dma_start3A_212 : memref<1x1x80xi32, #tpu.memory_space<vmem>> -> memref<80xi32, #tpu.memory_space<vmem>>
    %dma_start3A_214 = tpu.memref_slice %arg3[%dma_start3A_203, %add3A_202] : memref<2x320000xi32, #tpu.memory_space<hbm>> -> memref<1x80xi32, #tpu.memory_space<hbm>>
    %dma_start3A_215 = tpu.memref_squeeze %dma_start3A_214 : memref<1x80xi32, #tpu.memory_space<hbm>> -> memref<80xi32, #tpu.memory_space<hbm>>
    tpu.enqueue_dma source(%dma_start3A_215 : memref<80xi32, #tpu.memory_space<hbm>>) target(%dma_start3A_213 : memref<80xi32, #tpu.memory_space<vmem>>) target_semaphore(%arg15 : memref<!tpu.dma_semaphore, #tpu.memory_space<semaphore_mem>>)
    %add3A_216 = arith.constant 1040 : i32
    %add3A_217 = arith.addi %add3A_8, %add3A_216 : i32
    %dma_start3A_218 = arith.constant 1 : i32
    %dma_start3A_219 = arith.constant 0 : i32
    %dma_start3A_220 = arith.constant 13 : i32
    %dma_start3A_221 = arith.constant 0 : i32
    %dma_start3A_222 = tpu.memref_slice %arg9[%dma_start3A_219, %dma_start3A_220, %dma_start3A_221] : memref<2x25x80xi32, #tpu.memory_space<vmem>> -> memref<1x1x80xi32, #tpu.memory_space<vmem>>
    %dma_start3A_223 = tpu.memref_squeeze %dma_start3A_222 : memref<1x1x80xi32, #tpu.memory_space<vmem>> -> memref<80xi32, #tpu.memory_space<vmem>>
    %dma_start3A_224 = tpu.memref_slice %arg3[%dma_start3A_218, %add3A_217] : memref<2x320000xi32, #tpu.memory_space<hbm>> -> memref<1x80xi32, #tpu.memory_space<hbm>>
    %dma_start3A_225 = tpu.memref_squeeze %dma_start3A_224 : memref<1x80xi32, #tpu.memory_space<hbm>> -> memref<80xi32, #tpu.memory_space<hbm>>
    %dma_start3A_226 = arith.constant 0 : i32
    %dma_start3A_227 = tpu.memref_slice %arg9[%dma_start3A_219, %dma_start3A_220, %dma_start3A_226] : memref<2x25x80xi32, #tpu.memory_space<vmem>> -> memref<1x1x80xi32, #tpu.memory_space<vmem>>
    %dma_start3A_228 = tpu.memref_squeeze %dma_start3A_227 : memref<1x1x80xi32, #tpu.memory_space<vmem>> -> memref<80xi32, #tpu.memory_space<vmem>>
    %dma_start3A_229 = tpu.memref_slice %arg3[%dma_start3A_218, %add3A_217] : memref<2x320000xi32, #tpu.memory_space<hbm>> -> memref<1x80xi32, #tpu.memory_space<hbm>>
    %dma_start3A_230 = tpu.memref_squeeze %dma_start3A_229 : memref<1x80xi32, #tpu.memory_space<hbm>> -> memref<80xi32, #tpu.memory_space<hbm>>
    tpu.enqueue_dma source(%dma_start3A_230 : memref<80xi32, #tpu.memory_space<hbm>>) target(%dma_start3A_228 : memref<80xi32, #tpu.memory_space<vmem>>) target_semaphore(%arg15 : memref<!tpu.dma_semaphore, #tpu.memory_space<semaphore_mem>>)
    %add3A_231 = arith.constant 1120 : i32
    %add3A_232 = arith.addi %add3A_8, %add3A_231 : i32
    %dma_start3A_233 = arith.constant 1 : i32
    %dma_start3A_234 = arith.constant 0 : i32
    %dma_start3A_235 = arith.constant 14 : i32
    %dma_start3A_236 = arith.constant 0 : i32
    %dma_start3A_237 = tpu.memref_slice %arg9[%dma_start3A_234, %dma_start3A_235, %dma_start3A_236] : memref<2x25x80xi32, #tpu.memory_space<vmem>> -> memref<1x1x80xi32, #tpu.memory_space<vmem>>
    %dma_start3A_238 = tpu.memref_squeeze %dma_start3A_237 : memref<1x1x80xi32, #tpu.memory_space<vmem>> -> memref<80xi32, #tpu.memory_space<vmem>>
    %dma_start3A_239 = tpu.memref_slice %arg3[%dma_start3A_233, %add3A_232] : memref<2x320000xi32, #tpu.memory_space<hbm>> -> memref<1x80xi32, #tpu.memory_space<hbm>>
    %dma_start3A_240 = tpu.memref_squeeze %dma_start3A_239 : memref<1x80xi32, #tpu.memory_space<hbm>> -> memref<80xi32, #tpu.memory_space<hbm>>
    %dma_start3A_241 = arith.constant 0 : i32
    %dma_start3A_242 = tpu.memref_slice %arg9[%dma_start3A_234, %dma_start3A_235, %dma_start3A_241] : memref<2x25x80xi32, #tpu.memory_space<vmem>> -> memref<1x1x80xi32, #tpu.memory_space<vmem>>
    %dma_start3A_243 = tpu.memref_squeeze %dma_start3A_242 : memref<1x1x80xi32, #tpu.memory_space<vmem>> -> memref<80xi32, #tpu.memory_space<vmem>>
    %dma_start3A_244 = tpu.memref_slice %arg3[%dma_start3A_233, %add3A_232] : memref<2x320000xi32, #tpu.memory_space<hbm>> -> memref<1x80xi32, #tpu.memory_space<hbm>>
    %dma_start3A_245 = tpu.memref_squeeze %dma_start3A_244 : memref<1x80xi32, #tpu.memory_space<hbm>> -> memref<80xi32, #tpu.memory_space<hbm>>
    tpu.enqueue_dma source(%dma_start3A_245 : memref<80xi32, #tpu.memory_space<hbm>>) target(%dma_start3A_243 : memref<80xi32, #tpu.memory_space<vmem>>) target_semaphore(%arg15 : memref<!tpu.dma_semaphore, #tpu.memory_space<semaphore_mem>>)
    %add3A_246 = arith.constant 1200 : i32
    %add3A_247 = arith.addi %add3A_8, %add3A_246 : i32
    %dma_start3A_248 = arith.constant 1 : i32
    %dma_start3A_249 = arith.constant 0 : i32
    %dma_start3A_250 = arith.constant 15 : i32
    %dma_start3A_251 = arith.constant 0 : i32
    %dma_start3A_252 = tpu.memref_slice %arg9[%dma_start3A_249, %dma_start3A_250, %dma_start3A_251] : memref<2x25x80xi32, #tpu.memory_space<vmem>> -> memref<1x1x80xi32, #tpu.memory_space<vmem>>
    %dma_start3A_253 = tpu.memref_squeeze %dma_start3A_252 : memref<1x1x80xi32, #tpu.memory_space<vmem>> -> memref<80xi32, #tpu.memory_space<vmem>>
    %dma_start3A_254 = tpu.memref_slice %arg3[%dma_start3A_248, %add3A_247] : memref<2x320000xi32, #tpu.memory_space<hbm>> -> memref<1x80xi32, #tpu.memory_space<hbm>>
    %dma_start3A_255 = tpu.memref_squeeze %dma_start3A_254 : memref<1x80xi32, #tpu.memory_space<hbm>> -> memref<80xi32, #tpu.memory_space<hbm>>
    %dma_start3A_256 = arith.constant 0 : i32
    %dma_start3A_257 = tpu.memref_slice %arg9[%dma_start3A_249, %dma_start3A_250, %dma_start3A_256] : memref<2x25x80xi32, #tpu.memory_space<vmem>> -> memref<1x1x80xi32, #tpu.memory_space<vmem>>
    %dma_start3A_258 = tpu.memref_squeeze %dma_start3A_257 : memref<1x1x80xi32, #tpu.memory_space<vmem>> -> memref<80xi32, #tpu.memory_space<vmem>>
    %dma_start3A_259 = tpu.memref_slice %arg3[%dma_start3A_248, %add3A_247] : memref<2x320000xi32, #tpu.memory_space<hbm>> -> memref<1x80xi32, #tpu.memory_space<hbm>>
    %dma_start3A_260 = tpu.memref_squeeze %dma_start3A_259 : memref<1x80xi32, #tpu.memory_space<hbm>> -> memref<80xi32, #tpu.memory_space<hbm>>
    tpu.enqueue_dma source(%dma_start3A_260 : memref<80xi32, #tpu.memory_space<hbm>>) target(%dma_start3A_258 : memref<80xi32, #tpu.memory_space<vmem>>) target_semaphore(%arg15 : memref<!tpu.dma_semaphore, #tpu.memory_space<semaphore_mem>>)
    %add3A_261 = arith.constant 1280 : i32
    %add3A_262 = arith.addi %add3A_8, %add3A_261 : i32
    %dma_start3A_263 = arith.constant 1 : i32
    %dma_start3A_264 = arith.constant 0 : i32
    %dma_start3A_265 = arith.constant 16 : i32
    %dma_start3A_266 = arith.constant 0 : i32
    %dma_start3A_267 = tpu.memref_slice %arg9[%dma_start3A_264, %dma_start3A_265, %dma_start3A_266] : memref<2x25x80xi32, #tpu.memory_space<vmem>> -> memref<1x1x80xi32, #tpu.memory_space<vmem>>
    %dma_start3A_268 = tpu.memref_squeeze %dma_start3A_267 : memref<1x1x80xi32, #tpu.memory_space<vmem>> -> memref<80xi32, #tpu.memory_space<vmem>>
    %dma_start3A_269 = tpu.memref_slice %arg3[%dma_start3A_263, %add3A_262] : memref<2x320000xi32, #tpu.memory_space<hbm>> -> memref<1x80xi32, #tpu.memory_space<hbm>>
    %dma_start3A_270 = tpu.memref_squeeze %dma_start3A_269 : memref<1x80xi32, #tpu.memory_space<hbm>> -> memref<80xi32, #tpu.memory_space<hbm>>
    %dma_start3A_271 = arith.constant 0 : i32
    %dma_start3A_272 = tpu.memref_slice %arg9[%dma_start3A_264, %dma_start3A_265, %dma_start3A_271] : memref<2x25x80xi32, #tpu.memory_space<vmem>> -> memref<1x1x80xi32, #tpu.memory_space<vmem>>
    %dma_start3A_273 = tpu.memref_squeeze %dma_start3A_272 : memref<1x1x80xi32, #tpu.memory_space<vmem>> -> memref<80xi32, #tpu.memory_space<vmem>>
    %dma_start3A_274 = tpu.memref_slice %arg3[%dma_start3A_263, %add3A_262] : memref<2x320000xi32, #tpu.memory_space<hbm>> -> memref<1x80xi32, #tpu.memory_space<hbm>>
    %dma_start3A_275 = tpu.memref_squeeze %dma_start3A_274 : memref<1x80xi32, #tpu.memory_space<hbm>> -> memref<80xi32, #tpu.memory_space<hbm>>
    tpu.enqueue_dma source(%dma_start3A_275 : memref<80xi32, #tpu.memory_space<hbm>>) target(%dma_start3A_273 : memref<80xi32, #tpu.memory_space<vmem>>) target_semaphore(%arg15 : memref<!tpu.dma_semaphore, #tpu.memory_space<semaphore_mem>>)
    %add3A_276 = arith.constant 1360 : i32
    %add3A_277 = arith.addi %add3A_8, %add3A_276 : i32
    %dma_start3A_278 = arith.constant 1 : i32
    %dma_start3A_279 = arith.constant 0 : i32
    %dma_start3A_280 = arith.constant 17 : i32
    %dma_start3A_281 = arith.constant 0 : i32
    %dma_start3A_282 = tpu.memref_slice %arg9[%dma_start3A_279, %dma_start3A_280, %dma_start3A_281] : memref<2x25x80xi32, #tpu.memory_space<vmem>> -> memref<1x1x80xi32, #tpu.memory_space<vmem>>
    %dma_start3A_283 = tpu.memref_squeeze %dma_start3A_282 : memref<1x1x80xi32, #tpu.memory_space<vmem>> -> memref<80xi32, #tpu.memory_space<vmem>>
    %dma_start3A_284 = tpu.memref_slice %arg3[%dma_start3A_278, %add3A_277] : memref<2x320000xi32, #tpu.memory_space<hbm>> -> memref<1x80xi32, #tpu.memory_space<hbm>>
    %dma_start3A_285 = tpu.memref_squeeze %dma_start3A_284 : memref<1x80xi32, #tpu.memory_space<hbm>> -> memref<80xi32, #tpu.memory_space<hbm>>
    %dma_start3A_286 = arith.constant 0 : i32
    %dma_start3A_287 = tpu.memref_slice %arg9[%dma_start3A_279, %dma_start3A_280, %dma_start3A_286] : memref<2x25x80xi32, #tpu.memory_space<vmem>> -> memref<1x1x80xi32, #tpu.memory_space<vmem>>
    %dma_start3A_288 = tpu.memref_squeeze %dma_start3A_287 : memref<1x1x80xi32, #tpu.memory_space<vmem>> -> memref<80xi32, #tpu.memory_space<vmem>>
    %dma_start3A_289 = tpu.memref_slice %arg3[%dma_start3A_278, %add3A_277] : memref<2x320000xi32, #tpu.memory_space<hbm>> -> memref<1x80xi32, #tpu.memory_space<hbm>>
    %dma_start3A_290 = tpu.memref_squeeze %dma_start3A_289 : memref<1x80xi32, #tpu.memory_space<hbm>> -> memref<80xi32, #tpu.memory_space<hbm>>
    tpu.enqueue_dma source(%dma_start3A_290 : memref<80xi32, #tpu.memory_space<hbm>>) target(%dma_start3A_288 : memref<80xi32, #tpu.memory_space<vmem>>) target_semaphore(%arg15 : memref<!tpu.dma_semaphore, #tpu.memory_space<semaphore_mem>>)
    %add3A_291 = arith.constant 1440 : i32
    %add3A_292 = arith.addi %add3A_8, %add3A_291 : i32
    %dma_start3A_293 = arith.constant 1 : i32
    %dma_start3A_294 = arith.constant 0 : i32
    %dma_start3A_295 = arith.constant 18 : i32
    %dma_start3A_296 = arith.constant 0 : i32
    %dma_start3A_297 = tpu.memref_slice %arg9[%dma_start3A_294, %dma_start3A_295, %dma_start3A_296] : memref<2x25x80xi32, #tpu.memory_space<vmem>> -> memref<1x1x80xi32, #tpu.memory_space<vmem>>
    %dma_start3A_298 = tpu.memref_squeeze %dma_start3A_297 : memref<1x1x80xi32, #tpu.memory_space<vmem>> -> memref<80xi32, #tpu.memory_space<vmem>>
    %dma_start3A_299 = tpu.memref_slice %arg3[%dma_start3A_293, %add3A_292] : memref<2x320000xi32, #tpu.memory_space<hbm>> -> memref<1x80xi32, #tpu.memory_space<hbm>>
    %dma_start3A_300 = tpu.memref_squeeze %dma_start3A_299 : memref<1x80xi32, #tpu.memory_space<hbm>> -> memref<80xi32, #tpu.memory_space<hbm>>
    %dma_start3A_301 = arith.constant 0 : i32
    %dma_start3A_302 = tpu.memref_slice %arg9[%dma_start3A_294, %dma_start3A_295, %dma_start3A_301] : memref<2x25x80xi32, #tpu.memory_space<vmem>> -> memref<1x1x80xi32, #tpu.memory_space<vmem>>
    %dma_start3A_303 = tpu.memref_squeeze %dma_start3A_302 : memref<1x1x80xi32, #tpu.memory_space<vmem>> -> memref<80xi32, #tpu.memory_space<vmem>>
    %dma_start3A_304 = tpu.memref_slice %arg3[%dma_start3A_293, %add3A_292] : memref<2x320000xi32, #tpu.memory_space<hbm>> -> memref<1x80xi32, #tpu.memory_space<hbm>>
    %dma_start3A_305 = tpu.memref_squeeze %dma_start3A_304 : memref<1x80xi32, #tpu.memory_space<hbm>> -> memref<80xi32, #tpu.memory_space<hbm>>
    tpu.enqueue_dma source(%dma_start3A_305 : memref<80xi32, #tpu.memory_space<hbm>>) target(%dma_start3A_303 : memref<80xi32, #tpu.memory_space<vmem>>) target_semaphore(%arg15 : memref<!tpu.dma_semaphore, #tpu.memory_space<semaphore_mem>>)
    %add3A_306 = arith.constant 1520 : i32
    %add3A_307 = arith.addi %add3A_8, %add3A_306 : i32
    %dma_start3A_308 = arith.constant 1 : i32
    %dma_start3A_309 = arith.constant 0 : i32
    %dma_start3A_310 = arith.constant 19 : i32
    %dma_start3A_311 = arith.constant 0 : i32
    %dma_start3A_312 = tpu.memref_slice %arg9[%dma_start3A_309, %dma_start3A_310, %dma_start3A_311] : memref<2x25x80xi32, #tpu.memory_space<vmem>> -> memref<1x1x80xi32, #tpu.memory_space<vmem>>
    %dma_start3A_313 = tpu.memref_squeeze %dma_start3A_312 : memref<1x1x80xi32, #tpu.memory_space<vmem>> -> memref<80xi32, #tpu.memory_space<vmem>>
    %dma_start3A_314 = tpu.memref_slice %arg3[%dma_start3A_308, %add3A_307] : memref<2x320000xi32, #tpu.memory_space<hbm>> -> memref<1x80xi32, #tpu.memory_space<hbm>>
    %dma_start3A_315 = tpu.memref_squeeze %dma_start3A_314 : memref<1x80xi32, #tpu.memory_space<hbm>> -> memref<80xi32, #tpu.memory_space<hbm>>
    %dma_start3A_316 = arith.constant 0 : i32
    %dma_start3A_317 = tpu.memref_slice %arg9[%dma_start3A_309, %dma_start3A_310, %dma_start3A_316] : memref<2x25x80xi32, #tpu.memory_space<vmem>> -> memref<1x1x80xi32, #tpu.memory_space<vmem>>
    %dma_start3A_318 = tpu.memref_squeeze %dma_start3A_317 : memref<1x1x80xi32, #tpu.memory_space<vmem>> -> memref<80xi32, #tpu.memory_space<vmem>>
    %dma_start3A_319 = tpu.memref_slice %arg3[%dma_start3A_308, %add3A_307] : memref<2x320000xi32, #tpu.memory_space<hbm>> -> memref<1x80xi32, #tpu.memory_space<hbm>>
    %dma_start3A_320 = tpu.memref_squeeze %dma_start3A_319 : memref<1x80xi32, #tpu.memory_space<hbm>> -> memref<80xi32, #tpu.memory_space<hbm>>
    tpu.enqueue_dma source(%dma_start3A_320 : memref<80xi32, #tpu.memory_space<hbm>>) target(%dma_start3A_318 : memref<80xi32, #tpu.memory_space<vmem>>) target_semaphore(%arg15 : memref<!tpu.dma_semaphore, #tpu.memory_space<semaphore_mem>>)
    %add3A_321 = arith.constant 1600 : i32
    %add3A_322 = arith.addi %add3A_8, %add3A_321 : i32
    %dma_start3A_323 = arith.constant 1 : i32
    %dma_start3A_324 = arith.constant 0 : i32
    %dma_start3A_325 = arith.constant 20 : i32
    %dma_start3A_326 = arith.constant 0 : i32
    %dma_start3A_327 = tpu.memref_slice %arg9[%dma_start3A_324, %dma_start3A_325, %dma_start3A_326] : memref<2x25x80xi32, #tpu.memory_space<vmem>> -> memref<1x1x80xi32, #tpu.memory_space<vmem>>
    %dma_start3A_328 = tpu.memref_squeeze %dma_start3A_327 : memref<1x1x80xi32, #tpu.memory_space<vmem>> -> memref<80xi32, #tpu.memory_space<vmem>>
    %dma_start3A_329 = tpu.memref_slice %arg3[%dma_start3A_323, %add3A_322] : memref<2x320000xi32, #tpu.memory_space<hbm>> -> memref<1x80xi32, #tpu.memory_space<hbm>>
    %dma_start3A_330 = tpu.memref_squeeze %dma_start3A_329 : memref<1x80xi32, #tpu.memory_space<hbm>> -> memref<80xi32, #tpu.memory_space<hbm>>
    %dma_start3A_331 = arith.constant 0 : i32
    %dma_start3A_332 = tpu.memref_slice %arg9[%dma_start3A_324, %dma_start3A_325, %dma_start3A_331] : memref<2x25x80xi32, #tpu.memory_space<vmem>> -> memref<1x1x80xi32, #tpu.memory_space<vmem>>
    %dma_start3A_333 = tpu.memref_squeeze %dma_start3A_332 : memref<1x1x80xi32, #tpu.memory_space<vmem>> -> memref<80xi32, #tpu.memory_space<vmem>>
    %dma_start3A_334 = tpu.memref_slice %arg3[%dma_start3A_323, %add3A_322] : memref<2x320000xi32, #tpu.memory_space<hbm>> -> memref<1x80xi32, #tpu.memory_space<hbm>>
    %dma_start3A_335 = tpu.memref_squeeze %dma_start3A_334 : memref<1x80xi32, #tpu.memory_space<hbm>> -> memref<80xi32, #tpu.memory_space<hbm>>
    tpu.enqueue_dma source(%dma_start3A_335 : memref<80xi32, #tpu.memory_space<hbm>>) target(%dma_start3A_333 : memref<80xi32, #tpu.memory_space<vmem>>) target_semaphore(%arg15 : memref<!tpu.dma_semaphore, #tpu.memory_space<semaphore_mem>>)
    %add3A_336 = arith.constant 1680 : i32
    %add3A_337 = arith.addi %add3A_8, %add3A_336 : i32
    %dma_start3A_338 = arith.constant 1 : i32
    %dma_start3A_339 = arith.constant 0 : i32
    %dma_start3A_340 = arith.constant 21 : i32
    %dma_start3A_341 = arith.constant 0 : i32
    %dma_start3A_342 = tpu.memref_slice %arg9[%dma_start3A_339, %dma_start3A_340, %dma_start3A_341] : memref<2x25x80xi32, #tpu.memory_space<vmem>> -> memref<1x1x80xi32, #tpu.memory_space<vmem>>
    %dma_start3A_343 = tpu.memref_squeeze %dma_start3A_342 : memref<1x1x80xi32, #tpu.memory_space<vmem>> -> memref<80xi32, #tpu.memory_space<vmem>>
    %dma_start3A_344 = tpu.memref_slice %arg3[%dma_start3A_338, %add3A_337] : memref<2x320000xi32, #tpu.memory_space<hbm>> -> memref<1x80xi32, #tpu.memory_space<hbm>>
    %dma_start3A_345 = tpu.memref_squeeze %dma_start3A_344 : memref<1x80xi32, #tpu.memory_space<hbm>> -> memref<80xi32, #tpu.memory_space<hbm>>
    %dma_start3A_346 = arith.constant 0 : i32
    %dma_start3A_347 = tpu.memref_slice %arg9[%dma_start3A_339, %dma_start3A_340, %dma_start3A_346] : memref<2x25x80xi32, #tpu.memory_space<vmem>> -> memref<1x1x80xi32, #tpu.memory_space<vmem>>
    %dma_start3A_348 = tpu.memref_squeeze %dma_start3A_347 : memref<1x1x80xi32, #tpu.memory_space<vmem>> -> memref<80xi32, #tpu.memory_space<vmem>>
    %dma_start3A_349 = tpu.memref_slice %arg3[%dma_start3A_338, %add3A_337] : memref<2x320000xi32, #tpu.memory_space<hbm>> -> memref<1x80xi32, #tpu.memory_space<hbm>>
    %dma_start3A_350 = tpu.memref_squeeze %dma_start3A_349 : memref<1x80xi32, #tpu.memory_space<hbm>> -> memref<80xi32, #tpu.memory_space<hbm>>
    tpu.enqueue_dma source(%dma_start3A_350 : memref<80xi32, #tpu.memory_space<hbm>>) target(%dma_start3A_348 : memref<80xi32, #tpu.memory_space<vmem>>) target_semaphore(%arg15 : memref<!tpu.dma_semaphore, #tpu.memory_space<semaphore_mem>>)
    %add3A_351 = arith.constant 1760 : i32
    %add3A_352 = arith.addi %add3A_8, %add3A_351 : i32
    %dma_start3A_353 = arith.constant 1 : i32
    %dma_start3A_354 = arith.constant 0 : i32
    %dma_start3A_355 = arith.constant 22 : i32
    %dma_start3A_356 = arith.constant 0 : i32
    %dma_start3A_357 = tpu.memref_slice %arg9[%dma_start3A_354, %dma_start3A_355, %dma_start3A_356] : memref<2x25x80xi32, #tpu.memory_space<vmem>> -> memref<1x1x80xi32, #tpu.memory_space<vmem>>
    %dma_start3A_358 = tpu.memref_squeeze %dma_start3A_357 : memref<1x1x80xi32, #tpu.memory_space<vmem>> -> memref<80xi32, #tpu.memory_space<vmem>>
    %dma_start3A_359 = tpu.memref_slice %arg3[%dma_start3A_353, %add3A_352] : memref<2x320000xi32, #tpu.memory_space<hbm>> -> memref<1x80xi32, #tpu.memory_space<hbm>>
    %dma_start3A_360 = tpu.memref_squeeze %dma_start3A_359 : memref<1x80xi32, #tpu.memory_space<hbm>> -> memref<80xi32, #tpu.memory_space<hbm>>
    %dma_start3A_361 = arith.constant 0 : i32
    %dma_start3A_362 = tpu.memref_slice %arg9[%dma_start3A_354, %dma_start3A_355, %dma_start3A_361] : memref<2x25x80xi32, #tpu.memory_space<vmem>> -> memref<1x1x80xi32, #tpu.memory_space<vmem>>
    %dma_start3A_363 = tpu.memref_squeeze %dma_start3A_362 : memref<1x1x80xi32, #tpu.memory_space<vmem>> -> memref<80xi32, #tpu.memory_space<vmem>>
    %dma_start3A_364 = tpu.memref_slice %arg3[%dma_start3A_353, %add3A_352] : memref<2x320000xi32, #tpu.memory_space<hbm>> -> memref<1x80xi32, #tpu.memory_space<hbm>>
    %dma_start3A_365 = tpu.memref_squeeze %dma_start3A_364 : memref<1x80xi32, #tpu.memory_space<hbm>> -> memref<80xi32, #tpu.memory_space<hbm>>
    tpu.enqueue_dma source(%dma_start3A_365 : memref<80xi32, #tpu.memory_space<hbm>>) target(%dma_start3A_363 : memref<80xi32, #tpu.memory_space<vmem>>) target_semaphore(%arg15 : memref<!tpu.dma_semaphore, #tpu.memory_space<semaphore_mem>>)
    %add3A_366 = arith.constant 1840 : i32
    %add3A_367 = arith.addi %add3A_8, %add3A_366 : i32
    %dma_start3A_368 = arith.constant 1 : i32
    %dma_start3A_369 = arith.constant 0 : i32
    %dma_start3A_370 = arith.constant 23 : i32
    %dma_start3A_371 = arith.constant 0 : i32
    %dma_start3A_372 = tpu.memref_slice %arg9[%dma_start3A_369, %dma_start3A_370, %dma_start3A_371] : memref<2x25x80xi32, #tpu.memory_space<vmem>> -> memref<1x1x80xi32, #tpu.memory_space<vmem>>
    %dma_start3A_373 = tpu.memref_squeeze %dma_start3A_372 : memref<1x1x80xi32, #tpu.memory_space<vmem>> -> memref<80xi32, #tpu.memory_space<vmem>>
    %dma_start3A_374 = tpu.memref_slice %arg3[%dma_start3A_368, %add3A_367] : memref<2x320000xi32, #tpu.memory_space<hbm>> -> memref<1x80xi32, #tpu.memory_space<hbm>>
    %dma_start3A_375 = tpu.memref_squeeze %dma_start3A_374 : memref<1x80xi32, #tpu.memory_space<hbm>> -> memref<80xi32, #tpu.memory_space<hbm>>
    %dma_start3A_376 = arith.constant 0 : i32
    %dma_start3A_377 = tpu.memref_slice %arg9[%dma_start3A_369, %dma_start3A_370, %dma_start3A_376] : memref<2x25x80xi32, #tpu.memory_space<vmem>> -> memref<1x1x80xi32, #tpu.memory_space<vmem>>
    %dma_start3A_378 = tpu.memref_squeeze %dma_start3A_377 : memref<1x1x80xi32, #tpu.memory_space<vmem>> -> memref<80xi32, #tpu.memory_space<vmem>>
    %dma_start3A_379 = tpu.memref_slice %arg3[%dma_start3A_368, %add3A_367] : memref<2x320000xi32, #tpu.memory_space<hbm>> -> memref<1x80xi32, #tpu.memory_space<hbm>>
    %dma_start3A_380 = tpu.memref_squeeze %dma_start3A_379 : memref<1x80xi32, #tpu.memory_space<hbm>> -> memref<80xi32, #tpu.memory_space<hbm>>
    tpu.enqueue_dma source(%dma_start3A_380 : memref<80xi32, #tpu.memory_space<hbm>>) target(%dma_start3A_378 : memref<80xi32, #tpu.memory_space<vmem>>) target_semaphore(%arg15 : memref<!tpu.dma_semaphore, #tpu.memory_space<semaphore_mem>>)
    %add3A_381 = arith.constant 1920 : i32
    %add3A_382 = arith.addi %add3A_8, %add3A_381 : i32
    %dma_start3A_383 = arith.constant 1 : i32
    %dma_start3A_384 = arith.constant 0 : i32
    %dma_start3A_385 = arith.constant 24 : i32
    %dma_start3A_386 = arith.constant 0 : i32
    %dma_start3A_387 = tpu.memref_slice %arg9[%dma_start3A_384, %dma_start3A_385, %dma_start3A_386] : memref<2x25x80xi32, #tpu.memory_space<vmem>> -> memref<1x1x80xi32, #tpu.memory_space<vmem>>
    %dma_start3A_388 = tpu.memref_squeeze %dma_start3A_387 : memref<1x1x80xi32, #tpu.memory_space<vmem>> -> memref<80xi32, #tpu.memory_space<vmem>>
    %dma_start3A_389 = tpu.memref_slice %arg3[%dma_start3A_383, %add3A_382] : memref<2x320000xi32, #tpu.memory_space<hbm>> -> memref<1x80xi32, #tpu.memory_space<hbm>>
    %dma_start3A_390 = tpu.memref_squeeze %dma_start3A_389 : memref<1x80xi32, #tpu.memory_space<hbm>> -> memref<80xi32, #tpu.memory_space<hbm>>
    %dma_start3A_391 = arith.constant 0 : i32
    %dma_start3A_392 = tpu.memref_slice %arg9[%dma_start3A_384, %dma_start3A_385, %dma_start3A_391] : memref<2x25x80xi32, #tpu.memory_space<vmem>> -> memref<1x1x80xi32, #tpu.memory_space<vmem>>
    %dma_start3A_393 = tpu.memref_squeeze %dma_start3A_392 : memref<1x1x80xi32, #tpu.memory_space<vmem>> -> memref<80xi32, #tpu.memory_space<vmem>>
    %dma_start3A_394 = tpu.memref_slice %arg3[%dma_start3A_383, %add3A_382] : memref<2x320000xi32, #tpu.memory_space<hbm>> -> memref<1x80xi32, #tpu.memory_space<hbm>>
    %dma_start3A_395 = tpu.memref_squeeze %dma_start3A_394 : memref<1x80xi32, #tpu.memory_space<hbm>> -> memref<80xi32, #tpu.memory_space<hbm>>
    tpu.enqueue_dma source(%dma_start3A_395 : memref<80xi32, #tpu.memory_space<hbm>>) target(%dma_start3A_393 : memref<80xi32, #tpu.memory_space<vmem>>) target_semaphore(%arg15 : memref<!tpu.dma_semaphore, #tpu.memory_space<semaphore_mem>>)
    "tpu.region"() ({
      %run_scoped3A = tpu.sem_alloc : memref<!tpu.dma_semaphore, #tpu.memory_space<semaphore_mem>>
      tpu.enqueue_dma source(%arg5 : memref<10240xf32, #tpu.memory_space<hbm>>) target(%arg11 : memref<10240xf32, #tpu.memory_space<vmem>>) target_semaphore(%run_scoped3A : memref<!tpu.dma_semaphore, #tpu.memory_space<semaphore_mem>>)
      tpu.wait_dma2 semaphore(%run_scoped3A : memref<!tpu.dma_semaphore, #tpu.memory_space<semaphore_mem>>) src(%arg5 : memref<10240xf32, #tpu.memory_space<hbm>>) dst(%arg11 : memref<10240xf32, #tpu.memory_space<vmem>>)
      tpu.yield
    }) : () -> ()
    %mul3A_396 = arith.constant 632 : i32
    %mul3A_397 = arith.muli %arg1, %mul3A_396 : i32
    %dma_wait3A = arith.constant 0 : i32
    %dma_wait3A_398 = tpu.memref_slice %arg12[%mul3A_397, %dma_wait3A] : memref<10112x128xf32, #tpu.memory_space<vmem_shared>> -> memref<632x128xf32, #tpu.memory_space<vmem_shared>>
    tpu.wait_dma2 semaphore(%arg14 : memref<!tpu.dma_semaphore, #tpu.memory_space<semaphore_mem>>) src(%arg4 : memref<632x128xf32, #tpu.memory_space<hbm>>) dst(%dma_wait3A_398 : memref<632x128xf32, #tpu.memory_space<vmem_shared>>)
    %dma_wait3A_399 = arith.constant 0 : i32
    %dma_wait3A_400 = arith.constant 0 : i32
    %dma_wait3A_401 = arith.constant 0 : i32
    %dma_wait3A_402 = tpu.memref_slice %arg8[%dma_wait3A_400, %dma_wait3A_401] : memref<2x2000xi32, #tpu.memory_space<vmem>> -> memref<1x2000xi32, #tpu.memory_space<vmem>>
    %dma_wait3A_403 = tpu.memref_squeeze %dma_wait3A_402 : memref<1x2000xi32, #tpu.memory_space<vmem>> -> memref<2000xi32, #tpu.memory_space<vmem>>
    %dma_wait3A_404 = tpu.memref_slice %arg3[%dma_wait3A_399, %mul3A_2] : memref<2x320000xi32, #tpu.memory_space<hbm>> -> memref<1x2000xi32, #tpu.memory_space<hbm>>
    %dma_wait3A_405 = tpu.memref_squeeze %dma_wait3A_404 : memref<1x2000xi32, #tpu.memory_space<hbm>> -> memref<2000xi32, #tpu.memory_space<hbm>>
    %dma_wait3A_406 = arith.constant 0 : i32
    %dma_wait3A_407 = tpu.memref_slice %arg8[%dma_wait3A_400, %dma_wait3A_406] : memref<2x2000xi32, #tpu.memory_space<vmem>> -> memref<1x2000xi32, #tpu.memory_space<vmem>>
    %dma_wait3A_408 = tpu.memref_squeeze %dma_wait3A_407 : memref<1x2000xi32, #tpu.memory_space<vmem>> -> memref<2000xi32, #tpu.memory_space<vmem>>
    %dma_wait3A_409 = tpu.memref_slice %arg3[%dma_wait3A_399, %mul3A_2] : memref<2x320000xi32, #tpu.memory_space<hbm>> -> memref<1x2000xi32, #tpu.memory_space<hbm>>
    %dma_wait3A_410 = tpu.memref_squeeze %dma_wait3A_409 : memref<1x2000xi32, #tpu.memory_space<hbm>> -> memref<2000xi32, #tpu.memory_space<hbm>>
    tpu.wait_dma2 semaphore(%arg15 : memref<!tpu.dma_semaphore, #tpu.memory_space<semaphore_mem>>) src(%dma_wait3A_410 : memref<2000xi32, #tpu.memory_space<hbm>>) dst(%dma_wait3A_408 : memref<2000xi32, #tpu.memory_space<vmem>>)
    %dma_wait3A_411 = arith.constant 1 : i32
    %dma_wait3A_412 = arith.constant 0 : i32
    %dma_wait3A_413 = arith.constant 0 : i32
    %dma_wait3A_414 = arith.constant 0 : i32
    %dma_wait3A_415 = tpu.memref_slice %arg9[%dma_wait3A_412, %dma_wait3A_413, %dma_wait3A_414] : memref<2x25x80xi32, #tpu.memory_space<vmem>> -> memref<1x1x80xi32, #tpu.memory_space<vmem>>
    %dma_wait3A_416 = tpu.memref_squeeze %dma_wait3A_415 : memref<1x1x80xi32, #tpu.memory_space<vmem>> -> memref<80xi32, #tpu.memory_space<vmem>>
    %dma_wait3A_417 = tpu.memref_slice %arg3[%dma_wait3A_411, %mul3A_2] : memref<2x320000xi32, #tpu.memory_space<hbm>> -> memref<1x80xi32, #tpu.memory_space<hbm>>
    %dma_wait3A_418 = tpu.memref_squeeze %dma_wait3A_417 : memref<1x80xi32, #tpu.memory_space<hbm>> -> memref<80xi32, #tpu.memory_space<hbm>>
    %dma_wait3A_419 = arith.constant 0 : i32
    %dma_wait3A_420 = tpu.memref_slice %arg9[%dma_wait3A_412, %dma_wait3A_413, %dma_wait3A_419] : memref<2x25x80xi32, #tpu.memory_space<vmem>> -> memref<1x1x80xi32, #tpu.memory_space<vmem>>
    %dma_wait3A_421 = tpu.memref_squeeze %dma_wait3A_420 : memref<1x1x80xi32, #tpu.memory_space<vmem>> -> memref<80xi32, #tpu.memory_space<vmem>>
    %dma_wait3A_422 = tpu.memref_slice %arg3[%dma_wait3A_411, %mul3A_2] : memref<2x320000xi32, #tpu.memory_space<hbm>> -> memref<1x80xi32, #tpu.memory_space<hbm>>
    %dma_wait3A_423 = tpu.memref_squeeze %dma_wait3A_422 : memref<1x80xi32, #tpu.memory_space<hbm>> -> memref<80xi32, #tpu.memory_space<hbm>>
    tpu.wait_dma2 semaphore(%arg15 : memref<!tpu.dma_semaphore, #tpu.memory_space<semaphore_mem>>) src(%dma_wait3A_423 : memref<80xi32, #tpu.memory_space<hbm>>) dst(%dma_wait3A_421 : memref<80xi32, #tpu.memory_space<vmem>>)
    %dma_wait3A_424 = arith.constant 1 : i32
    %dma_wait3A_425 = arith.constant 0 : i32
    %dma_wait3A_426 = arith.constant 1 : i32
    %dma_wait3A_427 = arith.constant 0 : i32
    %dma_wait3A_428 = tpu.memref_slice %arg9[%dma_wait3A_425, %dma_wait3A_426, %dma_wait3A_427] : memref<2x25x80xi32, #tpu.memory_space<vmem>> -> memref<1x1x80xi32, #tpu.memory_space<vmem>>
    %dma_wait3A_429 = tpu.memref_squeeze %dma_wait3A_428 : memref<1x1x80xi32, #tpu.memory_space<vmem>> -> memref<80xi32, #tpu.memory_space<vmem>>
    %dma_wait3A_430 = tpu.memref_slice %arg3[%dma_wait3A_424, %mul3A_2] : memref<2x320000xi32, #tpu.memory_space<hbm>> -> memref<1x80xi32, #tpu.memory_space<hbm>>
    %dma_wait3A_431 = tpu.memref_squeeze %dma_wait3A_430 : memref<1x80xi32, #tpu.memory_space<hbm>> -> memref<80xi32, #tpu.memory_space<hbm>>
    %dma_wait3A_432 = arith.constant 0 : i32
    %dma_wait3A_433 = tpu.memref_slice %arg9[%dma_wait3A_425, %dma_wait3A_426, %dma_wait3A_432] : memref<2x25x80xi32, #tpu.memory_space<vmem>> -> memref<1x1x80xi32, #tpu.memory_space<vmem>>
    %dma_wait3A_434 = tpu.memref_squeeze %dma_wait3A_433 : memref<1x1x80xi32, #tpu.memory_space<vmem>> -> memref<80xi32, #tpu.memory_space<vmem>>
    %dma_wait3A_435 = tpu.memref_slice %arg3[%dma_wait3A_424, %mul3A_2] : memref<2x320000xi32, #tpu.memory_space<hbm>> -> memref<1x80xi32, #tpu.memory_space<hbm>>
    %dma_wait3A_436 = tpu.memref_squeeze %dma_wait3A_435 : memref<1x80xi32, #tpu.memory_space<hbm>> -> memref<80xi32, #tpu.memory_space<hbm>>
    tpu.wait_dma2 semaphore(%arg15 : memref<!tpu.dma_semaphore, #tpu.memory_space<semaphore_mem>>) src(%dma_wait3A_436 : memref<80xi32, #tpu.memory_space<hbm>>) dst(%dma_wait3A_434 : memref<80xi32, #tpu.memory_space<vmem>>)
    %dma_wait3A_437 = arith.constant 1 : i32
    %dma_wait3A_438 = arith.constant 0 : i32
    %dma_wait3A_439 = arith.constant 2 : i32
    %dma_wait3A_440 = arith.constant 0 : i32
    %dma_wait3A_441 = tpu.memref_slice %arg9[%dma_wait3A_438, %dma_wait3A_439, %dma_wait3A_440] : memref<2x25x80xi32, #tpu.memory_space<vmem>> -> memref<1x1x80xi32, #tpu.memory_space<vmem>>
    %dma_wait3A_442 = tpu.memref_squeeze %dma_wait3A_441 : memref<1x1x80xi32, #tpu.memory_space<vmem>> -> memref<80xi32, #tpu.memory_space<vmem>>
    %dma_wait3A_443 = tpu.memref_slice %arg3[%dma_wait3A_437, %mul3A_2] : memref<2x320000xi32, #tpu.memory_space<hbm>> -> memref<1x80xi32, #tpu.memory_space<hbm>>
    %dma_wait3A_444 = tpu.memref_squeeze %dma_wait3A_443 : memref<1x80xi32, #tpu.memory_space<hbm>> -> memref<80xi32, #tpu.memory_space<hbm>>
    %dma_wait3A_445 = arith.constant 0 : i32
    %dma_wait3A_446 = tpu.memref_slice %arg9[%dma_wait3A_438, %dma_wait3A_439, %dma_wait3A_445] : memref<2x25x80xi32, #tpu.memory_space<vmem>> -> memref<1x1x80xi32, #tpu.memory_space<vmem>>
    %dma_wait3A_447 = tpu.memref_squeeze %dma_wait3A_446 : memref<1x1x80xi32, #tpu.memory_space<vmem>> -> memref<80xi32, #tpu.memory_space<vmem>>
    %dma_wait3A_448 = tpu.memref_slice %arg3[%dma_wait3A_437, %mul3A_2] : memref<2x320000xi32, #tpu.memory_space<hbm>> -> memref<1x80xi32, #tpu.memory_space<hbm>>
    %dma_wait3A_449 = tpu.memref_squeeze %dma_wait3A_448 : memref<1x80xi32, #tpu.memory_space<hbm>> -> memref<80xi32, #tpu.memory_space<hbm>>
    tpu.wait_dma2 semaphore(%arg15 : memref<!tpu.dma_semaphore, #tpu.memory_space<semaphore_mem>>) src(%dma_wait3A_449 : memref<80xi32, #tpu.memory_space<hbm>>) dst(%dma_wait3A_447 : memref<80xi32, #tpu.memory_space<vmem>>)
    %dma_wait3A_450 = arith.constant 1 : i32
    %dma_wait3A_451 = arith.constant 0 : i32
    %dma_wait3A_452 = arith.constant 3 : i32
    %dma_wait3A_453 = arith.constant 0 : i32
    %dma_wait3A_454 = tpu.memref_slice %arg9[%dma_wait3A_451, %dma_wait3A_452, %dma_wait3A_453] : memref<2x25x80xi32, #tpu.memory_space<vmem>> -> memref<1x1x80xi32, #tpu.memory_space<vmem>>
    %dma_wait3A_455 = tpu.memref_squeeze %dma_wait3A_454 : memref<1x1x80xi32, #tpu.memory_space<vmem>> -> memref<80xi32, #tpu.memory_space<vmem>>
    %dma_wait3A_456 = tpu.memref_slice %arg3[%dma_wait3A_450, %mul3A_2] : memref<2x320000xi32, #tpu.memory_space<hbm>> -> memref<1x80xi32, #tpu.memory_space<hbm>>
    %dma_wait3A_457 = tpu.memref_squeeze %dma_wait3A_456 : memref<1x80xi32, #tpu.memory_space<hbm>> -> memref<80xi32, #tpu.memory_space<hbm>>
    %dma_wait3A_458 = arith.constant 0 : i32
    %dma_wait3A_459 = tpu.memref_slice %arg9[%dma_wait3A_451, %dma_wait3A_452, %dma_wait3A_458] : memref<2x25x80xi32, #tpu.memory_space<vmem>> -> memref<1x1x80xi32, #tpu.memory_space<vmem>>
    %dma_wait3A_460 = tpu.memref_squeeze %dma_wait3A_459 : memref<1x1x80xi32, #tpu.memory_space<vmem>> -> memref<80xi32, #tpu.memory_space<vmem>>
    %dma_wait3A_461 = tpu.memref_slice %arg3[%dma_wait3A_450, %mul3A_2] : memref<2x320000xi32, #tpu.memory_space<hbm>> -> memref<1x80xi32, #tpu.memory_space<hbm>>
    %dma_wait3A_462 = tpu.memref_squeeze %dma_wait3A_461 : memref<1x80xi32, #tpu.memory_space<hbm>> -> memref<80xi32, #tpu.memory_space<hbm>>
    tpu.wait_dma2 semaphore(%arg15 : memref<!tpu.dma_semaphore, #tpu.memory_space<semaphore_mem>>) src(%dma_wait3A_462 : memref<80xi32, #tpu.memory_space<hbm>>) dst(%dma_wait3A_460 : memref<80xi32, #tpu.memory_space<vmem>>)
    %dma_wait3A_463 = arith.constant 1 : i32
    %dma_wait3A_464 = arith.constant 0 : i32
    %dma_wait3A_465 = arith.constant 4 : i32
    %dma_wait3A_466 = arith.constant 0 : i32
    %dma_wait3A_467 = tpu.memref_slice %arg9[%dma_wait3A_464, %dma_wait3A_465, %dma_wait3A_466] : memref<2x25x80xi32, #tpu.memory_space<vmem>> -> memref<1x1x80xi32, #tpu.memory_space<vmem>>
    %dma_wait3A_468 = tpu.memref_squeeze %dma_wait3A_467 : memref<1x1x80xi32, #tpu.memory_space<vmem>> -> memref<80xi32, #tpu.memory_space<vmem>>
    %dma_wait3A_469 = tpu.memref_slice %arg3[%dma_wait3A_463, %mul3A_2] : memref<2x320000xi32, #tpu.memory_space<hbm>> -> memref<1x80xi32, #tpu.memory_space<hbm>>
    %dma_wait3A_470 = tpu.memref_squeeze %dma_wait3A_469 : memref<1x80xi32, #tpu.memory_space<hbm>> -> memref<80xi32, #tpu.memory_space<hbm>>
    %dma_wait3A_471 = arith.constant 0 : i32
    %dma_wait3A_472 = tpu.memref_slice %arg9[%dma_wait3A_464, %dma_wait3A_465, %dma_wait3A_471] : memref<2x25x80xi32, #tpu.memory_space<vmem>> -> memref<1x1x80xi32, #tpu.memory_space<vmem>>
    %dma_wait3A_473 = tpu.memref_squeeze %dma_wait3A_472 : memref<1x1x80xi32, #tpu.memory_space<vmem>> -> memref<80xi32, #tpu.memory_space<vmem>>
    %dma_wait3A_474 = tpu.memref_slice %arg3[%dma_wait3A_463, %mul3A_2] : memref<2x320000xi32, #tpu.memory_space<hbm>> -> memref<1x80xi32, #tpu.memory_space<hbm>>
    %dma_wait3A_475 = tpu.memref_squeeze %dma_wait3A_474 : memref<1x80xi32, #tpu.memory_space<hbm>> -> memref<80xi32, #tpu.memory_space<hbm>>
    tpu.wait_dma2 semaphore(%arg15 : memref<!tpu.dma_semaphore, #tpu.memory_space<semaphore_mem>>) src(%dma_wait3A_475 : memref<80xi32, #tpu.memory_space<hbm>>) dst(%dma_wait3A_473 : memref<80xi32, #tpu.memory_space<vmem>>)
    %dma_wait3A_476 = arith.constant 1 : i32
    %dma_wait3A_477 = arith.constant 0 : i32
    %dma_wait3A_478 = arith.constant 5 : i32
    %dma_wait3A_479 = arith.constant 0 : i32
    %dma_wait3A_480 = tpu.memref_slice %arg9[%dma_wait3A_477, %dma_wait3A_478, %dma_wait3A_479] : memref<2x25x80xi32, #tpu.memory_space<vmem>> -> memref<1x1x80xi32, #tpu.memory_space<vmem>>
    %dma_wait3A_481 = tpu.memref_squeeze %dma_wait3A_480 : memref<1x1x80xi32, #tpu.memory_space<vmem>> -> memref<80xi32, #tpu.memory_space<vmem>>
    %dma_wait3A_482 = tpu.memref_slice %arg3[%dma_wait3A_476, %mul3A_2] : memref<2x320000xi32, #tpu.memory_space<hbm>> -> memref<1x80xi32, #tpu.memory_space<hbm>>
    %dma_wait3A_483 = tpu.memref_squeeze %dma_wait3A_482 : memref<1x80xi32, #tpu.memory_space<hbm>> -> memref<80xi32, #tpu.memory_space<hbm>>
    %dma_wait3A_484 = arith.constant 0 : i32
    %dma_wait3A_485 = tpu.memref_slice %arg9[%dma_wait3A_477, %dma_wait3A_478, %dma_wait3A_484] : memref<2x25x80xi32, #tpu.memory_space<vmem>> -> memref<1x1x80xi32, #tpu.memory_space<vmem>>
    %dma_wait3A_486 = tpu.memref_squeeze %dma_wait3A_485 : memref<1x1x80xi32, #tpu.memory_space<vmem>> -> memref<80xi32, #tpu.memory_space<vmem>>
    %dma_wait3A_487 = tpu.memref_slice %arg3[%dma_wait3A_476, %mul3A_2] : memref<2x320000xi32, #tpu.memory_space<hbm>> -> memref<1x80xi32, #tpu.memory_space<hbm>>
    %dma_wait3A_488 = tpu.memref_squeeze %dma_wait3A_487 : memref<1x80xi32, #tpu.memory_space<hbm>> -> memref<80xi32, #tpu.memory_space<hbm>>
    tpu.wait_dma2 semaphore(%arg15 : memref<!tpu.dma_semaphore, #tpu.memory_space<semaphore_mem>>) src(%dma_wait3A_488 : memref<80xi32, #tpu.memory_space<hbm>>) dst(%dma_wait3A_486 : memref<80xi32, #tpu.memory_space<vmem>>)
    %dma_wait3A_489 = arith.constant 1 : i32
    %dma_wait3A_490 = arith.constant 0 : i32
    %dma_wait3A_491 = arith.constant 6 : i32
    %dma_wait3A_492 = arith.constant 0 : i32
    %dma_wait3A_493 = tpu.memref_slice %arg9[%dma_wait3A_490, %dma_wait3A_491, %dma_wait3A_492] : memref<2x25x80xi32, #tpu.memory_space<vmem>> -> memref<1x1x80xi32, #tpu.memory_space<vmem>>
    %dma_wait3A_494 = tpu.memref_squeeze %dma_wait3A_493 : memref<1x1x80xi32, #tpu.memory_space<vmem>> -> memref<80xi32, #tpu.memory_space<vmem>>
    %dma_wait3A_495 = tpu.memref_slice %arg3[%dma_wait3A_489, %mul3A_2] : memref<2x320000xi32, #tpu.memory_space<hbm>> -> memref<1x80xi32, #tpu.memory_space<hbm>>
    %dma_wait3A_496 = tpu.memref_squeeze %dma_wait3A_495 : memref<1x80xi32, #tpu.memory_space<hbm>> -> memref<80xi32, #tpu.memory_space<hbm>>
    %dma_wait3A_497 = arith.constant 0 : i32
    %dma_wait3A_498 = tpu.memref_slice %arg9[%dma_wait3A_490, %dma_wait3A_491, %dma_wait3A_497] : memref<2x25x80xi32, #tpu.memory_space<vmem>> -> memref<1x1x80xi32, #tpu.memory_space<vmem>>
    %dma_wait3A_499 = tpu.memref_squeeze %dma_wait3A_498 : memref<1x1x80xi32, #tpu.memory_space<vmem>> -> memref<80xi32, #tpu.memory_space<vmem>>
    %dma_wait3A_500 = tpu.memref_slice %arg3[%dma_wait3A_489, %mul3A_2] : memref<2x320000xi32, #tpu.memory_space<hbm>> -> memref<1x80xi32, #tpu.memory_space<hbm>>
    %dma_wait3A_501 = tpu.memref_squeeze %dma_wait3A_500 : memref<1x80xi32, #tpu.memory_space<hbm>> -> memref<80xi32, #tpu.memory_space<hbm>>
    tpu.wait_dma2 semaphore(%arg15 : memref<!tpu.dma_semaphore, #tpu.memory_space<semaphore_mem>>) src(%dma_wait3A_501 : memref<80xi32, #tpu.memory_space<hbm>>) dst(%dma_wait3A_499 : memref<80xi32, #tpu.memory_space<vmem>>)
    %dma_wait3A_502 = arith.constant 1 : i32
    %dma_wait3A_503 = arith.constant 0 : i32
    %dma_wait3A_504 = arith.constant 7 : i32
    %dma_wait3A_505 = arith.constant 0 : i32
    %dma_wait3A_506 = tpu.memref_slice %arg9[%dma_wait3A_503, %dma_wait3A_504, %dma_wait3A_505] : memref<2x25x80xi32, #tpu.memory_space<vmem>> -> memref<1x1x80xi32, #tpu.memory_space<vmem>>
    %dma_wait3A_507 = tpu.memref_squeeze %dma_wait3A_506 : memref<1x1x80xi32, #tpu.memory_space<vmem>> -> memref<80xi32, #tpu.memory_space<vmem>>
    %dma_wait3A_508 = tpu.memref_slice %arg3[%dma_wait3A_502, %mul3A_2] : memref<2x320000xi32, #tpu.memory_space<hbm>> -> memref<1x80xi32, #tpu.memory_space<hbm>>
    %dma_wait3A_509 = tpu.memref_squeeze %dma_wait3A_508 : memref<1x80xi32, #tpu.memory_space<hbm>> -> memref<80xi32, #tpu.memory_space<hbm>>
    %dma_wait3A_510 = arith.constant 0 : i32
    %dma_wait3A_511 = tpu.memref_slice %arg9[%dma_wait3A_503, %dma_wait3A_504, %dma_wait3A_510] : memref<2x25x80xi32, #tpu.memory_space<vmem>> -> memref<1x1x80xi32, #tpu.memory_space<vmem>>
    %dma_wait3A_512 = tpu.memref_squeeze %dma_wait3A_511 : memref<1x1x80xi32, #tpu.memory_space<vmem>> -> memref<80xi32, #tpu.memory_space<vmem>>
    %dma_wait3A_513 = tpu.memref_slice %arg3[%dma_wait3A_502, %mul3A_2] : memref<2x320000xi32, #tpu.memory_space<hbm>> -> memref<1x80xi32, #tpu.memory_space<hbm>>
    %dma_wait3A_514 = tpu.memref_squeeze %dma_wait3A_513 : memref<1x80xi32, #tpu.memory_space<hbm>> -> memref<80xi32, #tpu.memory_space<hbm>>
    tpu.wait_dma2 semaphore(%arg15 : memref<!tpu.dma_semaphore, #tpu.memory_space<semaphore_mem>>) src(%dma_wait3A_514 : memref<80xi32, #tpu.memory_space<hbm>>) dst(%dma_wait3A_512 : memref<80xi32, #tpu.memory_space<vmem>>)
    %dma_wait3A_515 = arith.constant 1 : i32
    %dma_wait3A_516 = arith.constant 0 : i32
    %dma_wait3A_517 = arith.constant 8 : i32
    %dma_wait3A_518 = arith.constant 0 : i32
    %dma_wait3A_519 = tpu.memref_slice %arg9[%dma_wait3A_516, %dma_wait3A_517, %dma_wait3A_518] : memref<2x25x80xi32, #tpu.memory_space<vmem>> -> memref<1x1x80xi32, #tpu.memory_space<vmem>>
    %dma_wait3A_520 = tpu.memref_squeeze %dma_wait3A_519 : memref<1x1x80xi32, #tpu.memory_space<vmem>> -> memref<80xi32, #tpu.memory_space<vmem>>
    %dma_wait3A_521 = tpu.memref_slice %arg3[%dma_wait3A_515, %mul3A_2] : memref<2x320000xi32, #tpu.memory_space<hbm>> -> memref<1x80xi32, #tpu.memory_space<hbm>>
    %dma_wait3A_522 = tpu.memref_squeeze %dma_wait3A_521 : memref<1x80xi32, #tpu.memory_space<hbm>> -> memref<80xi32, #tpu.memory_space<hbm>>
    %dma_wait3A_523 = arith.constant 0 : i32
    %dma_wait3A_524 = tpu.memref_slice %arg9[%dma_wait3A_516, %dma_wait3A_517, %dma_wait3A_523] : memref<2x25x80xi32, #tpu.memory_space<vmem>> -> memref<1x1x80xi32, #tpu.memory_space<vmem>>
    %dma_wait3A_525 = tpu.memref_squeeze %dma_wait3A_524 : memref<1x1x80xi32, #tpu.memory_space<vmem>> -> memref<80xi32, #tpu.memory_space<vmem>>
    %dma_wait3A_526 = tpu.memref_slice %arg3[%dma_wait3A_515, %mul3A_2] : memref<2x320000xi32, #tpu.memory_space<hbm>> -> memref<1x80xi32, #tpu.memory_space<hbm>>
    %dma_wait3A_527 = tpu.memref_squeeze %dma_wait3A_526 : memref<1x80xi32, #tpu.memory_space<hbm>> -> memref<80xi32, #tpu.memory_space<hbm>>
    tpu.wait_dma2 semaphore(%arg15 : memref<!tpu.dma_semaphore, #tpu.memory_space<semaphore_mem>>) src(%dma_wait3A_527 : memref<80xi32, #tpu.memory_space<hbm>>) dst(%dma_wait3A_525 : memref<80xi32, #tpu.memory_space<vmem>>)
    %dma_wait3A_528 = arith.constant 1 : i32
    %dma_wait3A_529 = arith.constant 0 : i32
    %dma_wait3A_530 = arith.constant 9 : i32
    %dma_wait3A_531 = arith.constant 0 : i32
    %dma_wait3A_532 = tpu.memref_slice %arg9[%dma_wait3A_529, %dma_wait3A_530, %dma_wait3A_531] : memref<2x25x80xi32, #tpu.memory_space<vmem>> -> memref<1x1x80xi32, #tpu.memory_space<vmem>>
    %dma_wait3A_533 = tpu.memref_squeeze %dma_wait3A_532 : memref<1x1x80xi32, #tpu.memory_space<vmem>> -> memref<80xi32, #tpu.memory_space<vmem>>
    %dma_wait3A_534 = tpu.memref_slice %arg3[%dma_wait3A_528, %mul3A_2] : memref<2x320000xi32, #tpu.memory_space<hbm>> -> memref<1x80xi32, #tpu.memory_space<hbm>>
    %dma_wait3A_535 = tpu.memref_squeeze %dma_wait3A_534 : memref<1x80xi32, #tpu.memory_space<hbm>> -> memref<80xi32, #tpu.memory_space<hbm>>
    %dma_wait3A_536 = arith.constant 0 : i32
    %dma_wait3A_537 = tpu.memref_slice %arg9[%dma_wait3A_529, %dma_wait3A_530, %dma_wait3A_536] : memref<2x25x80xi32, #tpu.memory_space<vmem>> -> memref<1x1x80xi32, #tpu.memory_space<vmem>>
    %dma_wait3A_538 = tpu.memref_squeeze %dma_wait3A_537 : memref<1x1x80xi32, #tpu.memory_space<vmem>> -> memref<80xi32, #tpu.memory_space<vmem>>
    %dma_wait3A_539 = tpu.memref_slice %arg3[%dma_wait3A_528, %mul3A_2] : memref<2x320000xi32, #tpu.memory_space<hbm>> -> memref<1x80xi32, #tpu.memory_space<hbm>>
    %dma_wait3A_540 = tpu.memref_squeeze %dma_wait3A_539 : memref<1x80xi32, #tpu.memory_space<hbm>> -> memref<80xi32, #tpu.memory_space<hbm>>
    tpu.wait_dma2 semaphore(%arg15 : memref<!tpu.dma_semaphore, #tpu.memory_space<semaphore_mem>>) src(%dma_wait3A_540 : memref<80xi32, #tpu.memory_space<hbm>>) dst(%dma_wait3A_538 : memref<80xi32, #tpu.memory_space<vmem>>)
    %dma_wait3A_541 = arith.constant 1 : i32
    %dma_wait3A_542 = arith.constant 0 : i32
    %dma_wait3A_543 = arith.constant 10 : i32
    %dma_wait3A_544 = arith.constant 0 : i32
    %dma_wait3A_545 = tpu.memref_slice %arg9[%dma_wait3A_542, %dma_wait3A_543, %dma_wait3A_544] : memref<2x25x80xi32, #tpu.memory_space<vmem>> -> memref<1x1x80xi32, #tpu.memory_space<vmem>>
    %dma_wait3A_546 = tpu.memref_squeeze %dma_wait3A_545 : memref<1x1x80xi32, #tpu.memory_space<vmem>> -> memref<80xi32, #tpu.memory_space<vmem>>
    %dma_wait3A_547 = tpu.memref_slice %arg3[%dma_wait3A_541, %mul3A_2] : memref<2x320000xi32, #tpu.memory_space<hbm>> -> memref<1x80xi32, #tpu.memory_space<hbm>>
    %dma_wait3A_548 = tpu.memref_squeeze %dma_wait3A_547 : memref<1x80xi32, #tpu.memory_space<hbm>> -> memref<80xi32, #tpu.memory_space<hbm>>
    %dma_wait3A_549 = arith.constant 0 : i32
    %dma_wait3A_550 = tpu.memref_slice %arg9[%dma_wait3A_542, %dma_wait3A_543, %dma_wait3A_549] : memref<2x25x80xi32, #tpu.memory_space<vmem>> -> memref<1x1x80xi32, #tpu.memory_space<vmem>>
    %dma_wait3A_551 = tpu.memref_squeeze %dma_wait3A_550 : memref<1x1x80xi32, #tpu.memory_space<vmem>> -> memref<80xi32, #tpu.memory_space<vmem>>
    %dma_wait3A_552 = tpu.memref_slice %arg3[%dma_wait3A_541, %mul3A_2] : memref<2x320000xi32, #tpu.memory_space<hbm>> -> memref<1x80xi32, #tpu.memory_space<hbm>>
    %dma_wait3A_553 = tpu.memref_squeeze %dma_wait3A_552 : memref<1x80xi32, #tpu.memory_space<hbm>> -> memref<80xi32, #tpu.memory_space<hbm>>
    tpu.wait_dma2 semaphore(%arg15 : memref<!tpu.dma_semaphore, #tpu.memory_space<semaphore_mem>>) src(%dma_wait3A_553 : memref<80xi32, #tpu.memory_space<hbm>>) dst(%dma_wait3A_551 : memref<80xi32, #tpu.memory_space<vmem>>)
    %dma_wait3A_554 = arith.constant 1 : i32
    %dma_wait3A_555 = arith.constant 0 : i32
    %dma_wait3A_556 = arith.constant 11 : i32
    %dma_wait3A_557 = arith.constant 0 : i32
    %dma_wait3A_558 = tpu.memref_slice %arg9[%dma_wait3A_555, %dma_wait3A_556, %dma_wait3A_557] : memref<2x25x80xi32, #tpu.memory_space<vmem>> -> memref<1x1x80xi32, #tpu.memory_space<vmem>>
    %dma_wait3A_559 = tpu.memref_squeeze %dma_wait3A_558 : memref<1x1x80xi32, #tpu.memory_space<vmem>> -> memref<80xi32, #tpu.memory_space<vmem>>
    %dma_wait3A_560 = tpu.memref_slice %arg3[%dma_wait3A_554, %mul3A_2] : memref<2x320000xi32, #tpu.memory_space<hbm>> -> memref<1x80xi32, #tpu.memory_space<hbm>>
    %dma_wait3A_561 = tpu.memref_squeeze %dma_wait3A_560 : memref<1x80xi32, #tpu.memory_space<hbm>> -> memref<80xi32, #tpu.memory_space<hbm>>
    %dma_wait3A_562 = arith.constant 0 : i32
    %dma_wait3A_563 = tpu.memref_slice %arg9[%dma_wait3A_555, %dma_wait3A_556, %dma_wait3A_562] : memref<2x25x80xi32, #tpu.memory_space<vmem>> -> memref<1x1x80xi32, #tpu.memory_space<vmem>>
    %dma_wait3A_564 = tpu.memref_squeeze %dma_wait3A_563 : memref<1x1x80xi32, #tpu.memory_space<vmem>> -> memref<80xi32, #tpu.memory_space<vmem>>
    %dma_wait3A_565 = tpu.memref_slice %arg3[%dma_wait3A_554, %mul3A_2] : memref<2x320000xi32, #tpu.memory_space<hbm>> -> memref<1x80xi32, #tpu.memory_space<hbm>>
    %dma_wait3A_566 = tpu.memref_squeeze %dma_wait3A_565 : memref<1x80xi32, #tpu.memory_space<hbm>> -> memref<80xi32, #tpu.memory_space<hbm>>
    tpu.wait_dma2 semaphore(%arg15 : memref<!tpu.dma_semaphore, #tpu.memory_space<semaphore_mem>>) src(%dma_wait3A_566 : memref<80xi32, #tpu.memory_space<hbm>>) dst(%dma_wait3A_564 : memref<80xi32, #tpu.memory_space<vmem>>)
    %dma_wait3A_567 = arith.constant 1 : i32
    %dma_wait3A_568 = arith.constant 0 : i32
    %dma_wait3A_569 = arith.constant 12 : i32
    %dma_wait3A_570 = arith.constant 0 : i32
    %dma_wait3A_571 = tpu.memref_slice %arg9[%dma_wait3A_568, %dma_wait3A_569, %dma_wait3A_570] : memref<2x25x80xi32, #tpu.memory_space<vmem>> -> memref<1x1x80xi32, #tpu.memory_space<vmem>>
    %dma_wait3A_572 = tpu.memref_squeeze %dma_wait3A_571 : memref<1x1x80xi32, #tpu.memory_space<vmem>> -> memref<80xi32, #tpu.memory_space<vmem>>
    %dma_wait3A_573 = tpu.memref_slice %arg3[%dma_wait3A_567, %mul3A_2] : memref<2x320000xi32, #tpu.memory_space<hbm>> -> memref<1x80xi32, #tpu.memory_space<hbm>>
    %dma_wait3A_574 = tpu.memref_squeeze %dma_wait3A_573 : memref<1x80xi32, #tpu.memory_space<hbm>> -> memref<80xi32, #tpu.memory_space<hbm>>
    %dma_wait3A_575 = arith.constant 0 : i32
    %dma_wait3A_576 = tpu.memref_slice %arg9[%dma_wait3A_568, %dma_wait3A_569, %dma_wait3A_575] : memref<2x25x80xi32, #tpu.memory_space<vmem>> -> memref<1x1x80xi32, #tpu.memory_space<vmem>>
    %dma_wait3A_577 = tpu.memref_squeeze %dma_wait3A_576 : memref<1x1x80xi32, #tpu.memory_space<vmem>> -> memref<80xi32, #tpu.memory_space<vmem>>
    %dma_wait3A_578 = tpu.memref_slice %arg3[%dma_wait3A_567, %mul3A_2] : memref<2x320000xi32, #tpu.memory_space<hbm>> -> memref<1x80xi32, #tpu.memory_space<hbm>>
    %dma_wait3A_579 = tpu.memref_squeeze %dma_wait3A_578 : memref<1x80xi32, #tpu.memory_space<hbm>> -> memref<80xi32, #tpu.memory_space<hbm>>
    tpu.wait_dma2 semaphore(%arg15 : memref<!tpu.dma_semaphore, #tpu.memory_space<semaphore_mem>>) src(%dma_wait3A_579 : memref<80xi32, #tpu.memory_space<hbm>>) dst(%dma_wait3A_577 : memref<80xi32, #tpu.memory_space<vmem>>)
    %dma_wait3A_580 = arith.constant 1 : i32
    %dma_wait3A_581 = arith.constant 0 : i32
    %dma_wait3A_582 = arith.constant 13 : i32
    %dma_wait3A_583 = arith.constant 0 : i32
    %dma_wait3A_584 = tpu.memref_slice %arg9[%dma_wait3A_581, %dma_wait3A_582, %dma_wait3A_583] : memref<2x25x80xi32, #tpu.memory_space<vmem>> -> memref<1x1x80xi32, #tpu.memory_space<vmem>>
    %dma_wait3A_585 = tpu.memref_squeeze %dma_wait3A_584 : memref<1x1x80xi32, #tpu.memory_space<vmem>> -> memref<80xi32, #tpu.memory_space<vmem>>
    %dma_wait3A_586 = tpu.memref_slice %arg3[%dma_wait3A_580, %mul3A_2] : memref<2x320000xi32, #tpu.memory_space<hbm>> -> memref<1x80xi32, #tpu.memory_space<hbm>>
    %dma_wait3A_587 = tpu.memref_squeeze %dma_wait3A_586 : memref<1x80xi32, #tpu.memory_space<hbm>> -> memref<80xi32, #tpu.memory_space<hbm>>
    %dma_wait3A_588 = arith.constant 0 : i32
    %dma_wait3A_589 = tpu.memref_slice %arg9[%dma_wait3A_581, %dma_wait3A_582, %dma_wait3A_588] : memref<2x25x80xi32, #tpu.memory_space<vmem>> -> memref<1x1x80xi32, #tpu.memory_space<vmem>>
    %dma_wait3A_590 = tpu.memref_squeeze %dma_wait3A_589 : memref<1x1x80xi32, #tpu.memory_space<vmem>> -> memref<80xi32, #tpu.memory_space<vmem>>
    %dma_wait3A_591 = tpu.memref_slice %arg3[%dma_wait3A_580, %mul3A_2] : memref<2x320000xi32, #tpu.memory_space<hbm>> -> memref<1x80xi32, #tpu.memory_space<hbm>>
    %dma_wait3A_592 = tpu.memref_squeeze %dma_wait3A_591 : memref<1x80xi32, #tpu.memory_space<hbm>> -> memref<80xi32, #tpu.memory_space<hbm>>
    tpu.wait_dma2 semaphore(%arg15 : memref<!tpu.dma_semaphore, #tpu.memory_space<semaphore_mem>>) src(%dma_wait3A_592 : memref<80xi32, #tpu.memory_space<hbm>>) dst(%dma_wait3A_590 : memref<80xi32, #tpu.memory_space<vmem>>)
    %dma_wait3A_593 = arith.constant 1 : i32
    %dma_wait3A_594 = arith.constant 0 : i32
    %dma_wait3A_595 = arith.constant 14 : i32
    %dma_wait3A_596 = arith.constant 0 : i32
    %dma_wait3A_597 = tpu.memref_slice %arg9[%dma_wait3A_594, %dma_wait3A_595, %dma_wait3A_596] : memref<2x25x80xi32, #tpu.memory_space<vmem>> -> memref<1x1x80xi32, #tpu.memory_space<vmem>>
    %dma_wait3A_598 = tpu.memref_squeeze %dma_wait3A_597 : memref<1x1x80xi32, #tpu.memory_space<vmem>> -> memref<80xi32, #tpu.memory_space<vmem>>
    %dma_wait3A_599 = tpu.memref_slice %arg3[%dma_wait3A_593, %mul3A_2] : memref<2x320000xi32, #tpu.memory_space<hbm>> -> memref<1x80xi32, #tpu.memory_space<hbm>>
    %dma_wait3A_600 = tpu.memref_squeeze %dma_wait3A_599 : memref<1x80xi32, #tpu.memory_space<hbm>> -> memref<80xi32, #tpu.memory_space<hbm>>
    %dma_wait3A_601 = arith.constant 0 : i32
    %dma_wait3A_602 = tpu.memref_slice %arg9[%dma_wait3A_594, %dma_wait3A_595, %dma_wait3A_601] : memref<2x25x80xi32, #tpu.memory_space<vmem>> -> memref<1x1x80xi32, #tpu.memory_space<vmem>>
    %dma_wait3A_603 = tpu.memref_squeeze %dma_wait3A_602 : memref<1x1x80xi32, #tpu.memory_space<vmem>> -> memref<80xi32, #tpu.memory_space<vmem>>
    %dma_wait3A_604 = tpu.memref_slice %arg3[%dma_wait3A_593, %mul3A_2] : memref<2x320000xi32, #tpu.memory_space<hbm>> -> memref<1x80xi32, #tpu.memory_space<hbm>>
    %dma_wait3A_605 = tpu.memref_squeeze %dma_wait3A_604 : memref<1x80xi32, #tpu.memory_space<hbm>> -> memref<80xi32, #tpu.memory_space<hbm>>
    tpu.wait_dma2 semaphore(%arg15 : memref<!tpu.dma_semaphore, #tpu.memory_space<semaphore_mem>>) src(%dma_wait3A_605 : memref<80xi32, #tpu.memory_space<hbm>>) dst(%dma_wait3A_603 : memref<80xi32, #tpu.memory_space<vmem>>)
    %dma_wait3A_606 = arith.constant 1 : i32
    %dma_wait3A_607 = arith.constant 0 : i32
    %dma_wait3A_608 = arith.constant 15 : i32
    %dma_wait3A_609 = arith.constant 0 : i32
    %dma_wait3A_610 = tpu.memref_slice %arg9[%dma_wait3A_607, %dma_wait3A_608, %dma_wait3A_609] : memref<2x25x80xi32, #tpu.memory_space<vmem>> -> memref<1x1x80xi32, #tpu.memory_space<vmem>>
    %dma_wait3A_611 = tpu.memref_squeeze %dma_wait3A_610 : memref<1x1x80xi32, #tpu.memory_space<vmem>> -> memref<80xi32, #tpu.memory_space<vmem>>
    %dma_wait3A_612 = tpu.memref_slice %arg3[%dma_wait3A_606, %mul3A_2] : memref<2x320000xi32, #tpu.memory_space<hbm>> -> memref<1x80xi32, #tpu.memory_space<hbm>>
    %dma_wait3A_613 = tpu.memref_squeeze %dma_wait3A_612 : memref<1x80xi32, #tpu.memory_space<hbm>> -> memref<80xi32, #tpu.memory_space<hbm>>
    %dma_wait3A_614 = arith.constant 0 : i32
    %dma_wait3A_615 = tpu.memref_slice %arg9[%dma_wait3A_607, %dma_wait3A_608, %dma_wait3A_614] : memref<2x25x80xi32, #tpu.memory_space<vmem>> -> memref<1x1x80xi32, #tpu.memory_space<vmem>>
    %dma_wait3A_616 = tpu.memref_squeeze %dma_wait3A_615 : memref<1x1x80xi32, #tpu.memory_space<vmem>> -> memref<80xi32, #tpu.memory_space<vmem>>
    %dma_wait3A_617 = tpu.memref_slice %arg3[%dma_wait3A_606, %mul3A_2] : memref<2x320000xi32, #tpu.memory_space<hbm>> -> memref<1x80xi32, #tpu.memory_space<hbm>>
    %dma_wait3A_618 = tpu.memref_squeeze %dma_wait3A_617 : memref<1x80xi32, #tpu.memory_space<hbm>> -> memref<80xi32, #tpu.memory_space<hbm>>
    tpu.wait_dma2 semaphore(%arg15 : memref<!tpu.dma_semaphore, #tpu.memory_space<semaphore_mem>>) src(%dma_wait3A_618 : memref<80xi32, #tpu.memory_space<hbm>>) dst(%dma_wait3A_616 : memref<80xi32, #tpu.memory_space<vmem>>)
    %dma_wait3A_619 = arith.constant 1 : i32
    %dma_wait3A_620 = arith.constant 0 : i32
    %dma_wait3A_621 = arith.constant 16 : i32
    %dma_wait3A_622 = arith.constant 0 : i32
    %dma_wait3A_623 = tpu.memref_slice %arg9[%dma_wait3A_620, %dma_wait3A_621, %dma_wait3A_622] : memref<2x25x80xi32, #tpu.memory_space<vmem>> -> memref<1x1x80xi32, #tpu.memory_space<vmem>>
    %dma_wait3A_624 = tpu.memref_squeeze %dma_wait3A_623 : memref<1x1x80xi32, #tpu.memory_space<vmem>> -> memref<80xi32, #tpu.memory_space<vmem>>
    %dma_wait3A_625 = tpu.memref_slice %arg3[%dma_wait3A_619, %mul3A_2] : memref<2x320000xi32, #tpu.memory_space<hbm>> -> memref<1x80xi32, #tpu.memory_space<hbm>>
    %dma_wait3A_626 = tpu.memref_squeeze %dma_wait3A_625 : memref<1x80xi32, #tpu.memory_space<hbm>> -> memref<80xi32, #tpu.memory_space<hbm>>
    %dma_wait3A_627 = arith.constant 0 : i32
    %dma_wait3A_628 = tpu.memref_slice %arg9[%dma_wait3A_620, %dma_wait3A_621, %dma_wait3A_627] : memref<2x25x80xi32, #tpu.memory_space<vmem>> -> memref<1x1x80xi32, #tpu.memory_space<vmem>>
    %dma_wait3A_629 = tpu.memref_squeeze %dma_wait3A_628 : memref<1x1x80xi32, #tpu.memory_space<vmem>> -> memref<80xi32, #tpu.memory_space<vmem>>
    %dma_wait3A_630 = tpu.memref_slice %arg3[%dma_wait3A_619, %mul3A_2] : memref<2x320000xi32, #tpu.memory_space<hbm>> -> memref<1x80xi32, #tpu.memory_space<hbm>>
    %dma_wait3A_631 = tpu.memref_squeeze %dma_wait3A_630 : memref<1x80xi32, #tpu.memory_space<hbm>> -> memref<80xi32, #tpu.memory_space<hbm>>
    tpu.wait_dma2 semaphore(%arg15 : memref<!tpu.dma_semaphore, #tpu.memory_space<semaphore_mem>>) src(%dma_wait3A_631 : memref<80xi32, #tpu.memory_space<hbm>>) dst(%dma_wait3A_629 : memref<80xi32, #tpu.memory_space<vmem>>)
    %dma_wait3A_632 = arith.constant 1 : i32
    %dma_wait3A_633 = arith.constant 0 : i32
    %dma_wait3A_634 = arith.constant 17 : i32
    %dma_wait3A_635 = arith.constant 0 : i32
    %dma_wait3A_636 = tpu.memref_slice %arg9[%dma_wait3A_633, %dma_wait3A_634, %dma_wait3A_635] : memref<2x25x80xi32, #tpu.memory_space<vmem>> -> memref<1x1x80xi32, #tpu.memory_space<vmem>>
    %dma_wait3A_637 = tpu.memref_squeeze %dma_wait3A_636 : memref<1x1x80xi32, #tpu.memory_space<vmem>> -> memref<80xi32, #tpu.memory_space<vmem>>
    %dma_wait3A_638 = tpu.memref_slice %arg3[%dma_wait3A_632, %mul3A_2] : memref<2x320000xi32, #tpu.memory_space<hbm>> -> memref<1x80xi32, #tpu.memory_space<hbm>>
    %dma_wait3A_639 = tpu.memref_squeeze %dma_wait3A_638 : memref<1x80xi32, #tpu.memory_space<hbm>> -> memref<80xi32, #tpu.memory_space<hbm>>
    %dma_wait3A_640 = arith.constant 0 : i32
    %dma_wait3A_641 = tpu.memref_slice %arg9[%dma_wait3A_633, %dma_wait3A_634, %dma_wait3A_640] : memref<2x25x80xi32, #tpu.memory_space<vmem>> -> memref<1x1x80xi32, #tpu.memory_space<vmem>>
    %dma_wait3A_642 = tpu.memref_squeeze %dma_wait3A_641 : memref<1x1x80xi32, #tpu.memory_space<vmem>> -> memref<80xi32, #tpu.memory_space<vmem>>
    %dma_wait3A_643 = tpu.memref_slice %arg3[%dma_wait3A_632, %mul3A_2] : memref<2x320000xi32, #tpu.memory_space<hbm>> -> memref<1x80xi32, #tpu.memory_space<hbm>>
    %dma_wait3A_644 = tpu.memref_squeeze %dma_wait3A_643 : memref<1x80xi32, #tpu.memory_space<hbm>> -> memref<80xi32, #tpu.memory_space<hbm>>
    tpu.wait_dma2 semaphore(%arg15 : memref<!tpu.dma_semaphore, #tpu.memory_space<semaphore_mem>>) src(%dma_wait3A_644 : memref<80xi32, #tpu.memory_space<hbm>>) dst(%dma_wait3A_642 : memref<80xi32, #tpu.memory_space<vmem>>)
    %dma_wait3A_645 = arith.constant 1 : i32
    %dma_wait3A_646 = arith.constant 0 : i32
    %dma_wait3A_647 = arith.constant 18 : i32
    %dma_wait3A_648 = arith.constant 0 : i32
    %dma_wait3A_649 = tpu.memref_slice %arg9[%dma_wait3A_646, %dma_wait3A_647, %dma_wait3A_648] : memref<2x25x80xi32, #tpu.memory_space<vmem>> -> memref<1x1x80xi32, #tpu.memory_space<vmem>>
    %dma_wait3A_650 = tpu.memref_squeeze %dma_wait3A_649 : memref<1x1x80xi32, #tpu.memory_space<vmem>> -> memref<80xi32, #tpu.memory_space<vmem>>
    %dma_wait3A_651 = tpu.memref_slice %arg3[%dma_wait3A_645, %mul3A_2] : memref<2x320000xi32, #tpu.memory_space<hbm>> -> memref<1x80xi32, #tpu.memory_space<hbm>>
    %dma_wait3A_652 = tpu.memref_squeeze %dma_wait3A_651 : memref<1x80xi32, #tpu.memory_space<hbm>> -> memref<80xi32, #tpu.memory_space<hbm>>
    %dma_wait3A_653 = arith.constant 0 : i32
    %dma_wait3A_654 = tpu.memref_slice %arg9[%dma_wait3A_646, %dma_wait3A_647, %dma_wait3A_653] : memref<2x25x80xi32, #tpu.memory_space<vmem>> -> memref<1x1x80xi32, #tpu.memory_space<vmem>>
    %dma_wait3A_655 = tpu.memref_squeeze %dma_wait3A_654 : memref<1x1x80xi32, #tpu.memory_space<vmem>> -> memref<80xi32, #tpu.memory_space<vmem>>
    %dma_wait3A_656 = tpu.memref_slice %arg3[%dma_wait3A_645, %mul3A_2] : memref<2x320000xi32, #tpu.memory_space<hbm>> -> memref<1x80xi32, #tpu.memory_space<hbm>>
    %dma_wait3A_657 = tpu.memref_squeeze %dma_wait3A_656 : memref<1x80xi32, #tpu.memory_space<hbm>> -> memref<80xi32, #tpu.memory_space<hbm>>
    tpu.wait_dma2 semaphore(%arg15 : memref<!tpu.dma_semaphore, #tpu.memory_space<semaphore_mem>>) src(%dma_wait3A_657 : memref<80xi32, #tpu.memory_space<hbm>>) dst(%dma_wait3A_655 : memref<80xi32, #tpu.memory_space<vmem>>)
    %dma_wait3A_658 = arith.constant 1 : i32
    %dma_wait3A_659 = arith.constant 0 : i32
    %dma_wait3A_660 = arith.constant 19 : i32
    %dma_wait3A_661 = arith.constant 0 : i32
    %dma_wait3A_662 = tpu.memref_slice %arg9[%dma_wait3A_659, %dma_wait3A_660, %dma_wait3A_661] : memref<2x25x80xi32, #tpu.memory_space<vmem>> -> memref<1x1x80xi32, #tpu.memory_space<vmem>>
    %dma_wait3A_663 = tpu.memref_squeeze %dma_wait3A_662 : memref<1x1x80xi32, #tpu.memory_space<vmem>> -> memref<80xi32, #tpu.memory_space<vmem>>
    %dma_wait3A_664 = tpu.memref_slice %arg3[%dma_wait3A_658, %mul3A_2] : memref<2x320000xi32, #tpu.memory_space<hbm>> -> memref<1x80xi32, #tpu.memory_space<hbm>>
    %dma_wait3A_665 = tpu.memref_squeeze %dma_wait3A_664 : memref<1x80xi32, #tpu.memory_space<hbm>> -> memref<80xi32, #tpu.memory_space<hbm>>
    %dma_wait3A_666 = arith.constant 0 : i32
    %dma_wait3A_667 = tpu.memref_slice %arg9[%dma_wait3A_659, %dma_wait3A_660, %dma_wait3A_666] : memref<2x25x80xi32, #tpu.memory_space<vmem>> -> memref<1x1x80xi32, #tpu.memory_space<vmem>>
    %dma_wait3A_668 = tpu.memref_squeeze %dma_wait3A_667 : memref<1x1x80xi32, #tpu.memory_space<vmem>> -> memref<80xi32, #tpu.memory_space<vmem>>
    %dma_wait3A_669 = tpu.memref_slice %arg3[%dma_wait3A_658, %mul3A_2] : memref<2x320000xi32, #tpu.memory_space<hbm>> -> memref<1x80xi32, #tpu.memory_space<hbm>>
    %dma_wait3A_670 = tpu.memref_squeeze %dma_wait3A_669 : memref<1x80xi32, #tpu.memory_space<hbm>> -> memref<80xi32, #tpu.memory_space<hbm>>
    tpu.wait_dma2 semaphore(%arg15 : memref<!tpu.dma_semaphore, #tpu.memory_space<semaphore_mem>>) src(%dma_wait3A_670 : memref<80xi32, #tpu.memory_space<hbm>>) dst(%dma_wait3A_668 : memref<80xi32, #tpu.memory_space<vmem>>)
    %dma_wait3A_671 = arith.constant 1 : i32
    %dma_wait3A_672 = arith.constant 0 : i32
    %dma_wait3A_673 = arith.constant 20 : i32
    %dma_wait3A_674 = arith.constant 0 : i32
    %dma_wait3A_675 = tpu.memref_slice %arg9[%dma_wait3A_672, %dma_wait3A_673, %dma_wait3A_674] : memref<2x25x80xi32, #tpu.memory_space<vmem>> -> memref<1x1x80xi32, #tpu.memory_space<vmem>>
    %dma_wait3A_676 = tpu.memref_squeeze %dma_wait3A_675 : memref<1x1x80xi32, #tpu.memory_space<vmem>> -> memref<80xi32, #tpu.memory_space<vmem>>
    %dma_wait3A_677 = tpu.memref_slice %arg3[%dma_wait3A_671, %mul3A_2] : memref<2x320000xi32, #tpu.memory_space<hbm>> -> memref<1x80xi32, #tpu.memory_space<hbm>>
    %dma_wait3A_678 = tpu.memref_squeeze %dma_wait3A_677 : memref<1x80xi32, #tpu.memory_space<hbm>> -> memref<80xi32, #tpu.memory_space<hbm>>
    %dma_wait3A_679 = arith.constant 0 : i32
    %dma_wait3A_680 = tpu.memref_slice %arg9[%dma_wait3A_672, %dma_wait3A_673, %dma_wait3A_679] : memref<2x25x80xi32, #tpu.memory_space<vmem>> -> memref<1x1x80xi32, #tpu.memory_space<vmem>>
    %dma_wait3A_681 = tpu.memref_squeeze %dma_wait3A_680 : memref<1x1x80xi32, #tpu.memory_space<vmem>> -> memref<80xi32, #tpu.memory_space<vmem>>
    %dma_wait3A_682 = tpu.memref_slice %arg3[%dma_wait3A_671, %mul3A_2] : memref<2x320000xi32, #tpu.memory_space<hbm>> -> memref<1x80xi32, #tpu.memory_space<hbm>>
    %dma_wait3A_683 = tpu.memref_squeeze %dma_wait3A_682 : memref<1x80xi32, #tpu.memory_space<hbm>> -> memref<80xi32, #tpu.memory_space<hbm>>
    tpu.wait_dma2 semaphore(%arg15 : memref<!tpu.dma_semaphore, #tpu.memory_space<semaphore_mem>>) src(%dma_wait3A_683 : memref<80xi32, #tpu.memory_space<hbm>>) dst(%dma_wait3A_681 : memref<80xi32, #tpu.memory_space<vmem>>)
    %dma_wait3A_684 = arith.constant 1 : i32
    %dma_wait3A_685 = arith.constant 0 : i32
    %dma_wait3A_686 = arith.constant 21 : i32
    %dma_wait3A_687 = arith.constant 0 : i32
    %dma_wait3A_688 = tpu.memref_slice %arg9[%dma_wait3A_685, %dma_wait3A_686, %dma_wait3A_687] : memref<2x25x80xi32, #tpu.memory_space<vmem>> -> memref<1x1x80xi32, #tpu.memory_space<vmem>>
    %dma_wait3A_689 = tpu.memref_squeeze %dma_wait3A_688 : memref<1x1x80xi32, #tpu.memory_space<vmem>> -> memref<80xi32, #tpu.memory_space<vmem>>
    %dma_wait3A_690 = tpu.memref_slice %arg3[%dma_wait3A_684, %mul3A_2] : memref<2x320000xi32, #tpu.memory_space<hbm>> -> memref<1x80xi32, #tpu.memory_space<hbm>>
    %dma_wait3A_691 = tpu.memref_squeeze %dma_wait3A_690 : memref<1x80xi32, #tpu.memory_space<hbm>> -> memref<80xi32, #tpu.memory_space<hbm>>
    %dma_wait3A_692 = arith.constant 0 : i32
    %dma_wait3A_693 = tpu.memref_slice %arg9[%dma_wait3A_685, %dma_wait3A_686, %dma_wait3A_692] : memref<2x25x80xi32, #tpu.memory_space<vmem>> -> memref<1x1x80xi32, #tpu.memory_space<vmem>>
    %dma_wait3A_694 = tpu.memref_squeeze %dma_wait3A_693 : memref<1x1x80xi32, #tpu.memory_space<vmem>> -> memref<80xi32, #tpu.memory_space<vmem>>
    %dma_wait3A_695 = tpu.memref_slice %arg3[%dma_wait3A_684, %mul3A_2] : memref<2x320000xi32, #tpu.memory_space<hbm>> -> memref<1x80xi32, #tpu.memory_space<hbm>>
    %dma_wait3A_696 = tpu.memref_squeeze %dma_wait3A_695 : memref<1x80xi32, #tpu.memory_space<hbm>> -> memref<80xi32, #tpu.memory_space<hbm>>
    tpu.wait_dma2 semaphore(%arg15 : memref<!tpu.dma_semaphore, #tpu.memory_space<semaphore_mem>>) src(%dma_wait3A_696 : memref<80xi32, #tpu.memory_space<hbm>>) dst(%dma_wait3A_694 : memref<80xi32, #tpu.memory_space<vmem>>)
    %dma_wait3A_697 = arith.constant 1 : i32
    %dma_wait3A_698 = arith.constant 0 : i32
    %dma_wait3A_699 = arith.constant 22 : i32
    %dma_wait3A_700 = arith.constant 0 : i32
    %dma_wait3A_701 = tpu.memref_slice %arg9[%dma_wait3A_698, %dma_wait3A_699, %dma_wait3A_700] : memref<2x25x80xi32, #tpu.memory_space<vmem>> -> memref<1x1x80xi32, #tpu.memory_space<vmem>>
    %dma_wait3A_702 = tpu.memref_squeeze %dma_wait3A_701 : memref<1x1x80xi32, #tpu.memory_space<vmem>> -> memref<80xi32, #tpu.memory_space<vmem>>
    %dma_wait3A_703 = tpu.memref_slice %arg3[%dma_wait3A_697, %mul3A_2] : memref<2x320000xi32, #tpu.memory_space<hbm>> -> memref<1x80xi32, #tpu.memory_space<hbm>>
    %dma_wait3A_704 = tpu.memref_squeeze %dma_wait3A_703 : memref<1x80xi32, #tpu.memory_space<hbm>> -> memref<80xi32, #tpu.memory_space<hbm>>
    %dma_wait3A_705 = arith.constant 0 : i32
    %dma_wait3A_706 = tpu.memref_slice %arg9[%dma_wait3A_698, %dma_wait3A_699, %dma_wait3A_705] : memref<2x25x80xi32, #tpu.memory_space<vmem>> -> memref<1x1x80xi32, #tpu.memory_space<vmem>>
    %dma_wait3A_707 = tpu.memref_squeeze %dma_wait3A_706 : memref<1x1x80xi32, #tpu.memory_space<vmem>> -> memref<80xi32, #tpu.memory_space<vmem>>
    %dma_wait3A_708 = tpu.memref_slice %arg3[%dma_wait3A_697, %mul3A_2] : memref<2x320000xi32, #tpu.memory_space<hbm>> -> memref<1x80xi32, #tpu.memory_space<hbm>>
    %dma_wait3A_709 = tpu.memref_squeeze %dma_wait3A_708 : memref<1x80xi32, #tpu.memory_space<hbm>> -> memref<80xi32, #tpu.memory_space<hbm>>
    tpu.wait_dma2 semaphore(%arg15 : memref<!tpu.dma_semaphore, #tpu.memory_space<semaphore_mem>>) src(%dma_wait3A_709 : memref<80xi32, #tpu.memory_space<hbm>>) dst(%dma_wait3A_707 : memref<80xi32, #tpu.memory_space<vmem>>)
    %dma_wait3A_710 = arith.constant 1 : i32
    %dma_wait3A_711 = arith.constant 0 : i32
    %dma_wait3A_712 = arith.constant 23 : i32
    %dma_wait3A_713 = arith.constant 0 : i32
    %dma_wait3A_714 = tpu.memref_slice %arg9[%dma_wait3A_711, %dma_wait3A_712, %dma_wait3A_713] : memref<2x25x80xi32, #tpu.memory_space<vmem>> -> memref<1x1x80xi32, #tpu.memory_space<vmem>>
    %dma_wait3A_715 = tpu.memref_squeeze %dma_wait3A_714 : memref<1x1x80xi32, #tpu.memory_space<vmem>> -> memref<80xi32, #tpu.memory_space<vmem>>
    %dma_wait3A_716 = tpu.memref_slice %arg3[%dma_wait3A_710, %mul3A_2] : memref<2x320000xi32, #tpu.memory_space<hbm>> -> memref<1x80xi32, #tpu.memory_space<hbm>>
    %dma_wait3A_717 = tpu.memref_squeeze %dma_wait3A_716 : memref<1x80xi32, #tpu.memory_space<hbm>> -> memref<80xi32, #tpu.memory_space<hbm>>
    %dma_wait3A_718 = arith.constant 0 : i32
    %dma_wait3A_719 = tpu.memref_slice %arg9[%dma_wait3A_711, %dma_wait3A_712, %dma_wait3A_718] : memref<2x25x80xi32, #tpu.memory_space<vmem>> -> memref<1x1x80xi32, #tpu.memory_space<vmem>>
    %dma_wait3A_720 = tpu.memref_squeeze %dma_wait3A_719 : memref<1x1x80xi32, #tpu.memory_space<vmem>> -> memref<80xi32, #tpu.memory_space<vmem>>
    %dma_wait3A_721 = tpu.memref_slice %arg3[%dma_wait3A_710, %mul3A_2] : memref<2x320000xi32, #tpu.memory_space<hbm>> -> memref<1x80xi32, #tpu.memory_space<hbm>>
    %dma_wait3A_722 = tpu.memref_squeeze %dma_wait3A_721 : memref<1x80xi32, #tpu.memory_space<hbm>> -> memref<80xi32, #tpu.memory_space<hbm>>
    tpu.wait_dma2 semaphore(%arg15 : memref<!tpu.dma_semaphore, #tpu.memory_space<semaphore_mem>>) src(%dma_wait3A_722 : memref<80xi32, #tpu.memory_space<hbm>>) dst(%dma_wait3A_720 : memref<80xi32, #tpu.memory_space<vmem>>)
    %dma_wait3A_723 = arith.constant 1 : i32
    %dma_wait3A_724 = arith.constant 0 : i32
    %dma_wait3A_725 = arith.constant 24 : i32
    %dma_wait3A_726 = arith.constant 0 : i32
    %dma_wait3A_727 = tpu.memref_slice %arg9[%dma_wait3A_724, %dma_wait3A_725, %dma_wait3A_726] : memref<2x25x80xi32, #tpu.memory_space<vmem>> -> memref<1x1x80xi32, #tpu.memory_space<vmem>>
    %dma_wait3A_728 = tpu.memref_squeeze %dma_wait3A_727 : memref<1x1x80xi32, #tpu.memory_space<vmem>> -> memref<80xi32, #tpu.memory_space<vmem>>
    %dma_wait3A_729 = tpu.memref_slice %arg3[%dma_wait3A_723, %mul3A_2] : memref<2x320000xi32, #tpu.memory_space<hbm>> -> memref<1x80xi32, #tpu.memory_space<hbm>>
    %dma_wait3A_730 = tpu.memref_squeeze %dma_wait3A_729 : memref<1x80xi32, #tpu.memory_space<hbm>> -> memref<80xi32, #tpu.memory_space<hbm>>
    %dma_wait3A_731 = arith.constant 0 : i32
    %dma_wait3A_732 = tpu.memref_slice %arg9[%dma_wait3A_724, %dma_wait3A_725, %dma_wait3A_731] : memref<2x25x80xi32, #tpu.memory_space<vmem>> -> memref<1x1x80xi32, #tpu.memory_space<vmem>>
    %dma_wait3A_733 = tpu.memref_squeeze %dma_wait3A_732 : memref<1x1x80xi32, #tpu.memory_space<vmem>> -> memref<80xi32, #tpu.memory_space<vmem>>
    %dma_wait3A_734 = tpu.memref_slice %arg3[%dma_wait3A_723, %mul3A_2] : memref<2x320000xi32, #tpu.memory_space<hbm>> -> memref<1x80xi32, #tpu.memory_space<hbm>>
    %dma_wait3A_735 = tpu.memref_squeeze %dma_wait3A_734 : memref<1x80xi32, #tpu.memory_space<hbm>> -> memref<80xi32, #tpu.memory_space<hbm>>
    tpu.wait_dma2 semaphore(%arg15 : memref<!tpu.dma_semaphore, #tpu.memory_space<semaphore_mem>>) src(%dma_wait3A_735 : memref<80xi32, #tpu.memory_space<hbm>>) dst(%dma_wait3A_733 : memref<80xi32, #tpu.memory_space<vmem>>)
    %dma_start3A_736 = arith.constant 0 : i32
    %dma_start3A_737 = arith.constant 0 : i32
    %dma_start3A_738 = arith.constant 0 : i32
    %dma_start3A_739 = arith.constant 0 : i32
    %dma_start3A_740 = tpu.memref_slice %arg10[%dma_start3A_737, %dma_start3A_738, %dma_start3A_739] : memref<3x80x128xf32, #tpu.memory_space<vmem>> -> memref<1x80x128xf32, #tpu.memory_space<vmem>>
    %dma_start3A_741 = tpu.memref_squeeze %dma_start3A_740 : memref<1x80x128xf32, #tpu.memory_space<vmem>> -> memref<80x128xf32, #tpu.memory_space<vmem>>
    %dma_start3A_742 = arith.constant 0 : i32
    %dma_start3A_743 = tpu.memref_slice %arg8[%dma_start3A_736, %dma_start3A_742] : memref<2x2000xi32, #tpu.memory_space<vmem>> -> memref<1x80xi32, #tpu.memory_space<vmem>>
    %dma_start3A_744 = tpu.memref_squeeze %dma_start3A_743 : memref<1x80xi32, #tpu.memory_space<vmem>> -> memref<80xi32, #tpu.memory_space<vmem>>
    %dma_start3A_745 = arith.constant 0 : i32
    %dma_start3A_746 = arith.constant 0 : i32
    %dma_start3A_747 = tpu.memref_slice %arg2[%dma_start3A_745, %dma_start3A_746] : memref<10000x128xf32, #tpu.memory_space<hbm>> -> memref<10000x128xf32, #tpu.memory_space<hbm>>
    tpu.enqueue_indirect_dma source(%dma_start3A_747 : memref<10000x128xf32, #tpu.memory_space<hbm>>) target(%dma_start3A_741 : memref<80x128xf32, #tpu.memory_space<vmem>>) offsets(%dma_start3A_744 : memref<80xi32, #tpu.memory_space<vmem>>) semaphore(%arg13 : memref<!tpu.dma_semaphore, #tpu.memory_space<semaphore_mem>>)
    %dma_start3A_748 = arith.constant 0 : i32
    %dma_start3A_749 = arith.constant 1 : i32
    %dma_start3A_750 = arith.constant 0 : i32
    %dma_start3A_751 = arith.constant 0 : i32
    %dma_start3A_752 = tpu.memref_slice %arg10[%dma_start3A_749, %dma_start3A_750, %dma_start3A_751] : memref<3x80x128xf32, #tpu.memory_space<vmem>> -> memref<1x80x128xf32, #tpu.memory_space<vmem>>
    %dma_start3A_753 = tpu.memref_squeeze %dma_start3A_752 : memref<1x80x128xf32, #tpu.memory_space<vmem>> -> memref<80x128xf32, #tpu.memory_space<vmem>>
    %dma_start3A_754 = arith.constant 80 : i32
    %dma_start3A_755 = tpu.memref_slice %arg8[%dma_start3A_748, %dma_start3A_754] : memref<2x2000xi32, #tpu.memory_space<vmem>> -> memref<1x80xi32, #tpu.memory_space<vmem>>
    %dma_start3A_756 = tpu.memref_squeeze %dma_start3A_755 : memref<1x80xi32, #tpu.memory_space<vmem>> -> memref<80xi32, #tpu.memory_space<vmem>>
    %dma_start3A_757 = arith.constant 0 : i32
    %dma_start3A_758 = arith.constant 0 : i32
    %dma_start3A_759 = tpu.memref_slice %arg2[%dma_start3A_757, %dma_start3A_758] : memref<10000x128xf32, #tpu.memory_space<hbm>> -> memref<10000x128xf32, #tpu.memory_space<hbm>>
    tpu.enqueue_indirect_dma source(%dma_start3A_759 : memref<10000x128xf32, #tpu.memory_space<hbm>>) target(%dma_start3A_753 : memref<80x128xf32, #tpu.memory_space<vmem>>) offsets(%dma_start3A_756 : memref<80xi32, #tpu.memory_space<vmem>>) semaphore(%arg13 : memref<!tpu.dma_semaphore, #tpu.memory_space<semaphore_mem>>)
    %barrier3A = arith.constant 0 : index
    tpu.barrier barrier_id(%barrier3A)
    %scan3A = arith.constant 0 : i32
    %scan3A_760 = arith.constant 125 : i32
    %scan3A_761 = arith.addi %scan3A, %scan3A_760 : i32
    %scan3A_762 = arith.constant 1 : i32
    scf.for %scan3A_820 = %scan3A to %scan3A_761 step %scan3A_762  : i32 {
      %mul3A_821 = arith.constant 1 : i32
      %mul3A_822 = arith.muli %scan3A_820, %mul3A_821 : i32
      %add3A_823 = arith.constant 0 : i32
      %add3A_824 = arith.addi %add3A_823, %mul3A_822 : i32
      %div3A = arith.constant 25 : i32
      %div3A_825 = arith.divsi %add3A_824, %div3A : i32
      %rem3A = arith.constant 25 : i32
      %rem3A_826 = arith.remsi %add3A_824, %rem3A : i32
      %rem3A_827 = arith.constant 2 : i32
      %rem3A_828 = arith.remsi %div3A_825, %rem3A_827 : i32
      %rem3A_829 = arith.constant 3 : i32
      %rem3A_830 = arith.remsi %add3A_824, %rem3A_829 : i32
      %eq3A = arith.constant 1 : i32
      %eq3A_831 = arith.cmpi eq, %rem3A_826, %eq3A : i32
      %add3A_832 = arith.constant 25 : i32
      %add3A_833 = arith.addi %add3A_824, %add3A_832 : i32
      %lt3A = arith.constant 125 : i32
      %lt3A_834 = arith.cmpi slt, %add3A_833, %lt3A : i32
      %and3A = arith.andi %eq3A_831, %lt3A_834 : i1
      %convert_element_type3A = arith.extui %and3A : i1 to i32
      %cond3A = arith.constant 0 : i32
      %cond3A_835 = arith.cmpi ne, %convert_element_type3A, %cond3A : i32
      scf.if %cond3A_835 {
        %add3A_893 = arith.constant 1 : i32
        %add3A_894 = arith.addi %div3A_825, %add3A_893 : i32
        %sub3A = arith.constant 1 : i32
        %sub3A_895 = arith.subi %sub3A, %rem3A_828 : i32
        %mul3A_896 = arith.constant 2000 : i32
        %mul3A_897 = arith.muli %add3A_894, %mul3A_896 : i32
        %add3A_898 = arith.addi %mul3A_2, %mul3A_897 : i32
        %dma_start3A_899 = arith.constant 0 : i32
        %dma_start3A_900 = arith.constant 0 : i32
        %dma_start3A_901 = tpu.memref_slice %arg8[%sub3A_895, %dma_start3A_900] : memref<2x2000xi32, #tpu.memory_space<vmem>> -> memref<1x2000xi32, #tpu.memory_space<vmem>>
        %dma_start3A_902 = tpu.memref_squeeze %dma_start3A_901 : memref<1x2000xi32, #tpu.memory_space<vmem>> -> memref<2000xi32, #tpu.memory_space<vmem>>
        %dma_start3A_903 = tpu.memref_slice %arg3[%dma_start3A_899, %add3A_898] : memref<2x320000xi32, #tpu.memory_space<hbm>> -> memref<1x2000xi32, #tpu.memory_space<hbm>>
        %dma_start3A_904 = tpu.memref_squeeze %dma_start3A_903 : memref<1x2000xi32, #tpu.memory_space<hbm>> -> memref<2000xi32, #tpu.memory_space<hbm>>
        %dma_start3A_905 = arith.constant 0 : i32
        %dma_start3A_906 = tpu.memref_slice %arg8[%sub3A_895, %dma_start3A_905] : memref<2x2000xi32, #tpu.memory_space<vmem>> -> memref<1x2000xi32, #tpu.memory_space<vmem>>
        %dma_start3A_907 = tpu.memref_squeeze %dma_start3A_906 : memref<1x2000xi32, #tpu.memory_space<vmem>> -> memref<2000xi32, #tpu.memory_space<vmem>>
        %dma_start3A_908 = tpu.memref_slice %arg3[%dma_start3A_899, %add3A_898] : memref<2x320000xi32, #tpu.memory_space<hbm>> -> memref<1x2000xi32, #tpu.memory_space<hbm>>
        %dma_start3A_909 = tpu.memref_squeeze %dma_start3A_908 : memref<1x2000xi32, #tpu.memory_space<hbm>> -> memref<2000xi32, #tpu.memory_space<hbm>>
        tpu.enqueue_dma source(%dma_start3A_909 : memref<2000xi32, #tpu.memory_space<hbm>>) target(%dma_start3A_907 : memref<2000xi32, #tpu.memory_space<vmem>>) target_semaphore(%arg15 : memref<!tpu.dma_semaphore, #tpu.memory_space<semaphore_mem>>)
        %add3A_910 = arith.constant 0 : i32
        %add3A_911 = arith.addi %add3A_898, %add3A_910 : i32
        %dma_start3A_912 = arith.constant 1 : i32
        %dma_start3A_913 = arith.constant 0 : i32
        %dma_start3A_914 = arith.constant 0 : i32
        %dma_start3A_915 = tpu.memref_slice %arg9[%sub3A_895, %dma_start3A_913, %dma_start3A_914] : memref<2x25x80xi32, #tpu.memory_space<vmem>> -> memref<1x1x80xi32, #tpu.memory_space<vmem>>
        %dma_start3A_916 = tpu.memref_squeeze %dma_start3A_915 : memref<1x1x80xi32, #tpu.memory_space<vmem>> -> memref<80xi32, #tpu.memory_space<vmem>>
        %dma_start3A_917 = tpu.memref_slice %arg3[%dma_start3A_912, %add3A_911] : memref<2x320000xi32, #tpu.memory_space<hbm>> -> memref<1x80xi32, #tpu.memory_space<hbm>>
        %dma_start3A_918 = tpu.memref_squeeze %dma_start3A_917 : memref<1x80xi32, #tpu.memory_space<hbm>> -> memref<80xi32, #tpu.memory_space<hbm>>
        %dma_start3A_919 = arith.constant 0 : i32
        %dma_start3A_920 = tpu.memref_slice %arg9[%sub3A_895, %dma_start3A_913, %dma_start3A_919] : memref<2x25x80xi32, #tpu.memory_space<vmem>> -> memref<1x1x80xi32, #tpu.memory_space<vmem>>
        %dma_start3A_921 = tpu.memref_squeeze %dma_start3A_920 : memref<1x1x80xi32, #tpu.memory_space<vmem>> -> memref<80xi32, #tpu.memory_space<vmem>>
        %dma_start3A_922 = tpu.memref_slice %arg3[%dma_start3A_912, %add3A_911] : memref<2x320000xi32, #tpu.memory_space<hbm>> -> memref<1x80xi32, #tpu.memory_space<hbm>>
        %dma_start3A_923 = tpu.memref_squeeze %dma_start3A_922 : memref<1x80xi32, #tpu.memory_space<hbm>> -> memref<80xi32, #tpu.memory_space<hbm>>
        tpu.enqueue_dma source(%dma_start3A_923 : memref<80xi32, #tpu.memory_space<hbm>>) target(%dma_start3A_921 : memref<80xi32, #tpu.memory_space<vmem>>) target_semaphore(%arg15 : memref<!tpu.dma_semaphore, #tpu.memory_space<semaphore_mem>>)
        %add3A_924 = arith.constant 80 : i32
        %add3A_925 = arith.addi %add3A_898, %add3A_924 : i32
        %dma_start3A_926 = arith.constant 1 : i32
        %dma_start3A_927 = arith.constant 1 : i32
        %dma_start3A_928 = arith.constant 0 : i32
        %dma_start3A_929 = tpu.memref_slice %arg9[%sub3A_895, %dma_start3A_927, %dma_start3A_928] : memref<2x25x80xi32, #tpu.memory_space<vmem>> -> memref<1x1x80xi32, #tpu.memory_space<vmem>>
        %dma_start3A_930 = tpu.memref_squeeze %dma_start3A_929 : memref<1x1x80xi32, #tpu.memory_space<vmem>> -> memref<80xi32, #tpu.memory_space<vmem>>
        %dma_start3A_931 = tpu.memref_slice %arg3[%dma_start3A_926, %add3A_925] : memref<2x320000xi32, #tpu.memory_space<hbm>> -> memref<1x80xi32, #tpu.memory_space<hbm>>
        %dma_start3A_932 = tpu.memref_squeeze %dma_start3A_931 : memref<1x80xi32, #tpu.memory_space<hbm>> -> memref<80xi32, #tpu.memory_space<hbm>>
        %dma_start3A_933 = arith.constant 0 : i32
        %dma_start3A_934 = tpu.memref_slice %arg9[%sub3A_895, %dma_start3A_927, %dma_start3A_933] : memref<2x25x80xi32, #tpu.memory_space<vmem>> -> memref<1x1x80xi32, #tpu.memory_space<vmem>>
        %dma_start3A_935 = tpu.memref_squeeze %dma_start3A_934 : memref<1x1x80xi32, #tpu.memory_space<vmem>> -> memref<80xi32, #tpu.memory_space<vmem>>
        %dma_start3A_936 = tpu.memref_slice %arg3[%dma_start3A_926, %add3A_925] : memref<2x320000xi32, #tpu.memory_space<hbm>> -> memref<1x80xi32, #tpu.memory_space<hbm>>
        %dma_start3A_937 = tpu.memref_squeeze %dma_start3A_936 : memref<1x80xi32, #tpu.memory_space<hbm>> -> memref<80xi32, #tpu.memory_space<hbm>>
        tpu.enqueue_dma source(%dma_start3A_937 : memref<80xi32, #tpu.memory_space<hbm>>) target(%dma_start3A_935 : memref<80xi32, #tpu.memory_space<vmem>>) target_semaphore(%arg15 : memref<!tpu.dma_semaphore, #tpu.memory_space<semaphore_mem>>)
        %add3A_938 = arith.constant 160 : i32
        %add3A_939 = arith.addi %add3A_898, %add3A_938 : i32
        %dma_start3A_940 = arith.constant 1 : i32
        %dma_start3A_941 = arith.constant 2 : i32
        %dma_start3A_942 = arith.constant 0 : i32
        %dma_start3A_943 = tpu.memref_slice %arg9[%sub3A_895, %dma_start3A_941, %dma_start3A_942] : memref<2x25x80xi32, #tpu.memory_space<vmem>> -> memref<1x1x80xi32, #tpu.memory_space<vmem>>
        %dma_start3A_944 = tpu.memref_squeeze %dma_start3A_943 : memref<1x1x80xi32, #tpu.memory_space<vmem>> -> memref<80xi32, #tpu.memory_space<vmem>>
        %dma_start3A_945 = tpu.memref_slice %arg3[%dma_start3A_940, %add3A_939] : memref<2x320000xi32, #tpu.memory_space<hbm>> -> memref<1x80xi32, #tpu.memory_space<hbm>>
        %dma_start3A_946 = tpu.memref_squeeze %dma_start3A_945 : memref<1x80xi32, #tpu.memory_space<hbm>> -> memref<80xi32, #tpu.memory_space<hbm>>
        %dma_start3A_947 = arith.constant 0 : i32
        %dma_start3A_948 = tpu.memref_slice %arg9[%sub3A_895, %dma_start3A_941, %dma_start3A_947] : memref<2x25x80xi32, #tpu.memory_space<vmem>> -> memref<1x1x80xi32, #tpu.memory_space<vmem>>
        %dma_start3A_949 = tpu.memref_squeeze %dma_start3A_948 : memref<1x1x80xi32, #tpu.memory_space<vmem>> -> memref<80xi32, #tpu.memory_space<vmem>>
        %dma_start3A_950 = tpu.memref_slice %arg3[%dma_start3A_940, %add3A_939] : memref<2x320000xi32, #tpu.memory_space<hbm>> -> memref<1x80xi32, #tpu.memory_space<hbm>>
        %dma_start3A_951 = tpu.memref_squeeze %dma_start3A_950 : memref<1x80xi32, #tpu.memory_space<hbm>> -> memref<80xi32, #tpu.memory_space<hbm>>
        tpu.enqueue_dma source(%dma_start3A_951 : memref<80xi32, #tpu.memory_space<hbm>>) target(%dma_start3A_949 : memref<80xi32, #tpu.memory_space<vmem>>) target_semaphore(%arg15 : memref<!tpu.dma_semaphore, #tpu.memory_space<semaphore_mem>>)
        %add3A_952 = arith.constant 240 : i32
        %add3A_953 = arith.addi %add3A_898, %add3A_952 : i32
        %dma_start3A_954 = arith.constant 1 : i32
        %dma_start3A_955 = arith.constant 3 : i32
        %dma_start3A_956 = arith.constant 0 : i32
        %dma_start3A_957 = tpu.memref_slice %arg9[%sub3A_895, %dma_start3A_955, %dma_start3A_956] : memref<2x25x80xi32, #tpu.memory_space<vmem>> -> memref<1x1x80xi32, #tpu.memory_space<vmem>>
        %dma_start3A_958 = tpu.memref_squeeze %dma_start3A_957 : memref<1x1x80xi32, #tpu.memory_space<vmem>> -> memref<80xi32, #tpu.memory_space<vmem>>
        %dma_start3A_959 = tpu.memref_slice %arg3[%dma_start3A_954, %add3A_953] : memref<2x320000xi32, #tpu.memory_space<hbm>> -> memref<1x80xi32, #tpu.memory_space<hbm>>
        %dma_start3A_960 = tpu.memref_squeeze %dma_start3A_959 : memref<1x80xi32, #tpu.memory_space<hbm>> -> memref<80xi32, #tpu.memory_space<hbm>>
        %dma_start3A_961 = arith.constant 0 : i32
        %dma_start3A_962 = tpu.memref_slice %arg9[%sub3A_895, %dma_start3A_955, %dma_start3A_961] : memref<2x25x80xi32, #tpu.memory_space<vmem>> -> memref<1x1x80xi32, #tpu.memory_space<vmem>>
        %dma_start3A_963 = tpu.memref_squeeze %dma_start3A_962 : memref<1x1x80xi32, #tpu.memory_space<vmem>> -> memref<80xi32, #tpu.memory_space<vmem>>
        %dma_start3A_964 = tpu.memref_slice %arg3[%dma_start3A_954, %add3A_953] : memref<2x320000xi32, #tpu.memory_space<hbm>> -> memref<1x80xi32, #tpu.memory_space<hbm>>
        %dma_start3A_965 = tpu.memref_squeeze %dma_start3A_964 : memref<1x80xi32, #tpu.memory_space<hbm>> -> memref<80xi32, #tpu.memory_space<hbm>>
        tpu.enqueue_dma source(%dma_start3A_965 : memref<80xi32, #tpu.memory_space<hbm>>) target(%dma_start3A_963 : memref<80xi32, #tpu.memory_space<vmem>>) target_semaphore(%arg15 : memref<!tpu.dma_semaphore, #tpu.memory_space<semaphore_mem>>)
        %add3A_966 = arith.constant 320 : i32
        %add3A_967 = arith.addi %add3A_898, %add3A_966 : i32
        %dma_start3A_968 = arith.constant 1 : i32
        %dma_start3A_969 = arith.constant 4 : i32
        %dma_start3A_970 = arith.constant 0 : i32
        %dma_start3A_971 = tpu.memref_slice %arg9[%sub3A_895, %dma_start3A_969, %dma_start3A_970] : memref<2x25x80xi32, #tpu.memory_space<vmem>> -> memref<1x1x80xi32, #tpu.memory_space<vmem>>
        %dma_start3A_972 = tpu.memref_squeeze %dma_start3A_971 : memref<1x1x80xi32, #tpu.memory_space<vmem>> -> memref<80xi32, #tpu.memory_space<vmem>>
        %dma_start3A_973 = tpu.memref_slice %arg3[%dma_start3A_968, %add3A_967] : memref<2x320000xi32, #tpu.memory_space<hbm>> -> memref<1x80xi32, #tpu.memory_space<hbm>>
        %dma_start3A_974 = tpu.memref_squeeze %dma_start3A_973 : memref<1x80xi32, #tpu.memory_space<hbm>> -> memref<80xi32, #tpu.memory_space<hbm>>
        %dma_start3A_975 = arith.constant 0 : i32
        %dma_start3A_976 = tpu.memref_slice %arg9[%sub3A_895, %dma_start3A_969, %dma_start3A_975] : memref<2x25x80xi32, #tpu.memory_space<vmem>> -> memref<1x1x80xi32, #tpu.memory_space<vmem>>
        %dma_start3A_977 = tpu.memref_squeeze %dma_start3A_976 : memref<1x1x80xi32, #tpu.memory_space<vmem>> -> memref<80xi32, #tpu.memory_space<vmem>>
        %dma_start3A_978 = tpu.memref_slice %arg3[%dma_start3A_968, %add3A_967] : memref<2x320000xi32, #tpu.memory_space<hbm>> -> memref<1x80xi32, #tpu.memory_space<hbm>>
        %dma_start3A_979 = tpu.memref_squeeze %dma_start3A_978 : memref<1x80xi32, #tpu.memory_space<hbm>> -> memref<80xi32, #tpu.memory_space<hbm>>
        tpu.enqueue_dma source(%dma_start3A_979 : memref<80xi32, #tpu.memory_space<hbm>>) target(%dma_start3A_977 : memref<80xi32, #tpu.memory_space<vmem>>) target_semaphore(%arg15 : memref<!tpu.dma_semaphore, #tpu.memory_space<semaphore_mem>>)
        %add3A_980 = arith.constant 400 : i32
        %add3A_981 = arith.addi %add3A_898, %add3A_980 : i32
        %dma_start3A_982 = arith.constant 1 : i32
        %dma_start3A_983 = arith.constant 5 : i32
        %dma_start3A_984 = arith.constant 0 : i32
        %dma_start3A_985 = tpu.memref_slice %arg9[%sub3A_895, %dma_start3A_983, %dma_start3A_984] : memref<2x25x80xi32, #tpu.memory_space<vmem>> -> memref<1x1x80xi32, #tpu.memory_space<vmem>>
        %dma_start3A_986 = tpu.memref_squeeze %dma_start3A_985 : memref<1x1x80xi32, #tpu.memory_space<vmem>> -> memref<80xi32, #tpu.memory_space<vmem>>
        %dma_start3A_987 = tpu.memref_slice %arg3[%dma_start3A_982, %add3A_981] : memref<2x320000xi32, #tpu.memory_space<hbm>> -> memref<1x80xi32, #tpu.memory_space<hbm>>
        %dma_start3A_988 = tpu.memref_squeeze %dma_start3A_987 : memref<1x80xi32, #tpu.memory_space<hbm>> -> memref<80xi32, #tpu.memory_space<hbm>>
        %dma_start3A_989 = arith.constant 0 : i32
        %dma_start3A_990 = tpu.memref_slice %arg9[%sub3A_895, %dma_start3A_983, %dma_start3A_989] : memref<2x25x80xi32, #tpu.memory_space<vmem>> -> memref<1x1x80xi32, #tpu.memory_space<vmem>>
        %dma_start3A_991 = tpu.memref_squeeze %dma_start3A_990 : memref<1x1x80xi32, #tpu.memory_space<vmem>> -> memref<80xi32, #tpu.memory_space<vmem>>
        %dma_start3A_992 = tpu.memref_slice %arg3[%dma_start3A_982, %add3A_981] : memref<2x320000xi32, #tpu.memory_space<hbm>> -> memref<1x80xi32, #tpu.memory_space<hbm>>
        %dma_start3A_993 = tpu.memref_squeeze %dma_start3A_992 : memref<1x80xi32, #tpu.memory_space<hbm>> -> memref<80xi32, #tpu.memory_space<hbm>>
        tpu.enqueue_dma source(%dma_start3A_993 : memref<80xi32, #tpu.memory_space<hbm>>) target(%dma_start3A_991 : memref<80xi32, #tpu.memory_space<vmem>>) target_semaphore(%arg15 : memref<!tpu.dma_semaphore, #tpu.memory_space<semaphore_mem>>)
        %add3A_994 = arith.constant 480 : i32
        %add3A_995 = arith.addi %add3A_898, %add3A_994 : i32
        %dma_start3A_996 = arith.constant 1 : i32
        %dma_start3A_997 = arith.constant 6 : i32
        %dma_start3A_998 = arith.constant 0 : i32
        %dma_start3A_999 = tpu.memref_slice %arg9[%sub3A_895, %dma_start3A_997, %dma_start3A_998] : memref<2x25x80xi32, #tpu.memory_space<vmem>> -> memref<1x1x80xi32, #tpu.memory_space<vmem>>
        %dma_start3A_1000 = tpu.memref_squeeze %dma_start3A_999 : memref<1x1x80xi32, #tpu.memory_space<vmem>> -> memref<80xi32, #tpu.memory_space<vmem>>
        %dma_start3A_1001 = tpu.memref_slice %arg3[%dma_start3A_996, %add3A_995] : memref<2x320000xi32, #tpu.memory_space<hbm>> -> memref<1x80xi32, #tpu.memory_space<hbm>>
        %dma_start3A_1002 = tpu.memref_squeeze %dma_start3A_1001 : memref<1x80xi32, #tpu.memory_space<hbm>> -> memref<80xi32, #tpu.memory_space<hbm>>
        %dma_start3A_1003 = arith.constant 0 : i32
        %dma_start3A_1004 = tpu.memref_slice %arg9[%sub3A_895, %dma_start3A_997, %dma_start3A_1003] : memref<2x25x80xi32, #tpu.memory_space<vmem>> -> memref<1x1x80xi32, #tpu.memory_space<vmem>>
        %dma_start3A_1005 = tpu.memref_squeeze %dma_start3A_1004 : memref<1x1x80xi32, #tpu.memory_space<vmem>> -> memref<80xi32, #tpu.memory_space<vmem>>
        %dma_start3A_1006 = tpu.memref_slice %arg3[%dma_start3A_996, %add3A_995] : memref<2x320000xi32, #tpu.memory_space<hbm>> -> memref<1x80xi32, #tpu.memory_space<hbm>>
        %dma_start3A_1007 = tpu.memref_squeeze %dma_start3A_1006 : memref<1x80xi32, #tpu.memory_space<hbm>> -> memref<80xi32, #tpu.memory_space<hbm>>
        tpu.enqueue_dma source(%dma_start3A_1007 : memref<80xi32, #tpu.memory_space<hbm>>) target(%dma_start3A_1005 : memref<80xi32, #tpu.memory_space<vmem>>) target_semaphore(%arg15 : memref<!tpu.dma_semaphore, #tpu.memory_space<semaphore_mem>>)
        %add3A_1008 = arith.constant 560 : i32
        %add3A_1009 = arith.addi %add3A_898, %add3A_1008 : i32
        %dma_start3A_1010 = arith.constant 1 : i32
        %dma_start3A_1011 = arith.constant 7 : i32
        %dma_start3A_1012 = arith.constant 0 : i32
        %dma_start3A_1013 = tpu.memref_slice %arg9[%sub3A_895, %dma_start3A_1011, %dma_start3A_1012] : memref<2x25x80xi32, #tpu.memory_space<vmem>> -> memref<1x1x80xi32, #tpu.memory_space<vmem>>
        %dma_start3A_1014 = tpu.memref_squeeze %dma_start3A_1013 : memref<1x1x80xi32, #tpu.memory_space<vmem>> -> memref<80xi32, #tpu.memory_space<vmem>>
        %dma_start3A_1015 = tpu.memref_slice %arg3[%dma_start3A_1010, %add3A_1009] : memref<2x320000xi32, #tpu.memory_space<hbm>> -> memref<1x80xi32, #tpu.memory_space<hbm>>
        %dma_start3A_1016 = tpu.memref_squeeze %dma_start3A_1015 : memref<1x80xi32, #tpu.memory_space<hbm>> -> memref<80xi32, #tpu.memory_space<hbm>>
        %dma_start3A_1017 = arith.constant 0 : i32
        %dma_start3A_1018 = tpu.memref_slice %arg9[%sub3A_895, %dma_start3A_1011, %dma_start3A_1017] : memref<2x25x80xi32, #tpu.memory_space<vmem>> -> memref<1x1x80xi32, #tpu.memory_space<vmem>>
        %dma_start3A_1019 = tpu.memref_squeeze %dma_start3A_1018 : memref<1x1x80xi32, #tpu.memory_space<vmem>> -> memref<80xi32, #tpu.memory_space<vmem>>
        %dma_start3A_1020 = tpu.memref_slice %arg3[%dma_start3A_1010, %add3A_1009] : memref<2x320000xi32, #tpu.memory_space<hbm>> -> memref<1x80xi32, #tpu.memory_space<hbm>>
        %dma_start3A_1021 = tpu.memref_squeeze %dma_start3A_1020 : memref<1x80xi32, #tpu.memory_space<hbm>> -> memref<80xi32, #tpu.memory_space<hbm>>
        tpu.enqueue_dma source(%dma_start3A_1021 : memref<80xi32, #tpu.memory_space<hbm>>) target(%dma_start3A_1019 : memref<80xi32, #tpu.memory_space<vmem>>) target_semaphore(%arg15 : memref<!tpu.dma_semaphore, #tpu.memory_space<semaphore_mem>>)
        %add3A_1022 = arith.constant 640 : i32
        %add3A_1023 = arith.addi %add3A_898, %add3A_1022 : i32
        %dma_start3A_1024 = arith.constant 1 : i32
        %dma_start3A_1025 = arith.constant 8 : i32
        %dma_start3A_1026 = arith.constant 0 : i32
        %dma_start3A_1027 = tpu.memref_slice %arg9[%sub3A_895, %dma_start3A_1025, %dma_start3A_1026] : memref<2x25x80xi32, #tpu.memory_space<vmem>> -> memref<1x1x80xi32, #tpu.memory_space<vmem>>
        %dma_start3A_1028 = tpu.memref_squeeze %dma_start3A_1027 : memref<1x1x80xi32, #tpu.memory_space<vmem>> -> memref<80xi32, #tpu.memory_space<vmem>>
        %dma_start3A_1029 = tpu.memref_slice %arg3[%dma_start3A_1024, %add3A_1023] : memref<2x320000xi32, #tpu.memory_space<hbm>> -> memref<1x80xi32, #tpu.memory_space<hbm>>
        %dma_start3A_1030 = tpu.memref_squeeze %dma_start3A_1029 : memref<1x80xi32, #tpu.memory_space<hbm>> -> memref<80xi32, #tpu.memory_space<hbm>>
        %dma_start3A_1031 = arith.constant 0 : i32
        %dma_start3A_1032 = tpu.memref_slice %arg9[%sub3A_895, %dma_start3A_1025, %dma_start3A_1031] : memref<2x25x80xi32, #tpu.memory_space<vmem>> -> memref<1x1x80xi32, #tpu.memory_space<vmem>>
        %dma_start3A_1033 = tpu.memref_squeeze %dma_start3A_1032 : memref<1x1x80xi32, #tpu.memory_space<vmem>> -> memref<80xi32, #tpu.memory_space<vmem>>
        %dma_start3A_1034 = tpu.memref_slice %arg3[%dma_start3A_1024, %add3A_1023] : memref<2x320000xi32, #tpu.memory_space<hbm>> -> memref<1x80xi32, #tpu.memory_space<hbm>>
        %dma_start3A_1035 = tpu.memref_squeeze %dma_start3A_1034 : memref<1x80xi32, #tpu.memory_space<hbm>> -> memref<80xi32, #tpu.memory_space<hbm>>
        tpu.enqueue_dma source(%dma_start3A_1035 : memref<80xi32, #tpu.memory_space<hbm>>) target(%dma_start3A_1033 : memref<80xi32, #tpu.memory_space<vmem>>) target_semaphore(%arg15 : memref<!tpu.dma_semaphore, #tpu.memory_space<semaphore_mem>>)
        %add3A_1036 = arith.constant 720 : i32
        %add3A_1037 = arith.addi %add3A_898, %add3A_1036 : i32
        %dma_start3A_1038 = arith.constant 1 : i32
        %dma_start3A_1039 = arith.constant 9 : i32
        %dma_start3A_1040 = arith.constant 0 : i32
        %dma_start3A_1041 = tpu.memref_slice %arg9[%sub3A_895, %dma_start3A_1039, %dma_start3A_1040] : memref<2x25x80xi32, #tpu.memory_space<vmem>> -> memref<1x1x80xi32, #tpu.memory_space<vmem>>
        %dma_start3A_1042 = tpu.memref_squeeze %dma_start3A_1041 : memref<1x1x80xi32, #tpu.memory_space<vmem>> -> memref<80xi32, #tpu.memory_space<vmem>>
        %dma_start3A_1043 = tpu.memref_slice %arg3[%dma_start3A_1038, %add3A_1037] : memref<2x320000xi32, #tpu.memory_space<hbm>> -> memref<1x80xi32, #tpu.memory_space<hbm>>
        %dma_start3A_1044 = tpu.memref_squeeze %dma_start3A_1043 : memref<1x80xi32, #tpu.memory_space<hbm>> -> memref<80xi32, #tpu.memory_space<hbm>>
        %dma_start3A_1045 = arith.constant 0 : i32
        %dma_start3A_1046 = tpu.memref_slice %arg9[%sub3A_895, %dma_start3A_1039, %dma_start3A_1045] : memref<2x25x80xi32, #tpu.memory_space<vmem>> -> memref<1x1x80xi32, #tpu.memory_space<vmem>>
        %dma_start3A_1047 = tpu.memref_squeeze %dma_start3A_1046 : memref<1x1x80xi32, #tpu.memory_space<vmem>> -> memref<80xi32, #tpu.memory_space<vmem>>
        %dma_start3A_1048 = tpu.memref_slice %arg3[%dma_start3A_1038, %add3A_1037] : memref<2x320000xi32, #tpu.memory_space<hbm>> -> memref<1x80xi32, #tpu.memory_space<hbm>>
        %dma_start3A_1049 = tpu.memref_squeeze %dma_start3A_1048 : memref<1x80xi32, #tpu.memory_space<hbm>> -> memref<80xi32, #tpu.memory_space<hbm>>
        tpu.enqueue_dma source(%dma_start3A_1049 : memref<80xi32, #tpu.memory_space<hbm>>) target(%dma_start3A_1047 : memref<80xi32, #tpu.memory_space<vmem>>) target_semaphore(%arg15 : memref<!tpu.dma_semaphore, #tpu.memory_space<semaphore_mem>>)
        %add3A_1050 = arith.constant 800 : i32
        %add3A_1051 = arith.addi %add3A_898, %add3A_1050 : i32
        %dma_start3A_1052 = arith.constant 1 : i32
        %dma_start3A_1053 = arith.constant 10 : i32
        %dma_start3A_1054 = arith.constant 0 : i32
        %dma_start3A_1055 = tpu.memref_slice %arg9[%sub3A_895, %dma_start3A_1053, %dma_start3A_1054] : memref<2x25x80xi32, #tpu.memory_space<vmem>> -> memref<1x1x80xi32, #tpu.memory_space<vmem>>
        %dma_start3A_1056 = tpu.memref_squeeze %dma_start3A_1055 : memref<1x1x80xi32, #tpu.memory_space<vmem>> -> memref<80xi32, #tpu.memory_space<vmem>>
        %dma_start3A_1057 = tpu.memref_slice %arg3[%dma_start3A_1052, %add3A_1051] : memref<2x320000xi32, #tpu.memory_space<hbm>> -> memref<1x80xi32, #tpu.memory_space<hbm>>
        %dma_start3A_1058 = tpu.memref_squeeze %dma_start3A_1057 : memref<1x80xi32, #tpu.memory_space<hbm>> -> memref<80xi32, #tpu.memory_space<hbm>>
        %dma_start3A_1059 = arith.constant 0 : i32
        %dma_start3A_1060 = tpu.memref_slice %arg9[%sub3A_895, %dma_start3A_1053, %dma_start3A_1059] : memref<2x25x80xi32, #tpu.memory_space<vmem>> -> memref<1x1x80xi32, #tpu.memory_space<vmem>>
        %dma_start3A_1061 = tpu.memref_squeeze %dma_start3A_1060 : memref<1x1x80xi32, #tpu.memory_space<vmem>> -> memref<80xi32, #tpu.memory_space<vmem>>
        %dma_start3A_1062 = tpu.memref_slice %arg3[%dma_start3A_1052, %add3A_1051] : memref<2x320000xi32, #tpu.memory_space<hbm>> -> memref<1x80xi32, #tpu.memory_space<hbm>>
        %dma_start3A_1063 = tpu.memref_squeeze %dma_start3A_1062 : memref<1x80xi32, #tpu.memory_space<hbm>> -> memref<80xi32, #tpu.memory_space<hbm>>
        tpu.enqueue_dma source(%dma_start3A_1063 : memref<80xi32, #tpu.memory_space<hbm>>) target(%dma_start3A_1061 : memref<80xi32, #tpu.memory_space<vmem>>) target_semaphore(%arg15 : memref<!tpu.dma_semaphore, #tpu.memory_space<semaphore_mem>>)
        %add3A_1064 = arith.constant 880 : i32
        %add3A_1065 = arith.addi %add3A_898, %add3A_1064 : i32
        %dma_start3A_1066 = arith.constant 1 : i32
        %dma_start3A_1067 = arith.constant 11 : i32
        %dma_start3A_1068 = arith.constant 0 : i32
        %dma_start3A_1069 = tpu.memref_slice %arg9[%sub3A_895, %dma_start3A_1067, %dma_start3A_1068] : memref<2x25x80xi32, #tpu.memory_space<vmem>> -> memref<1x1x80xi32, #tpu.memory_space<vmem>>
        %dma_start3A_1070 = tpu.memref_squeeze %dma_start3A_1069 : memref<1x1x80xi32, #tpu.memory_space<vmem>> -> memref<80xi32, #tpu.memory_space<vmem>>
        %dma_start3A_1071 = tpu.memref_slice %arg3[%dma_start3A_1066, %add3A_1065] : memref<2x320000xi32, #tpu.memory_space<hbm>> -> memref<1x80xi32, #tpu.memory_space<hbm>>
        %dma_start3A_1072 = tpu.memref_squeeze %dma_start3A_1071 : memref<1x80xi32, #tpu.memory_space<hbm>> -> memref<80xi32, #tpu.memory_space<hbm>>
        %dma_start3A_1073 = arith.constant 0 : i32
        %dma_start3A_1074 = tpu.memref_slice %arg9[%sub3A_895, %dma_start3A_1067, %dma_start3A_1073] : memref<2x25x80xi32, #tpu.memory_space<vmem>> -> memref<1x1x80xi32, #tpu.memory_space<vmem>>
        %dma_start3A_1075 = tpu.memref_squeeze %dma_start3A_1074 : memref<1x1x80xi32, #tpu.memory_space<vmem>> -> memref<80xi32, #tpu.memory_space<vmem>>
        %dma_start3A_1076 = tpu.memref_slice %arg3[%dma_start3A_1066, %add3A_1065] : memref<2x320000xi32, #tpu.memory_space<hbm>> -> memref<1x80xi32, #tpu.memory_space<hbm>>
        %dma_start3A_1077 = tpu.memref_squeeze %dma_start3A_1076 : memref<1x80xi32, #tpu.memory_space<hbm>> -> memref<80xi32, #tpu.memory_space<hbm>>
        tpu.enqueue_dma source(%dma_start3A_1077 : memref<80xi32, #tpu.memory_space<hbm>>) target(%dma_start3A_1075 : memref<80xi32, #tpu.memory_space<vmem>>) target_semaphore(%arg15 : memref<!tpu.dma_semaphore, #tpu.memory_space<semaphore_mem>>)
        %add3A_1078 = arith.constant 960 : i32
        %add3A_1079 = arith.addi %add3A_898, %add3A_1078 : i32
        %dma_start3A_1080 = arith.constant 1 : i32
        %dma_start3A_1081 = arith.constant 12 : i32
        %dma_start3A_1082 = arith.constant 0 : i32
        %dma_start3A_1083 = tpu.memref_slice %arg9[%sub3A_895, %dma_start3A_1081, %dma_start3A_1082] : memref<2x25x80xi32, #tpu.memory_space<vmem>> -> memref<1x1x80xi32, #tpu.memory_space<vmem>>
        %dma_start3A_1084 = tpu.memref_squeeze %dma_start3A_1083 : memref<1x1x80xi32, #tpu.memory_space<vmem>> -> memref<80xi32, #tpu.memory_space<vmem>>
        %dma_start3A_1085 = tpu.memref_slice %arg3[%dma_start3A_1080, %add3A_1079] : memref<2x320000xi32, #tpu.memory_space<hbm>> -> memref<1x80xi32, #tpu.memory_space<hbm>>
        %dma_start3A_1086 = tpu.memref_squeeze %dma_start3A_1085 : memref<1x80xi32, #tpu.memory_space<hbm>> -> memref<80xi32, #tpu.memory_space<hbm>>
        %dma_start3A_1087 = arith.constant 0 : i32
        %dma_start3A_1088 = tpu.memref_slice %arg9[%sub3A_895, %dma_start3A_1081, %dma_start3A_1087] : memref<2x25x80xi32, #tpu.memory_space<vmem>> -> memref<1x1x80xi32, #tpu.memory_space<vmem>>
        %dma_start3A_1089 = tpu.memref_squeeze %dma_start3A_1088 : memref<1x1x80xi32, #tpu.memory_space<vmem>> -> memref<80xi32, #tpu.memory_space<vmem>>
        %dma_start3A_1090 = tpu.memref_slice %arg3[%dma_start3A_1080, %add3A_1079] : memref<2x320000xi32, #tpu.memory_space<hbm>> -> memref<1x80xi32, #tpu.memory_space<hbm>>
        %dma_start3A_1091 = tpu.memref_squeeze %dma_start3A_1090 : memref<1x80xi32, #tpu.memory_space<hbm>> -> memref<80xi32, #tpu.memory_space<hbm>>
        tpu.enqueue_dma source(%dma_start3A_1091 : memref<80xi32, #tpu.memory_space<hbm>>) target(%dma_start3A_1089 : memref<80xi32, #tpu.memory_space<vmem>>) target_semaphore(%arg15 : memref<!tpu.dma_semaphore, #tpu.memory_space<semaphore_mem>>)
        %add3A_1092 = arith.constant 1040 : i32
        %add3A_1093 = arith.addi %add3A_898, %add3A_1092 : i32
        %dma_start3A_1094 = arith.constant 1 : i32
        %dma_start3A_1095 = arith.constant 13 : i32
        %dma_start3A_1096 = arith.constant 0 : i32
        %dma_start3A_1097 = tpu.memref_slice %arg9[%sub3A_895, %dma_start3A_1095, %dma_start3A_1096] : memref<2x25x80xi32, #tpu.memory_space<vmem>> -> memref<1x1x80xi32, #tpu.memory_space<vmem>>
        %dma_start3A_1098 = tpu.memref_squeeze %dma_start3A_1097 : memref<1x1x80xi32, #tpu.memory_space<vmem>> -> memref<80xi32, #tpu.memory_space<vmem>>
        %dma_start3A_1099 = tpu.memref_slice %arg3[%dma_start3A_1094, %add3A_1093] : memref<2x320000xi32, #tpu.memory_space<hbm>> -> memref<1x80xi32, #tpu.memory_space<hbm>>
        %dma_start3A_1100 = tpu.memref_squeeze %dma_start3A_1099 : memref<1x80xi32, #tpu.memory_space<hbm>> -> memref<80xi32, #tpu.memory_space<hbm>>
        %dma_start3A_1101 = arith.constant 0 : i32
        %dma_start3A_1102 = tpu.memref_slice %arg9[%sub3A_895, %dma_start3A_1095, %dma_start3A_1101] : memref<2x25x80xi32, #tpu.memory_space<vmem>> -> memref<1x1x80xi32, #tpu.memory_space<vmem>>
        %dma_start3A_1103 = tpu.memref_squeeze %dma_start3A_1102 : memref<1x1x80xi32, #tpu.memory_space<vmem>> -> memref<80xi32, #tpu.memory_space<vmem>>
        %dma_start3A_1104 = tpu.memref_slice %arg3[%dma_start3A_1094, %add3A_1093] : memref<2x320000xi32, #tpu.memory_space<hbm>> -> memref<1x80xi32, #tpu.memory_space<hbm>>
        %dma_start3A_1105 = tpu.memref_squeeze %dma_start3A_1104 : memref<1x80xi32, #tpu.memory_space<hbm>> -> memref<80xi32, #tpu.memory_space<hbm>>
        tpu.enqueue_dma source(%dma_start3A_1105 : memref<80xi32, #tpu.memory_space<hbm>>) target(%dma_start3A_1103 : memref<80xi32, #tpu.memory_space<vmem>>) target_semaphore(%arg15 : memref<!tpu.dma_semaphore, #tpu.memory_space<semaphore_mem>>)
        %add3A_1106 = arith.constant 1120 : i32
        %add3A_1107 = arith.addi %add3A_898, %add3A_1106 : i32
        %dma_start3A_1108 = arith.constant 1 : i32
        %dma_start3A_1109 = arith.constant 14 : i32
        %dma_start3A_1110 = arith.constant 0 : i32
        %dma_start3A_1111 = tpu.memref_slice %arg9[%sub3A_895, %dma_start3A_1109, %dma_start3A_1110] : memref<2x25x80xi32, #tpu.memory_space<vmem>> -> memref<1x1x80xi32, #tpu.memory_space<vmem>>
        %dma_start3A_1112 = tpu.memref_squeeze %dma_start3A_1111 : memref<1x1x80xi32, #tpu.memory_space<vmem>> -> memref<80xi32, #tpu.memory_space<vmem>>
        %dma_start3A_1113 = tpu.memref_slice %arg3[%dma_start3A_1108, %add3A_1107] : memref<2x320000xi32, #tpu.memory_space<hbm>> -> memref<1x80xi32, #tpu.memory_space<hbm>>
        %dma_start3A_1114 = tpu.memref_squeeze %dma_start3A_1113 : memref<1x80xi32, #tpu.memory_space<hbm>> -> memref<80xi32, #tpu.memory_space<hbm>>
        %dma_start3A_1115 = arith.constant 0 : i32
        %dma_start3A_1116 = tpu.memref_slice %arg9[%sub3A_895, %dma_start3A_1109, %dma_start3A_1115] : memref<2x25x80xi32, #tpu.memory_space<vmem>> -> memref<1x1x80xi32, #tpu.memory_space<vmem>>
        %dma_start3A_1117 = tpu.memref_squeeze %dma_start3A_1116 : memref<1x1x80xi32, #tpu.memory_space<vmem>> -> memref<80xi32, #tpu.memory_space<vmem>>
        %dma_start3A_1118 = tpu.memref_slice %arg3[%dma_start3A_1108, %add3A_1107] : memref<2x320000xi32, #tpu.memory_space<hbm>> -> memref<1x80xi32, #tpu.memory_space<hbm>>
        %dma_start3A_1119 = tpu.memref_squeeze %dma_start3A_1118 : memref<1x80xi32, #tpu.memory_space<hbm>> -> memref<80xi32, #tpu.memory_space<hbm>>
        tpu.enqueue_dma source(%dma_start3A_1119 : memref<80xi32, #tpu.memory_space<hbm>>) target(%dma_start3A_1117 : memref<80xi32, #tpu.memory_space<vmem>>) target_semaphore(%arg15 : memref<!tpu.dma_semaphore, #tpu.memory_space<semaphore_mem>>)
        %add3A_1120 = arith.constant 1200 : i32
        %add3A_1121 = arith.addi %add3A_898, %add3A_1120 : i32
        %dma_start3A_1122 = arith.constant 1 : i32
        %dma_start3A_1123 = arith.constant 15 : i32
        %dma_start3A_1124 = arith.constant 0 : i32
        %dma_start3A_1125 = tpu.memref_slice %arg9[%sub3A_895, %dma_start3A_1123, %dma_start3A_1124] : memref<2x25x80xi32, #tpu.memory_space<vmem>> -> memref<1x1x80xi32, #tpu.memory_space<vmem>>
        %dma_start3A_1126 = tpu.memref_squeeze %dma_start3A_1125 : memref<1x1x80xi32, #tpu.memory_space<vmem>> -> memref<80xi32, #tpu.memory_space<vmem>>
        %dma_start3A_1127 = tpu.memref_slice %arg3[%dma_start3A_1122, %add3A_1121] : memref<2x320000xi32, #tpu.memory_space<hbm>> -> memref<1x80xi32, #tpu.memory_space<hbm>>
        %dma_start3A_1128 = tpu.memref_squeeze %dma_start3A_1127 : memref<1x80xi32, #tpu.memory_space<hbm>> -> memref<80xi32, #tpu.memory_space<hbm>>
        %dma_start3A_1129 = arith.constant 0 : i32
        %dma_start3A_1130 = tpu.memref_slice %arg9[%sub3A_895, %dma_start3A_1123, %dma_start3A_1129] : memref<2x25x80xi32, #tpu.memory_space<vmem>> -> memref<1x1x80xi32, #tpu.memory_space<vmem>>
        %dma_start3A_1131 = tpu.memref_squeeze %dma_start3A_1130 : memref<1x1x80xi32, #tpu.memory_space<vmem>> -> memref<80xi32, #tpu.memory_space<vmem>>
        %dma_start3A_1132 = tpu.memref_slice %arg3[%dma_start3A_1122, %add3A_1121] : memref<2x320000xi32, #tpu.memory_space<hbm>> -> memref<1x80xi32, #tpu.memory_space<hbm>>
        %dma_start3A_1133 = tpu.memref_squeeze %dma_start3A_1132 : memref<1x80xi32, #tpu.memory_space<hbm>> -> memref<80xi32, #tpu.memory_space<hbm>>
        tpu.enqueue_dma source(%dma_start3A_1133 : memref<80xi32, #tpu.memory_space<hbm>>) target(%dma_start3A_1131 : memref<80xi32, #tpu.memory_space<vmem>>) target_semaphore(%arg15 : memref<!tpu.dma_semaphore, #tpu.memory_space<semaphore_mem>>)
        %add3A_1134 = arith.constant 1280 : i32
        %add3A_1135 = arith.addi %add3A_898, %add3A_1134 : i32
        %dma_start3A_1136 = arith.constant 1 : i32
        %dma_start3A_1137 = arith.constant 16 : i32
        %dma_start3A_1138 = arith.constant 0 : i32
        %dma_start3A_1139 = tpu.memref_slice %arg9[%sub3A_895, %dma_start3A_1137, %dma_start3A_1138] : memref<2x25x80xi32, #tpu.memory_space<vmem>> -> memref<1x1x80xi32, #tpu.memory_space<vmem>>
        %dma_start3A_1140 = tpu.memref_squeeze %dma_start3A_1139 : memref<1x1x80xi32, #tpu.memory_space<vmem>> -> memref<80xi32, #tpu.memory_space<vmem>>
        %dma_start3A_1141 = tpu.memref_slice %arg3[%dma_start3A_1136, %add3A_1135] : memref<2x320000xi32, #tpu.memory_space<hbm>> -> memref<1x80xi32, #tpu.memory_space<hbm>>
        %dma_start3A_1142 = tpu.memref_squeeze %dma_start3A_1141 : memref<1x80xi32, #tpu.memory_space<hbm>> -> memref<80xi32, #tpu.memory_space<hbm>>
        %dma_start3A_1143 = arith.constant 0 : i32
        %dma_start3A_1144 = tpu.memref_slice %arg9[%sub3A_895, %dma_start3A_1137, %dma_start3A_1143] : memref<2x25x80xi32, #tpu.memory_space<vmem>> -> memref<1x1x80xi32, #tpu.memory_space<vmem>>
        %dma_start3A_1145 = tpu.memref_squeeze %dma_start3A_1144 : memref<1x1x80xi32, #tpu.memory_space<vmem>> -> memref<80xi32, #tpu.memory_space<vmem>>
        %dma_start3A_1146 = tpu.memref_slice %arg3[%dma_start3A_1136, %add3A_1135] : memref<2x320000xi32, #tpu.memory_space<hbm>> -> memref<1x80xi32, #tpu.memory_space<hbm>>
        %dma_start3A_1147 = tpu.memref_squeeze %dma_start3A_1146 : memref<1x80xi32, #tpu.memory_space<hbm>> -> memref<80xi32, #tpu.memory_space<hbm>>
        tpu.enqueue_dma source(%dma_start3A_1147 : memref<80xi32, #tpu.memory_space<hbm>>) target(%dma_start3A_1145 : memref<80xi32, #tpu.memory_space<vmem>>) target_semaphore(%arg15 : memref<!tpu.dma_semaphore, #tpu.memory_space<semaphore_mem>>)
        %add3A_1148 = arith.constant 1360 : i32
        %add3A_1149 = arith.addi %add3A_898, %add3A_1148 : i32
        %dma_start3A_1150 = arith.constant 1 : i32
        %dma_start3A_1151 = arith.constant 17 : i32
        %dma_start3A_1152 = arith.constant 0 : i32
        %dma_start3A_1153 = tpu.memref_slice %arg9[%sub3A_895, %dma_start3A_1151, %dma_start3A_1152] : memref<2x25x80xi32, #tpu.memory_space<vmem>> -> memref<1x1x80xi32, #tpu.memory_space<vmem>>
        %dma_start3A_1154 = tpu.memref_squeeze %dma_start3A_1153 : memref<1x1x80xi32, #tpu.memory_space<vmem>> -> memref<80xi32, #tpu.memory_space<vmem>>
        %dma_start3A_1155 = tpu.memref_slice %arg3[%dma_start3A_1150, %add3A_1149] : memref<2x320000xi32, #tpu.memory_space<hbm>> -> memref<1x80xi32, #tpu.memory_space<hbm>>
        %dma_start3A_1156 = tpu.memref_squeeze %dma_start3A_1155 : memref<1x80xi32, #tpu.memory_space<hbm>> -> memref<80xi32, #tpu.memory_space<hbm>>
        %dma_start3A_1157 = arith.constant 0 : i32
        %dma_start3A_1158 = tpu.memref_slice %arg9[%sub3A_895, %dma_start3A_1151, %dma_start3A_1157] : memref<2x25x80xi32, #tpu.memory_space<vmem>> -> memref<1x1x80xi32, #tpu.memory_space<vmem>>
        %dma_start3A_1159 = tpu.memref_squeeze %dma_start3A_1158 : memref<1x1x80xi32, #tpu.memory_space<vmem>> -> memref<80xi32, #tpu.memory_space<vmem>>
        %dma_start3A_1160 = tpu.memref_slice %arg3[%dma_start3A_1150, %add3A_1149] : memref<2x320000xi32, #tpu.memory_space<hbm>> -> memref<1x80xi32, #tpu.memory_space<hbm>>
        %dma_start3A_1161 = tpu.memref_squeeze %dma_start3A_1160 : memref<1x80xi32, #tpu.memory_space<hbm>> -> memref<80xi32, #tpu.memory_space<hbm>>
        tpu.enqueue_dma source(%dma_start3A_1161 : memref<80xi32, #tpu.memory_space<hbm>>) target(%dma_start3A_1159 : memref<80xi32, #tpu.memory_space<vmem>>) target_semaphore(%arg15 : memref<!tpu.dma_semaphore, #tpu.memory_space<semaphore_mem>>)
        %add3A_1162 = arith.constant 1440 : i32
        %add3A_1163 = arith.addi %add3A_898, %add3A_1162 : i32
        %dma_start3A_1164 = arith.constant 1 : i32
        %dma_start3A_1165 = arith.constant 18 : i32
        %dma_start3A_1166 = arith.constant 0 : i32
        %dma_start3A_1167 = tpu.memref_slice %arg9[%sub3A_895, %dma_start3A_1165, %dma_start3A_1166] : memref<2x25x80xi32, #tpu.memory_space<vmem>> -> memref<1x1x80xi32, #tpu.memory_space<vmem>>
        %dma_start3A_1168 = tpu.memref_squeeze %dma_start3A_1167 : memref<1x1x80xi32, #tpu.memory_space<vmem>> -> memref<80xi32, #tpu.memory_space<vmem>>
        %dma_start3A_1169 = tpu.memref_slice %arg3[%dma_start3A_1164, %add3A_1163] : memref<2x320000xi32, #tpu.memory_space<hbm>> -> memref<1x80xi32, #tpu.memory_space<hbm>>
        %dma_start3A_1170 = tpu.memref_squeeze %dma_start3A_1169 : memref<1x80xi32, #tpu.memory_space<hbm>> -> memref<80xi32, #tpu.memory_space<hbm>>
        %dma_start3A_1171 = arith.constant 0 : i32
        %dma_start3A_1172 = tpu.memref_slice %arg9[%sub3A_895, %dma_start3A_1165, %dma_start3A_1171] : memref<2x25x80xi32, #tpu.memory_space<vmem>> -> memref<1x1x80xi32, #tpu.memory_space<vmem>>
        %dma_start3A_1173 = tpu.memref_squeeze %dma_start3A_1172 : memref<1x1x80xi32, #tpu.memory_space<vmem>> -> memref<80xi32, #tpu.memory_space<vmem>>
        %dma_start3A_1174 = tpu.memref_slice %arg3[%dma_start3A_1164, %add3A_1163] : memref<2x320000xi32, #tpu.memory_space<hbm>> -> memref<1x80xi32, #tpu.memory_space<hbm>>
        %dma_start3A_1175 = tpu.memref_squeeze %dma_start3A_1174 : memref<1x80xi32, #tpu.memory_space<hbm>> -> memref<80xi32, #tpu.memory_space<hbm>>
        tpu.enqueue_dma source(%dma_start3A_1175 : memref<80xi32, #tpu.memory_space<hbm>>) target(%dma_start3A_1173 : memref<80xi32, #tpu.memory_space<vmem>>) target_semaphore(%arg15 : memref<!tpu.dma_semaphore, #tpu.memory_space<semaphore_mem>>)
        %add3A_1176 = arith.constant 1520 : i32
        %add3A_1177 = arith.addi %add3A_898, %add3A_1176 : i32
        %dma_start3A_1178 = arith.constant 1 : i32
        %dma_start3A_1179 = arith.constant 19 : i32
        %dma_start3A_1180 = arith.constant 0 : i32
        %dma_start3A_1181 = tpu.memref_slice %arg9[%sub3A_895, %dma_start3A_1179, %dma_start3A_1180] : memref<2x25x80xi32, #tpu.memory_space<vmem>> -> memref<1x1x80xi32, #tpu.memory_space<vmem>>
        %dma_start3A_1182 = tpu.memref_squeeze %dma_start3A_1181 : memref<1x1x80xi32, #tpu.memory_space<vmem>> -> memref<80xi32, #tpu.memory_space<vmem>>
        %dma_start3A_1183 = tpu.memref_slice %arg3[%dma_start3A_1178, %add3A_1177] : memref<2x320000xi32, #tpu.memory_space<hbm>> -> memref<1x80xi32, #tpu.memory_space<hbm>>
        %dma_start3A_1184 = tpu.memref_squeeze %dma_start3A_1183 : memref<1x80xi32, #tpu.memory_space<hbm>> -> memref<80xi32, #tpu.memory_space<hbm>>
        %dma_start3A_1185 = arith.constant 0 : i32
        %dma_start3A_1186 = tpu.memref_slice %arg9[%sub3A_895, %dma_start3A_1179, %dma_start3A_1185] : memref<2x25x80xi32, #tpu.memory_space<vmem>> -> memref<1x1x80xi32, #tpu.memory_space<vmem>>
        %dma_start3A_1187 = tpu.memref_squeeze %dma_start3A_1186 : memref<1x1x80xi32, #tpu.memory_space<vmem>> -> memref<80xi32, #tpu.memory_space<vmem>>
        %dma_start3A_1188 = tpu.memref_slice %arg3[%dma_start3A_1178, %add3A_1177] : memref<2x320000xi32, #tpu.memory_space<hbm>> -> memref<1x80xi32, #tpu.memory_space<hbm>>
        %dma_start3A_1189 = tpu.memref_squeeze %dma_start3A_1188 : memref<1x80xi32, #tpu.memory_space<hbm>> -> memref<80xi32, #tpu.memory_space<hbm>>
        tpu.enqueue_dma source(%dma_start3A_1189 : memref<80xi32, #tpu.memory_space<hbm>>) target(%dma_start3A_1187 : memref<80xi32, #tpu.memory_space<vmem>>) target_semaphore(%arg15 : memref<!tpu.dma_semaphore, #tpu.memory_space<semaphore_mem>>)
        %add3A_1190 = arith.constant 1600 : i32
        %add3A_1191 = arith.addi %add3A_898, %add3A_1190 : i32
        %dma_start3A_1192 = arith.constant 1 : i32
        %dma_start3A_1193 = arith.constant 20 : i32
        %dma_start3A_1194 = arith.constant 0 : i32
        %dma_start3A_1195 = tpu.memref_slice %arg9[%sub3A_895, %dma_start3A_1193, %dma_start3A_1194] : memref<2x25x80xi32, #tpu.memory_space<vmem>> -> memref<1x1x80xi32, #tpu.memory_space<vmem>>
        %dma_start3A_1196 = tpu.memref_squeeze %dma_start3A_1195 : memref<1x1x80xi32, #tpu.memory_space<vmem>> -> memref<80xi32, #tpu.memory_space<vmem>>
        %dma_start3A_1197 = tpu.memref_slice %arg3[%dma_start3A_1192, %add3A_1191] : memref<2x320000xi32, #tpu.memory_space<hbm>> -> memref<1x80xi32, #tpu.memory_space<hbm>>
        %dma_start3A_1198 = tpu.memref_squeeze %dma_start3A_1197 : memref<1x80xi32, #tpu.memory_space<hbm>> -> memref<80xi32, #tpu.memory_space<hbm>>
        %dma_start3A_1199 = arith.constant 0 : i32
        %dma_start3A_1200 = tpu.memref_slice %arg9[%sub3A_895, %dma_start3A_1193, %dma_start3A_1199] : memref<2x25x80xi32, #tpu.memory_space<vmem>> -> memref<1x1x80xi32, #tpu.memory_space<vmem>>
        %dma_start3A_1201 = tpu.memref_squeeze %dma_start3A_1200 : memref<1x1x80xi32, #tpu.memory_space<vmem>> -> memref<80xi32, #tpu.memory_space<vmem>>
        %dma_start3A_1202 = tpu.memref_slice %arg3[%dma_start3A_1192, %add3A_1191] : memref<2x320000xi32, #tpu.memory_space<hbm>> -> memref<1x80xi32, #tpu.memory_space<hbm>>
        %dma_start3A_1203 = tpu.memref_squeeze %dma_start3A_1202 : memref<1x80xi32, #tpu.memory_space<hbm>> -> memref<80xi32, #tpu.memory_space<hbm>>
        tpu.enqueue_dma source(%dma_start3A_1203 : memref<80xi32, #tpu.memory_space<hbm>>) target(%dma_start3A_1201 : memref<80xi32, #tpu.memory_space<vmem>>) target_semaphore(%arg15 : memref<!tpu.dma_semaphore, #tpu.memory_space<semaphore_mem>>)
        %add3A_1204 = arith.constant 1680 : i32
        %add3A_1205 = arith.addi %add3A_898, %add3A_1204 : i32
        %dma_start3A_1206 = arith.constant 1 : i32
        %dma_start3A_1207 = arith.constant 21 : i32
        %dma_start3A_1208 = arith.constant 0 : i32
        %dma_start3A_1209 = tpu.memref_slice %arg9[%sub3A_895, %dma_start3A_1207, %dma_start3A_1208] : memref<2x25x80xi32, #tpu.memory_space<vmem>> -> memref<1x1x80xi32, #tpu.memory_space<vmem>>
        %dma_start3A_1210 = tpu.memref_squeeze %dma_start3A_1209 : memref<1x1x80xi32, #tpu.memory_space<vmem>> -> memref<80xi32, #tpu.memory_space<vmem>>
        %dma_start3A_1211 = tpu.memref_slice %arg3[%dma_start3A_1206, %add3A_1205] : memref<2x320000xi32, #tpu.memory_space<hbm>> -> memref<1x80xi32, #tpu.memory_space<hbm>>
        %dma_start3A_1212 = tpu.memref_squeeze %dma_start3A_1211 : memref<1x80xi32, #tpu.memory_space<hbm>> -> memref<80xi32, #tpu.memory_space<hbm>>
        %dma_start3A_1213 = arith.constant 0 : i32
        %dma_start3A_1214 = tpu.memref_slice %arg9[%sub3A_895, %dma_start3A_1207, %dma_start3A_1213] : memref<2x25x80xi32, #tpu.memory_space<vmem>> -> memref<1x1x80xi32, #tpu.memory_space<vmem>>
        %dma_start3A_1215 = tpu.memref_squeeze %dma_start3A_1214 : memref<1x1x80xi32, #tpu.memory_space<vmem>> -> memref<80xi32, #tpu.memory_space<vmem>>
        %dma_start3A_1216 = tpu.memref_slice %arg3[%dma_start3A_1206, %add3A_1205] : memref<2x320000xi32, #tpu.memory_space<hbm>> -> memref<1x80xi32, #tpu.memory_space<hbm>>
        %dma_start3A_1217 = tpu.memref_squeeze %dma_start3A_1216 : memref<1x80xi32, #tpu.memory_space<hbm>> -> memref<80xi32, #tpu.memory_space<hbm>>
        tpu.enqueue_dma source(%dma_start3A_1217 : memref<80xi32, #tpu.memory_space<hbm>>) target(%dma_start3A_1215 : memref<80xi32, #tpu.memory_space<vmem>>) target_semaphore(%arg15 : memref<!tpu.dma_semaphore, #tpu.memory_space<semaphore_mem>>)
        %add3A_1218 = arith.constant 1760 : i32
        %add3A_1219 = arith.addi %add3A_898, %add3A_1218 : i32
        %dma_start3A_1220 = arith.constant 1 : i32
        %dma_start3A_1221 = arith.constant 22 : i32
        %dma_start3A_1222 = arith.constant 0 : i32
        %dma_start3A_1223 = tpu.memref_slice %arg9[%sub3A_895, %dma_start3A_1221, %dma_start3A_1222] : memref<2x25x80xi32, #tpu.memory_space<vmem>> -> memref<1x1x80xi32, #tpu.memory_space<vmem>>
        %dma_start3A_1224 = tpu.memref_squeeze %dma_start3A_1223 : memref<1x1x80xi32, #tpu.memory_space<vmem>> -> memref<80xi32, #tpu.memory_space<vmem>>
        %dma_start3A_1225 = tpu.memref_slice %arg3[%dma_start3A_1220, %add3A_1219] : memref<2x320000xi32, #tpu.memory_space<hbm>> -> memref<1x80xi32, #tpu.memory_space<hbm>>
        %dma_start3A_1226 = tpu.memref_squeeze %dma_start3A_1225 : memref<1x80xi32, #tpu.memory_space<hbm>> -> memref<80xi32, #tpu.memory_space<hbm>>
        %dma_start3A_1227 = arith.constant 0 : i32
        %dma_start3A_1228 = tpu.memref_slice %arg9[%sub3A_895, %dma_start3A_1221, %dma_start3A_1227] : memref<2x25x80xi32, #tpu.memory_space<vmem>> -> memref<1x1x80xi32, #tpu.memory_space<vmem>>
        %dma_start3A_1229 = tpu.memref_squeeze %dma_start3A_1228 : memref<1x1x80xi32, #tpu.memory_space<vmem>> -> memref<80xi32, #tpu.memory_space<vmem>>
        %dma_start3A_1230 = tpu.memref_slice %arg3[%dma_start3A_1220, %add3A_1219] : memref<2x320000xi32, #tpu.memory_space<hbm>> -> memref<1x80xi32, #tpu.memory_space<hbm>>
        %dma_start3A_1231 = tpu.memref_squeeze %dma_start3A_1230 : memref<1x80xi32, #tpu.memory_space<hbm>> -> memref<80xi32, #tpu.memory_space<hbm>>
        tpu.enqueue_dma source(%dma_start3A_1231 : memref<80xi32, #tpu.memory_space<hbm>>) target(%dma_start3A_1229 : memref<80xi32, #tpu.memory_space<vmem>>) target_semaphore(%arg15 : memref<!tpu.dma_semaphore, #tpu.memory_space<semaphore_mem>>)
        %add3A_1232 = arith.constant 1840 : i32
        %add3A_1233 = arith.addi %add3A_898, %add3A_1232 : i32
        %dma_start3A_1234 = arith.constant 1 : i32
        %dma_start3A_1235 = arith.constant 23 : i32
        %dma_start3A_1236 = arith.constant 0 : i32
        %dma_start3A_1237 = tpu.memref_slice %arg9[%sub3A_895, %dma_start3A_1235, %dma_start3A_1236] : memref<2x25x80xi32, #tpu.memory_space<vmem>> -> memref<1x1x80xi32, #tpu.memory_space<vmem>>
        %dma_start3A_1238 = tpu.memref_squeeze %dma_start3A_1237 : memref<1x1x80xi32, #tpu.memory_space<vmem>> -> memref<80xi32, #tpu.memory_space<vmem>>
        %dma_start3A_1239 = tpu.memref_slice %arg3[%dma_start3A_1234, %add3A_1233] : memref<2x320000xi32, #tpu.memory_space<hbm>> -> memref<1x80xi32, #tpu.memory_space<hbm>>
        %dma_start3A_1240 = tpu.memref_squeeze %dma_start3A_1239 : memref<1x80xi32, #tpu.memory_space<hbm>> -> memref<80xi32, #tpu.memory_space<hbm>>
        %dma_start3A_1241 = arith.constant 0 : i32
        %dma_start3A_1242 = tpu.memref_slice %arg9[%sub3A_895, %dma_start3A_1235, %dma_start3A_1241] : memref<2x25x80xi32, #tpu.memory_space<vmem>> -> memref<1x1x80xi32, #tpu.memory_space<vmem>>
        %dma_start3A_1243 = tpu.memref_squeeze %dma_start3A_1242 : memref<1x1x80xi32, #tpu.memory_space<vmem>> -> memref<80xi32, #tpu.memory_space<vmem>>
        %dma_start3A_1244 = tpu.memref_slice %arg3[%dma_start3A_1234, %add3A_1233] : memref<2x320000xi32, #tpu.memory_space<hbm>> -> memref<1x80xi32, #tpu.memory_space<hbm>>
        %dma_start3A_1245 = tpu.memref_squeeze %dma_start3A_1244 : memref<1x80xi32, #tpu.memory_space<hbm>> -> memref<80xi32, #tpu.memory_space<hbm>>
        tpu.enqueue_dma source(%dma_start3A_1245 : memref<80xi32, #tpu.memory_space<hbm>>) target(%dma_start3A_1243 : memref<80xi32, #tpu.memory_space<vmem>>) target_semaphore(%arg15 : memref<!tpu.dma_semaphore, #tpu.memory_space<semaphore_mem>>)
        %add3A_1246 = arith.constant 1920 : i32
        %add3A_1247 = arith.addi %add3A_898, %add3A_1246 : i32
        %dma_start3A_1248 = arith.constant 1 : i32
        %dma_start3A_1249 = arith.constant 24 : i32
        %dma_start3A_1250 = arith.constant 0 : i32
        %dma_start3A_1251 = tpu.memref_slice %arg9[%sub3A_895, %dma_start3A_1249, %dma_start3A_1250] : memref<2x25x80xi32, #tpu.memory_space<vmem>> -> memref<1x1x80xi32, #tpu.memory_space<vmem>>
        %dma_start3A_1252 = tpu.memref_squeeze %dma_start3A_1251 : memref<1x1x80xi32, #tpu.memory_space<vmem>> -> memref<80xi32, #tpu.memory_space<vmem>>
        %dma_start3A_1253 = tpu.memref_slice %arg3[%dma_start3A_1248, %add3A_1247] : memref<2x320000xi32, #tpu.memory_space<hbm>> -> memref<1x80xi32, #tpu.memory_space<hbm>>
        %dma_start3A_1254 = tpu.memref_squeeze %dma_start3A_1253 : memref<1x80xi32, #tpu.memory_space<hbm>> -> memref<80xi32, #tpu.memory_space<hbm>>
        %dma_start3A_1255 = arith.constant 0 : i32
        %dma_start3A_1256 = tpu.memref_slice %arg9[%sub3A_895, %dma_start3A_1249, %dma_start3A_1255] : memref<2x25x80xi32, #tpu.memory_space<vmem>> -> memref<1x1x80xi32, #tpu.memory_space<vmem>>
        %dma_start3A_1257 = tpu.memref_squeeze %dma_start3A_1256 : memref<1x1x80xi32, #tpu.memory_space<vmem>> -> memref<80xi32, #tpu.memory_space<vmem>>
        %dma_start3A_1258 = tpu.memref_slice %arg3[%dma_start3A_1248, %add3A_1247] : memref<2x320000xi32, #tpu.memory_space<hbm>> -> memref<1x80xi32, #tpu.memory_space<hbm>>
        %dma_start3A_1259 = tpu.memref_squeeze %dma_start3A_1258 : memref<1x80xi32, #tpu.memory_space<hbm>> -> memref<80xi32, #tpu.memory_space<hbm>>
        tpu.enqueue_dma source(%dma_start3A_1259 : memref<80xi32, #tpu.memory_space<hbm>>) target(%dma_start3A_1257 : memref<80xi32, #tpu.memory_space<vmem>>) target_semaphore(%arg15 : memref<!tpu.dma_semaphore, #tpu.memory_space<semaphore_mem>>)
      } else {
      }
      %get3A = arith.index_cast %rem3A_828 : i32 to index
      %get3A_836 = arith.index_cast %rem3A_826 : i32 to index
      %get3A_837 = arith.constant 0 : index
      %get3A_838 = tpu.vector_load %arg9[%get3A, %get3A_836, %get3A_837] {strides = array<i32>} : memref<2x25x80xi32, #tpu.memory_space<vmem>>, vector<16xi32>,
      tpu.vector_store_idx %arg11[%get3A_838], %broadcast_in_dim3A_3 {add = true} : memref<10240xf32, #tpu.memory_space<vmem>>[vector<16xi32>], vector<16xf32>,
      %get3A_839 = arith.index_cast %rem3A_828 : i32 to index
      %get3A_840 = arith.index_cast %rem3A_826 : i32 to index
      %get3A_841 = arith.constant 16 : index
      %get3A_842 = tpu.vector_load %arg9[%get3A_839, %get3A_840, %get3A_841] {strides = array<i32>} : memref<2x25x80xi32, #tpu.memory_space<vmem>>, vector<16xi32>,
      tpu.vector_store_idx %arg11[%get3A_842], %broadcast_in_dim3A_3 {add = true} : memref<10240xf32, #tpu.memory_space<vmem>>[vector<16xi32>], vector<16xf32>,
      %get3A_843 = arith.index_cast %rem3A_828 : i32 to index
      %get3A_844 = arith.index_cast %rem3A_826 : i32 to index
      %get3A_845 = arith.constant 32 : index
      %get3A_846 = tpu.vector_load %arg9[%get3A_843, %get3A_844, %get3A_845] {strides = array<i32>} : memref<2x25x80xi32, #tpu.memory_space<vmem>>, vector<16xi32>,
      tpu.vector_store_idx %arg11[%get3A_846], %broadcast_in_dim3A_3 {add = true} : memref<10240xf32, #tpu.memory_space<vmem>>[vector<16xi32>], vector<16xf32>,
      %get3A_847 = arith.index_cast %rem3A_828 : i32 to index
      %get3A_848 = arith.index_cast %rem3A_826 : i32 to index
      %get3A_849 = arith.constant 48 : index
      %get3A_850 = tpu.vector_load %arg9[%get3A_847, %get3A_848, %get3A_849] {strides = array<i32>} : memref<2x25x80xi32, #tpu.memory_space<vmem>>, vector<16xi32>,
      tpu.vector_store_idx %arg11[%get3A_850], %broadcast_in_dim3A_3 {add = true} : memref<10240xf32, #tpu.memory_space<vmem>>[vector<16xi32>], vector<16xf32>,
      %get3A_851 = arith.index_cast %rem3A_828 : i32 to index
      %get3A_852 = arith.index_cast %rem3A_826 : i32 to index
      %get3A_853 = arith.constant 64 : index
      %get3A_854 = tpu.vector_load %arg9[%get3A_851, %get3A_852, %get3A_853] {strides = array<i32>} : memref<2x25x80xi32, #tpu.memory_space<vmem>>, vector<16xi32>,
      tpu.vector_store_idx %arg11[%get3A_854], %broadcast_in_dim3A_3 {add = true} : memref<10240xf32, #tpu.memory_space<vmem>>[vector<16xi32>], vector<16xf32>,
      %mul3A_855 = arith.constant 80 : i32
      %mul3A_856 = arith.muli %rem3A_826, %mul3A_855 : i32
      %dma_wait3A_857 = arith.constant 0 : i32
      %dma_wait3A_858 = arith.constant 0 : i32
      %dma_wait3A_859 = tpu.memref_slice %arg10[%rem3A_830, %dma_wait3A_857, %dma_wait3A_858] : memref<3x80x128xf32, #tpu.memory_space<vmem>> -> memref<1x80x128xf32, #tpu.memory_space<vmem>>
      %dma_wait3A_860 = tpu.memref_squeeze %dma_wait3A_859 : memref<1x80x128xf32, #tpu.memory_space<vmem>> -> memref<80x128xf32, #tpu.memory_space<vmem>>
      %dma_wait3A_861 = tpu.memref_slice %arg8[%rem3A_828, %mul3A_856] : memref<2x2000xi32, #tpu.memory_space<vmem>> -> memref<1x80xi32, #tpu.memory_space<vmem>>
      %dma_wait3A_862 = tpu.memref_squeeze %dma_wait3A_861 : memref<1x80xi32, #tpu.memory_space<vmem>> -> memref<80xi32, #tpu.memory_space<vmem>>
      %dma_wait3A_863 = arith.constant 0 : i32
      %dma_wait3A_864 = arith.constant 0 : i32
      %dma_wait3A_865 = tpu.memref_slice %arg2[%dma_wait3A_863, %dma_wait3A_864] : memref<10000x128xf32, #tpu.memory_space<hbm>> -> memref<10000x128xf32, #tpu.memory_space<hbm>>
      tpu.wait_indirect_dma semaphore(%arg13 : memref<!tpu.dma_semaphore, #tpu.memory_space<semaphore_mem>>) src(%dma_wait3A_865 : memref<10000x128xf32, #tpu.memory_space<hbm>>) dst(%dma_wait3A_860 : memref<80x128xf32, #tpu.memory_space<vmem>>)
      %dma_start3A_866 = arith.constant 0 : i32
      %dma_start3A_867 = arith.constant 0 : i32
      %dma_start3A_868 = tpu.memref_slice %arg10[%rem3A_830, %dma_start3A_866, %dma_start3A_867] : memref<3x80x128xf32, #tpu.memory_space<vmem>> -> memref<1x80x128xf32, #tpu.memory_space<vmem>>
      %dma_start3A_869 = tpu.memref_squeeze %dma_start3A_868 : memref<1x80x128xf32, #tpu.memory_space<vmem>> -> memref<80x128xf32, #tpu.memory_space<vmem>>
      %dma_start3A_870 = arith.constant 0 : i32
      %dma_start3A_871 = tpu.memref_slice %arg9[%rem3A_828, %rem3A_826, %dma_start3A_870] : memref<2x25x80xi32, #tpu.memory_space<vmem>> -> memref<1x1x80xi32, #tpu.memory_space<vmem>>
      %dma_start3A_872 = tpu.memref_squeeze %dma_start3A_871 : memref<1x1x80xi32, #tpu.memory_space<vmem>> -> memref<80xi32, #tpu.memory_space<vmem>>
      %dma_start3A_873 = arith.constant 0 : i32
      %dma_start3A_874 = arith.constant 0 : i32
      %dma_start3A_875 = tpu.memref_slice %arg12[%dma_start3A_873, %dma_start3A_874] : memref<10112x128xf32, #tpu.memory_space<vmem_shared>> -> memref<10112x128xf32, #tpu.memory_space<vmem_shared>>
      tpu.enqueue_indirect_dma source(%dma_start3A_869 : memref<80x128xf32, #tpu.memory_space<vmem>>) target(%dma_start3A_875 : memref<10112x128xf32, #tpu.memory_space<vmem_shared>>) offsets(%dma_start3A_872 : memref<80xi32, #tpu.memory_space<vmem>>) semaphore(%arg14 : memref<!tpu.dma_semaphore, #tpu.memory_space<semaphore_mem>>) {add = true}
      %eq3A_876 = arith.constant 23 : i32
      %eq3A_877 = arith.cmpi eq, %rem3A_826, %eq3A_876 : i32
      %add3A_878 = arith.constant 2 : i32
      %add3A_879 = arith.addi %add3A_824, %add3A_878 : i32
      %lt3A_880 = arith.constant 125 : i32
      %lt3A_881 = arith.cmpi slt, %add3A_879, %lt3A_880 : i32
      %and3A_882 = arith.andi %eq3A_877, %lt3A_881 : i1
      %convert_element_type3A_883 = arith.extui %and3A_882 : i1 to i32
      %cond3A_884 = arith.constant 0 : i32
      %cond3A_885 = arith.cmpi ne, %convert_element_type3A_883, %cond3A_884 : i32
      scf.if %cond3A_885 {
        %sub3A = arith.constant 1 : i32
        %sub3A_893 = arith.subi %sub3A, %rem3A_828 : i32
        %dma_wait3A_894 = arith.constant 0 : i32
        %dma_wait3A_895 = arith.constant 0 : i32
        %dma_wait3A_896 = tpu.memref_slice %arg8[%sub3A_893, %dma_wait3A_895] : memref<2x2000xi32, #tpu.memory_space<vmem>> -> memref<1x2000xi32, #tpu.memory_space<vmem>>
        %dma_wait3A_897 = tpu.memref_squeeze %dma_wait3A_896 : memref<1x2000xi32, #tpu.memory_space<vmem>> -> memref<2000xi32, #tpu.memory_space<vmem>>
        %dma_wait3A_898 = tpu.memref_slice %arg3[%dma_wait3A_894, %mul3A_2] : memref<2x320000xi32, #tpu.memory_space<hbm>> -> memref<1x2000xi32, #tpu.memory_space<hbm>>
        %dma_wait3A_899 = tpu.memref_squeeze %dma_wait3A_898 : memref<1x2000xi32, #tpu.memory_space<hbm>> -> memref<2000xi32, #tpu.memory_space<hbm>>
        %dma_wait3A_900 = arith.constant 0 : i32
        %dma_wait3A_901 = tpu.memref_slice %arg8[%sub3A_893, %dma_wait3A_900] : memref<2x2000xi32, #tpu.memory_space<vmem>> -> memref<1x2000xi32, #tpu.memory_space<vmem>>
        %dma_wait3A_902 = tpu.memref_squeeze %dma_wait3A_901 : memref<1x2000xi32, #tpu.memory_space<vmem>> -> memref<2000xi32, #tpu.memory_space<vmem>>
        %dma_wait3A_903 = tpu.memref_slice %arg3[%dma_wait3A_894, %mul3A_2] : memref<2x320000xi32, #tpu.memory_space<hbm>> -> memref<1x2000xi32, #tpu.memory_space<hbm>>
        %dma_wait3A_904 = tpu.memref_squeeze %dma_wait3A_903 : memref<1x2000xi32, #tpu.memory_space<hbm>> -> memref<2000xi32, #tpu.memory_space<hbm>>
        tpu.wait_dma2 semaphore(%arg15 : memref<!tpu.dma_semaphore, #tpu.memory_space<semaphore_mem>>) src(%dma_wait3A_904 : memref<2000xi32, #tpu.memory_space<hbm>>) dst(%dma_wait3A_902 : memref<2000xi32, #tpu.memory_space<vmem>>)
        %dma_wait3A_905 = arith.constant 1 : i32
        %dma_wait3A_906 = arith.constant 0 : i32
        %dma_wait3A_907 = arith.constant 0 : i32
        %dma_wait3A_908 = tpu.memref_slice %arg9[%sub3A_893, %dma_wait3A_906, %dma_wait3A_907] : memref<2x25x80xi32, #tpu.memory_space<vmem>> -> memref<1x1x80xi32, #tpu.memory_space<vmem>>
        %dma_wait3A_909 = tpu.memref_squeeze %dma_wait3A_908 : memref<1x1x80xi32, #tpu.memory_space<vmem>> -> memref<80xi32, #tpu.memory_space<vmem>>
        %dma_wait3A_910 = tpu.memref_slice %arg3[%dma_wait3A_905, %mul3A_2] : memref<2x320000xi32, #tpu.memory_space<hbm>> -> memref<1x80xi32, #tpu.memory_space<hbm>>
        %dma_wait3A_911 = tpu.memref_squeeze %dma_wait3A_910 : memref<1x80xi32, #tpu.memory_space<hbm>> -> memref<80xi32, #tpu.memory_space<hbm>>
        %dma_wait3A_912 = arith.constant 0 : i32
        %dma_wait3A_913 = tpu.memref_slice %arg9[%sub3A_893, %dma_wait3A_906, %dma_wait3A_912] : memref<2x25x80xi32, #tpu.memory_space<vmem>> -> memref<1x1x80xi32, #tpu.memory_space<vmem>>
        %dma_wait3A_914 = tpu.memref_squeeze %dma_wait3A_913 : memref<1x1x80xi32, #tpu.memory_space<vmem>> -> memref<80xi32, #tpu.memory_space<vmem>>
        %dma_wait3A_915 = tpu.memref_slice %arg3[%dma_wait3A_905, %mul3A_2] : memref<2x320000xi32, #tpu.memory_space<hbm>> -> memref<1x80xi32, #tpu.memory_space<hbm>>
        %dma_wait3A_916 = tpu.memref_squeeze %dma_wait3A_915 : memref<1x80xi32, #tpu.memory_space<hbm>> -> memref<80xi32, #tpu.memory_space<hbm>>
        tpu.wait_dma2 semaphore(%arg15 : memref<!tpu.dma_semaphore, #tpu.memory_space<semaphore_mem>>) src(%dma_wait3A_916 : memref<80xi32, #tpu.memory_space<hbm>>) dst(%dma_wait3A_914 : memref<80xi32, #tpu.memory_space<vmem>>)
        %dma_wait3A_917 = arith.constant 1 : i32
        %dma_wait3A_918 = arith.constant 1 : i32
        %dma_wait3A_919 = arith.constant 0 : i32
        %dma_wait3A_920 = tpu.memref_slice %arg9[%sub3A_893, %dma_wait3A_918, %dma_wait3A_919] : memref<2x25x80xi32, #tpu.memory_space<vmem>> -> memref<1x1x80xi32, #tpu.memory_space<vmem>>
        %dma_wait3A_921 = tpu.memref_squeeze %dma_wait3A_920 : memref<1x1x80xi32, #tpu.memory_space<vmem>> -> memref<80xi32, #tpu.memory_space<vmem>>
        %dma_wait3A_922 = tpu.memref_slice %arg3[%dma_wait3A_917, %mul3A_2] : memref<2x320000xi32, #tpu.memory_space<hbm>> -> memref<1x80xi32, #tpu.memory_space<hbm>>
        %dma_wait3A_923 = tpu.memref_squeeze %dma_wait3A_922 : memref<1x80xi32, #tpu.memory_space<hbm>> -> memref<80xi32, #tpu.memory_space<hbm>>
        %dma_wait3A_924 = arith.constant 0 : i32
        %dma_wait3A_925 = tpu.memref_slice %arg9[%sub3A_893, %dma_wait3A_918, %dma_wait3A_924] : memref<2x25x80xi32, #tpu.memory_space<vmem>> -> memref<1x1x80xi32, #tpu.memory_space<vmem>>
        %dma_wait3A_926 = tpu.memref_squeeze %dma_wait3A_925 : memref<1x1x80xi32, #tpu.memory_space<vmem>> -> memref<80xi32, #tpu.memory_space<vmem>>
        %dma_wait3A_927 = tpu.memref_slice %arg3[%dma_wait3A_917, %mul3A_2] : memref<2x320000xi32, #tpu.memory_space<hbm>> -> memref<1x80xi32, #tpu.memory_space<hbm>>
        %dma_wait3A_928 = tpu.memref_squeeze %dma_wait3A_927 : memref<1x80xi32, #tpu.memory_space<hbm>> -> memref<80xi32, #tpu.memory_space<hbm>>
        tpu.wait_dma2 semaphore(%arg15 : memref<!tpu.dma_semaphore, #tpu.memory_space<semaphore_mem>>) src(%dma_wait3A_928 : memref<80xi32, #tpu.memory_space<hbm>>) dst(%dma_wait3A_926 : memref<80xi32, #tpu.memory_space<vmem>>)
        %dma_wait3A_929 = arith.constant 1 : i32
        %dma_wait3A_930 = arith.constant 2 : i32
        %dma_wait3A_931 = arith.constant 0 : i32
        %dma_wait3A_932 = tpu.memref_slice %arg9[%sub3A_893, %dma_wait3A_930, %dma_wait3A_931] : memref<2x25x80xi32, #tpu.memory_space<vmem>> -> memref<1x1x80xi32, #tpu.memory_space<vmem>>
        %dma_wait3A_933 = tpu.memref_squeeze %dma_wait3A_932 : memref<1x1x80xi32, #tpu.memory_space<vmem>> -> memref<80xi32, #tpu.memory_space<vmem>>
        %dma_wait3A_934 = tpu.memref_slice %arg3[%dma_wait3A_929, %mul3A_2] : memref<2x320000xi32, #tpu.memory_space<hbm>> -> memref<1x80xi32, #tpu.memory_space<hbm>>
        %dma_wait3A_935 = tpu.memref_squeeze %dma_wait3A_934 : memref<1x80xi32, #tpu.memory_space<hbm>> -> memref<80xi32, #tpu.memory_space<hbm>>
        %dma_wait3A_936 = arith.constant 0 : i32
        %dma_wait3A_937 = tpu.memref_slice %arg9[%sub3A_893, %dma_wait3A_930, %dma_wait3A_936] : memref<2x25x80xi32, #tpu.memory_space<vmem>> -> memref<1x1x80xi32, #tpu.memory_space<vmem>>
        %dma_wait3A_938 = tpu.memref_squeeze %dma_wait3A_937 : memref<1x1x80xi32, #tpu.memory_space<vmem>> -> memref<80xi32, #tpu.memory_space<vmem>>
        %dma_wait3A_939 = tpu.memref_slice %arg3[%dma_wait3A_929, %mul3A_2] : memref<2x320000xi32, #tpu.memory_space<hbm>> -> memref<1x80xi32, #tpu.memory_space<hbm>>
        %dma_wait3A_940 = tpu.memref_squeeze %dma_wait3A_939 : memref<1x80xi32, #tpu.memory_space<hbm>> -> memref<80xi32, #tpu.memory_space<hbm>>
        tpu.wait_dma2 semaphore(%arg15 : memref<!tpu.dma_semaphore, #tpu.memory_space<semaphore_mem>>) src(%dma_wait3A_940 : memref<80xi32, #tpu.memory_space<hbm>>) dst(%dma_wait3A_938 : memref<80xi32, #tpu.memory_space<vmem>>)
        %dma_wait3A_941 = arith.constant 1 : i32
        %dma_wait3A_942 = arith.constant 3 : i32
        %dma_wait3A_943 = arith.constant 0 : i32
        %dma_wait3A_944 = tpu.memref_slice %arg9[%sub3A_893, %dma_wait3A_942, %dma_wait3A_943] : memref<2x25x80xi32, #tpu.memory_space<vmem>> -> memref<1x1x80xi32, #tpu.memory_space<vmem>>
        %dma_wait3A_945 = tpu.memref_squeeze %dma_wait3A_944 : memref<1x1x80xi32, #tpu.memory_space<vmem>> -> memref<80xi32, #tpu.memory_space<vmem>>
        %dma_wait3A_946 = tpu.memref_slice %arg3[%dma_wait3A_941, %mul3A_2] : memref<2x320000xi32, #tpu.memory_space<hbm>> -> memref<1x80xi32, #tpu.memory_space<hbm>>
        %dma_wait3A_947 = tpu.memref_squeeze %dma_wait3A_946 : memref<1x80xi32, #tpu.memory_space<hbm>> -> memref<80xi32, #tpu.memory_space<hbm>>
        %dma_wait3A_948 = arith.constant 0 : i32
        %dma_wait3A_949 = tpu.memref_slice %arg9[%sub3A_893, %dma_wait3A_942, %dma_wait3A_948] : memref<2x25x80xi32, #tpu.memory_space<vmem>> -> memref<1x1x80xi32, #tpu.memory_space<vmem>>
        %dma_wait3A_950 = tpu.memref_squeeze %dma_wait3A_949 : memref<1x1x80xi32, #tpu.memory_space<vmem>> -> memref<80xi32, #tpu.memory_space<vmem>>
        %dma_wait3A_951 = tpu.memref_slice %arg3[%dma_wait3A_941, %mul3A_2] : memref<2x320000xi32, #tpu.memory_space<hbm>> -> memref<1x80xi32, #tpu.memory_space<hbm>>
        %dma_wait3A_952 = tpu.memref_squeeze %dma_wait3A_951 : memref<1x80xi32, #tpu.memory_space<hbm>> -> memref<80xi32, #tpu.memory_space<hbm>>
        tpu.wait_dma2 semaphore(%arg15 : memref<!tpu.dma_semaphore, #tpu.memory_space<semaphore_mem>>) src(%dma_wait3A_952 : memref<80xi32, #tpu.memory_space<hbm>>) dst(%dma_wait3A_950 : memref<80xi32, #tpu.memory_space<vmem>>)
        %dma_wait3A_953 = arith.constant 1 : i32
        %dma_wait3A_954 = arith.constant 4 : i32
        %dma_wait3A_955 = arith.constant 0 : i32
        %dma_wait3A_956 = tpu.memref_slice %arg9[%sub3A_893, %dma_wait3A_954, %dma_wait3A_955] : memref<2x25x80xi32, #tpu.memory_space<vmem>> -> memref<1x1x80xi32, #tpu.memory_space<vmem>>
        %dma_wait3A_957 = tpu.memref_squeeze %dma_wait3A_956 : memref<1x1x80xi32, #tpu.memory_space<vmem>> -> memref<80xi32, #tpu.memory_space<vmem>>
        %dma_wait3A_958 = tpu.memref_slice %arg3[%dma_wait3A_953, %mul3A_2] : memref<2x320000xi32, #tpu.memory_space<hbm>> -> memref<1x80xi32, #tpu.memory_space<hbm>>
        %dma_wait3A_959 = tpu.memref_squeeze %dma_wait3A_958 : memref<1x80xi32, #tpu.memory_space<hbm>> -> memref<80xi32, #tpu.memory_space<hbm>>
        %dma_wait3A_960 = arith.constant 0 : i32
        %dma_wait3A_961 = tpu.memref_slice %arg9[%sub3A_893, %dma_wait3A_954, %dma_wait3A_960] : memref<2x25x80xi32, #tpu.memory_space<vmem>> -> memref<1x1x80xi32, #tpu.memory_space<vmem>>
        %dma_wait3A_962 = tpu.memref_squeeze %dma_wait3A_961 : memref<1x1x80xi32, #tpu.memory_space<vmem>> -> memref<80xi32, #tpu.memory_space<vmem>>
        %dma_wait3A_963 = tpu.memref_slice %arg3[%dma_wait3A_953, %mul3A_2] : memref<2x320000xi32, #tpu.memory_space<hbm>> -> memref<1x80xi32, #tpu.memory_space<hbm>>
        %dma_wait3A_964 = tpu.memref_squeeze %dma_wait3A_963 : memref<1x80xi32, #tpu.memory_space<hbm>> -> memref<80xi32, #tpu.memory_space<hbm>>
        tpu.wait_dma2 semaphore(%arg15 : memref<!tpu.dma_semaphore, #tpu.memory_space<semaphore_mem>>) src(%dma_wait3A_964 : memref<80xi32, #tpu.memory_space<hbm>>) dst(%dma_wait3A_962 : memref<80xi32, #tpu.memory_space<vmem>>)
        %dma_wait3A_965 = arith.constant 1 : i32
        %dma_wait3A_966 = arith.constant 5 : i32
        %dma_wait3A_967 = arith.constant 0 : i32
        %dma_wait3A_968 = tpu.memref_slice %arg9[%sub3A_893, %dma_wait3A_966, %dma_wait3A_967] : memref<2x25x80xi32, #tpu.memory_space<vmem>> -> memref<1x1x80xi32, #tpu.memory_space<vmem>>
        %dma_wait3A_969 = tpu.memref_squeeze %dma_wait3A_968 : memref<1x1x80xi32, #tpu.memory_space<vmem>> -> memref<80xi32, #tpu.memory_space<vmem>>
        %dma_wait3A_970 = tpu.memref_slice %arg3[%dma_wait3A_965, %mul3A_2] : memref<2x320000xi32, #tpu.memory_space<hbm>> -> memref<1x80xi32, #tpu.memory_space<hbm>>
        %dma_wait3A_971 = tpu.memref_squeeze %dma_wait3A_970 : memref<1x80xi32, #tpu.memory_space<hbm>> -> memref<80xi32, #tpu.memory_space<hbm>>
        %dma_wait3A_972 = arith.constant 0 : i32
        %dma_wait3A_973 = tpu.memref_slice %arg9[%sub3A_893, %dma_wait3A_966, %dma_wait3A_972] : memref<2x25x80xi32, #tpu.memory_space<vmem>> -> memref<1x1x80xi32, #tpu.memory_space<vmem>>
        %dma_wait3A_974 = tpu.memref_squeeze %dma_wait3A_973 : memref<1x1x80xi32, #tpu.memory_space<vmem>> -> memref<80xi32, #tpu.memory_space<vmem>>
        %dma_wait3A_975 = tpu.memref_slice %arg3[%dma_wait3A_965, %mul3A_2] : memref<2x320000xi32, #tpu.memory_space<hbm>> -> memref<1x80xi32, #tpu.memory_space<hbm>>
        %dma_wait3A_976 = tpu.memref_squeeze %dma_wait3A_975 : memref<1x80xi32, #tpu.memory_space<hbm>> -> memref<80xi32, #tpu.memory_space<hbm>>
        tpu.wait_dma2 semaphore(%arg15 : memref<!tpu.dma_semaphore, #tpu.memory_space<semaphore_mem>>) src(%dma_wait3A_976 : memref<80xi32, #tpu.memory_space<hbm>>) dst(%dma_wait3A_974 : memref<80xi32, #tpu.memory_space<vmem>>)
        %dma_wait3A_977 = arith.constant 1 : i32
        %dma_wait3A_978 = arith.constant 6 : i32
        %dma_wait3A_979 = arith.constant 0 : i32
        %dma_wait3A_980 = tpu.memref_slice %arg9[%sub3A_893, %dma_wait3A_978, %dma_wait3A_979] : memref<2x25x80xi32, #tpu.memory_space<vmem>> -> memref<1x1x80xi32, #tpu.memory_space<vmem>>
        %dma_wait3A_981 = tpu.memref_squeeze %dma_wait3A_980 : memref<1x1x80xi32, #tpu.memory_space<vmem>> -> memref<80xi32, #tpu.memory_space<vmem>>
        %dma_wait3A_982 = tpu.memref_slice %arg3[%dma_wait3A_977, %mul3A_2] : memref<2x320000xi32, #tpu.memory_space<hbm>> -> memref<1x80xi32, #tpu.memory_space<hbm>>
        %dma_wait3A_983 = tpu.memref_squeeze %dma_wait3A_982 : memref<1x80xi32, #tpu.memory_space<hbm>> -> memref<80xi32, #tpu.memory_space<hbm>>
        %dma_wait3A_984 = arith.constant 0 : i32
        %dma_wait3A_985 = tpu.memref_slice %arg9[%sub3A_893, %dma_wait3A_978, %dma_wait3A_984] : memref<2x25x80xi32, #tpu.memory_space<vmem>> -> memref<1x1x80xi32, #tpu.memory_space<vmem>>
        %dma_wait3A_986 = tpu.memref_squeeze %dma_wait3A_985 : memref<1x1x80xi32, #tpu.memory_space<vmem>> -> memref<80xi32, #tpu.memory_space<vmem>>
        %dma_wait3A_987 = tpu.memref_slice %arg3[%dma_wait3A_977, %mul3A_2] : memref<2x320000xi32, #tpu.memory_space<hbm>> -> memref<1x80xi32, #tpu.memory_space<hbm>>
        %dma_wait3A_988 = tpu.memref_squeeze %dma_wait3A_987 : memref<1x80xi32, #tpu.memory_space<hbm>> -> memref<80xi32, #tpu.memory_space<hbm>>
        tpu.wait_dma2 semaphore(%arg15 : memref<!tpu.dma_semaphore, #tpu.memory_space<semaphore_mem>>) src(%dma_wait3A_988 : memref<80xi32, #tpu.memory_space<hbm>>) dst(%dma_wait3A_986 : memref<80xi32, #tpu.memory_space<vmem>>)
        %dma_wait3A_989 = arith.constant 1 : i32
        %dma_wait3A_990 = arith.constant 7 : i32
        %dma_wait3A_991 = arith.constant 0 : i32
        %dma_wait3A_992 = tpu.memref_slice %arg9[%sub3A_893, %dma_wait3A_990, %dma_wait3A_991] : memref<2x25x80xi32, #tpu.memory_space<vmem>> -> memref<1x1x80xi32, #tpu.memory_space<vmem>>
        %dma_wait3A_993 = tpu.memref_squeeze %dma_wait3A_992 : memref<1x1x80xi32, #tpu.memory_space<vmem>> -> memref<80xi32, #tpu.memory_space<vmem>>
        %dma_wait3A_994 = tpu.memref_slice %arg3[%dma_wait3A_989, %mul3A_2] : memref<2x320000xi32, #tpu.memory_space<hbm>> -> memref<1x80xi32, #tpu.memory_space<hbm>>
        %dma_wait3A_995 = tpu.memref_squeeze %dma_wait3A_994 : memref<1x80xi32, #tpu.memory_space<hbm>> -> memref<80xi32, #tpu.memory_space<hbm>>
        %dma_wait3A_996 = arith.constant 0 : i32
        %dma_wait3A_997 = tpu.memref_slice %arg9[%sub3A_893, %dma_wait3A_990, %dma_wait3A_996] : memref<2x25x80xi32, #tpu.memory_space<vmem>> -> memref<1x1x80xi32, #tpu.memory_space<vmem>>
        %dma_wait3A_998 = tpu.memref_squeeze %dma_wait3A_997 : memref<1x1x80xi32, #tpu.memory_space<vmem>> -> memref<80xi32, #tpu.memory_space<vmem>>
        %dma_wait3A_999 = tpu.memref_slice %arg3[%dma_wait3A_989, %mul3A_2] : memref<2x320000xi32, #tpu.memory_space<hbm>> -> memref<1x80xi32, #tpu.memory_space<hbm>>
        %dma_wait3A_1000 = tpu.memref_squeeze %dma_wait3A_999 : memref<1x80xi32, #tpu.memory_space<hbm>> -> memref<80xi32, #tpu.memory_space<hbm>>
        tpu.wait_dma2 semaphore(%arg15 : memref<!tpu.dma_semaphore, #tpu.memory_space<semaphore_mem>>) src(%dma_wait3A_1000 : memref<80xi32, #tpu.memory_space<hbm>>) dst(%dma_wait3A_998 : memref<80xi32, #tpu.memory_space<vmem>>)
        %dma_wait3A_1001 = arith.constant 1 : i32
        %dma_wait3A_1002 = arith.constant 8 : i32
        %dma_wait3A_1003 = arith.constant 0 : i32
        %dma_wait3A_1004 = tpu.memref_slice %arg9[%sub3A_893, %dma_wait3A_1002, %dma_wait3A_1003] : memref<2x25x80xi32, #tpu.memory_space<vmem>> -> memref<1x1x80xi32, #tpu.memory_space<vmem>>
        %dma_wait3A_1005 = tpu.memref_squeeze %dma_wait3A_1004 : memref<1x1x80xi32, #tpu.memory_space<vmem>> -> memref<80xi32, #tpu.memory_space<vmem>>
        %dma_wait3A_1006 = tpu.memref_slice %arg3[%dma_wait3A_1001, %mul3A_2] : memref<2x320000xi32, #tpu.memory_space<hbm>> -> memref<1x80xi32, #tpu.memory_space<hbm>>
        %dma_wait3A_1007 = tpu.memref_squeeze %dma_wait3A_1006 : memref<1x80xi32, #tpu.memory_space<hbm>> -> memref<80xi32, #tpu.memory_space<hbm>>
        %dma_wait3A_1008 = arith.constant 0 : i32
        %dma_wait3A_1009 = tpu.memref_slice %arg9[%sub3A_893, %dma_wait3A_1002, %dma_wait3A_1008] : memref<2x25x80xi32, #tpu.memory_space<vmem>> -> memref<1x1x80xi32, #tpu.memory_space<vmem>>
        %dma_wait3A_1010 = tpu.memref_squeeze %dma_wait3A_1009 : memref<1x1x80xi32, #tpu.memory_space<vmem>> -> memref<80xi32, #tpu.memory_space<vmem>>
        %dma_wait3A_1011 = tpu.memref_slice %arg3[%dma_wait3A_1001, %mul3A_2] : memref<2x320000xi32, #tpu.memory_space<hbm>> -> memref<1x80xi32, #tpu.memory_space<hbm>>
        %dma_wait3A_1012 = tpu.memref_squeeze %dma_wait3A_1011 : memref<1x80xi32, #tpu.memory_space<hbm>> -> memref<80xi32, #tpu.memory_space<hbm>>
        tpu.wait_dma2 semaphore(%arg15 : memref<!tpu.dma_semaphore, #tpu.memory_space<semaphore_mem>>) src(%dma_wait3A_1012 : memref<80xi32, #tpu.memory_space<hbm>>) dst(%dma_wait3A_1010 : memref<80xi32, #tpu.memory_space<vmem>>)
        %dma_wait3A_1013 = arith.constant 1 : i32
        %dma_wait3A_1014 = arith.constant 9 : i32
        %dma_wait3A_1015 = arith.constant 0 : i32
        %dma_wait3A_1016 = tpu.memref_slice %arg9[%sub3A_893, %dma_wait3A_1014, %dma_wait3A_1015] : memref<2x25x80xi32, #tpu.memory_space<vmem>> -> memref<1x1x80xi32, #tpu.memory_space<vmem>>
        %dma_wait3A_1017 = tpu.memref_squeeze %dma_wait3A_1016 : memref<1x1x80xi32, #tpu.memory_space<vmem>> -> memref<80xi32, #tpu.memory_space<vmem>>
        %dma_wait3A_1018 = tpu.memref_slice %arg3[%dma_wait3A_1013, %mul3A_2] : memref<2x320000xi32, #tpu.memory_space<hbm>> -> memref<1x80xi32, #tpu.memory_space<hbm>>
        %dma_wait3A_1019 = tpu.memref_squeeze %dma_wait3A_1018 : memref<1x80xi32, #tpu.memory_space<hbm>> -> memref<80xi32, #tpu.memory_space<hbm>>
        %dma_wait3A_1020 = arith.constant 0 : i32
        %dma_wait3A_1021 = tpu.memref_slice %arg9[%sub3A_893, %dma_wait3A_1014, %dma_wait3A_1020] : memref<2x25x80xi32, #tpu.memory_space<vmem>> -> memref<1x1x80xi32, #tpu.memory_space<vmem>>
        %dma_wait3A_1022 = tpu.memref_squeeze %dma_wait3A_1021 : memref<1x1x80xi32, #tpu.memory_space<vmem>> -> memref<80xi32, #tpu.memory_space<vmem>>
        %dma_wait3A_1023 = tpu.memref_slice %arg3[%dma_wait3A_1013, %mul3A_2] : memref<2x320000xi32, #tpu.memory_space<hbm>> -> memref<1x80xi32, #tpu.memory_space<hbm>>
        %dma_wait3A_1024 = tpu.memref_squeeze %dma_wait3A_1023 : memref<1x80xi32, #tpu.memory_space<hbm>> -> memref<80xi32, #tpu.memory_space<hbm>>
        tpu.wait_dma2 semaphore(%arg15 : memref<!tpu.dma_semaphore, #tpu.memory_space<semaphore_mem>>) src(%dma_wait3A_1024 : memref<80xi32, #tpu.memory_space<hbm>>) dst(%dma_wait3A_1022 : memref<80xi32, #tpu.memory_space<vmem>>)
        %dma_wait3A_1025 = arith.constant 1 : i32
        %dma_wait3A_1026 = arith.constant 10 : i32
        %dma_wait3A_1027 = arith.constant 0 : i32
        %dma_wait3A_1028 = tpu.memref_slice %arg9[%sub3A_893, %dma_wait3A_1026, %dma_wait3A_1027] : memref<2x25x80xi32, #tpu.memory_space<vmem>> -> memref<1x1x80xi32, #tpu.memory_space<vmem>>
        %dma_wait3A_1029 = tpu.memref_squeeze %dma_wait3A_1028 : memref<1x1x80xi32, #tpu.memory_space<vmem>> -> memref<80xi32, #tpu.memory_space<vmem>>
        %dma_wait3A_1030 = tpu.memref_slice %arg3[%dma_wait3A_1025, %mul3A_2] : memref<2x320000xi32, #tpu.memory_space<hbm>> -> memref<1x80xi32, #tpu.memory_space<hbm>>
        %dma_wait3A_1031 = tpu.memref_squeeze %dma_wait3A_1030 : memref<1x80xi32, #tpu.memory_space<hbm>> -> memref<80xi32, #tpu.memory_space<hbm>>
        %dma_wait3A_1032 = arith.constant 0 : i32
        %dma_wait3A_1033 = tpu.memref_slice %arg9[%sub3A_893, %dma_wait3A_1026, %dma_wait3A_1032] : memref<2x25x80xi32, #tpu.memory_space<vmem>> -> memref<1x1x80xi32, #tpu.memory_space<vmem>>
        %dma_wait3A_1034 = tpu.memref_squeeze %dma_wait3A_1033 : memref<1x1x80xi32, #tpu.memory_space<vmem>> -> memref<80xi32, #tpu.memory_space<vmem>>
        %dma_wait3A_1035 = tpu.memref_slice %arg3[%dma_wait3A_1025, %mul3A_2] : memref<2x320000xi32, #tpu.memory_space<hbm>> -> memref<1x80xi32, #tpu.memory_space<hbm>>
        %dma_wait3A_1036 = tpu.memref_squeeze %dma_wait3A_1035 : memref<1x80xi32, #tpu.memory_space<hbm>> -> memref<80xi32, #tpu.memory_space<hbm>>
        tpu.wait_dma2 semaphore(%arg15 : memref<!tpu.dma_semaphore, #tpu.memory_space<semaphore_mem>>) src(%dma_wait3A_1036 : memref<80xi32, #tpu.memory_space<hbm>>) dst(%dma_wait3A_1034 : memref<80xi32, #tpu.memory_space<vmem>>)
        %dma_wait3A_1037 = arith.constant 1 : i32
        %dma_wait3A_1038 = arith.constant 11 : i32
        %dma_wait3A_1039 = arith.constant 0 : i32
        %dma_wait3A_1040 = tpu.memref_slice %arg9[%sub3A_893, %dma_wait3A_1038, %dma_wait3A_1039] : memref<2x25x80xi32, #tpu.memory_space<vmem>> -> memref<1x1x80xi32, #tpu.memory_space<vmem>>
        %dma_wait3A_1041 = tpu.memref_squeeze %dma_wait3A_1040 : memref<1x1x80xi32, #tpu.memory_space<vmem>> -> memref<80xi32, #tpu.memory_space<vmem>>
        %dma_wait3A_1042 = tpu.memref_slice %arg3[%dma_wait3A_1037, %mul3A_2] : memref<2x320000xi32, #tpu.memory_space<hbm>> -> memref<1x80xi32, #tpu.memory_space<hbm>>
        %dma_wait3A_1043 = tpu.memref_squeeze %dma_wait3A_1042 : memref<1x80xi32, #tpu.memory_space<hbm>> -> memref<80xi32, #tpu.memory_space<hbm>>
        %dma_wait3A_1044 = arith.constant 0 : i32
        %dma_wait3A_1045 = tpu.memref_slice %arg9[%sub3A_893, %dma_wait3A_1038, %dma_wait3A_1044] : memref<2x25x80xi32, #tpu.memory_space<vmem>> -> memref<1x1x80xi32, #tpu.memory_space<vmem>>
        %dma_wait3A_1046 = tpu.memref_squeeze %dma_wait3A_1045 : memref<1x1x80xi32, #tpu.memory_space<vmem>> -> memref<80xi32, #tpu.memory_space<vmem>>
        %dma_wait3A_1047 = tpu.memref_slice %arg3[%dma_wait3A_1037, %mul3A_2] : memref<2x320000xi32, #tpu.memory_space<hbm>> -> memref<1x80xi32, #tpu.memory_space<hbm>>
        %dma_wait3A_1048 = tpu.memref_squeeze %dma_wait3A_1047 : memref<1x80xi32, #tpu.memory_space<hbm>> -> memref<80xi32, #tpu.memory_space<hbm>>
        tpu.wait_dma2 semaphore(%arg15 : memref<!tpu.dma_semaphore, #tpu.memory_space<semaphore_mem>>) src(%dma_wait3A_1048 : memref<80xi32, #tpu.memory_space<hbm>>) dst(%dma_wait3A_1046 : memref<80xi32, #tpu.memory_space<vmem>>)
        %dma_wait3A_1049 = arith.constant 1 : i32
        %dma_wait3A_1050 = arith.constant 12 : i32
        %dma_wait3A_1051 = arith.constant 0 : i32
        %dma_wait3A_1052 = tpu.memref_slice %arg9[%sub3A_893, %dma_wait3A_1050, %dma_wait3A_1051] : memref<2x25x80xi32, #tpu.memory_space<vmem>> -> memref<1x1x80xi32, #tpu.memory_space<vmem>>
        %dma_wait3A_1053 = tpu.memref_squeeze %dma_wait3A_1052 : memref<1x1x80xi32, #tpu.memory_space<vmem>> -> memref<80xi32, #tpu.memory_space<vmem>>
        %dma_wait3A_1054 = tpu.memref_slice %arg3[%dma_wait3A_1049, %mul3A_2] : memref<2x320000xi32, #tpu.memory_space<hbm>> -> memref<1x80xi32, #tpu.memory_space<hbm>>
        %dma_wait3A_1055 = tpu.memref_squeeze %dma_wait3A_1054 : memref<1x80xi32, #tpu.memory_space<hbm>> -> memref<80xi32, #tpu.memory_space<hbm>>
        %dma_wait3A_1056 = arith.constant 0 : i32
        %dma_wait3A_1057 = tpu.memref_slice %arg9[%sub3A_893, %dma_wait3A_1050, %dma_wait3A_1056] : memref<2x25x80xi32, #tpu.memory_space<vmem>> -> memref<1x1x80xi32, #tpu.memory_space<vmem>>
        %dma_wait3A_1058 = tpu.memref_squeeze %dma_wait3A_1057 : memref<1x1x80xi32, #tpu.memory_space<vmem>> -> memref<80xi32, #tpu.memory_space<vmem>>
        %dma_wait3A_1059 = tpu.memref_slice %arg3[%dma_wait3A_1049, %mul3A_2] : memref<2x320000xi32, #tpu.memory_space<hbm>> -> memref<1x80xi32, #tpu.memory_space<hbm>>
        %dma_wait3A_1060 = tpu.memref_squeeze %dma_wait3A_1059 : memref<1x80xi32, #tpu.memory_space<hbm>> -> memref<80xi32, #tpu.memory_space<hbm>>
        tpu.wait_dma2 semaphore(%arg15 : memref<!tpu.dma_semaphore, #tpu.memory_space<semaphore_mem>>) src(%dma_wait3A_1060 : memref<80xi32, #tpu.memory_space<hbm>>) dst(%dma_wait3A_1058 : memref<80xi32, #tpu.memory_space<vmem>>)
        %dma_wait3A_1061 = arith.constant 1 : i32
        %dma_wait3A_1062 = arith.constant 13 : i32
        %dma_wait3A_1063 = arith.constant 0 : i32
        %dma_wait3A_1064 = tpu.memref_slice %arg9[%sub3A_893, %dma_wait3A_1062, %dma_wait3A_1063] : memref<2x25x80xi32, #tpu.memory_space<vmem>> -> memref<1x1x80xi32, #tpu.memory_space<vmem>>
        %dma_wait3A_1065 = tpu.memref_squeeze %dma_wait3A_1064 : memref<1x1x80xi32, #tpu.memory_space<vmem>> -> memref<80xi32, #tpu.memory_space<vmem>>
        %dma_wait3A_1066 = tpu.memref_slice %arg3[%dma_wait3A_1061, %mul3A_2] : memref<2x320000xi32, #tpu.memory_space<hbm>> -> memref<1x80xi32, #tpu.memory_space<hbm>>
        %dma_wait3A_1067 = tpu.memref_squeeze %dma_wait3A_1066 : memref<1x80xi32, #tpu.memory_space<hbm>> -> memref<80xi32, #tpu.memory_space<hbm>>
        %dma_wait3A_1068 = arith.constant 0 : i32
        %dma_wait3A_1069 = tpu.memref_slice %arg9[%sub3A_893, %dma_wait3A_1062, %dma_wait3A_1068] : memref<2x25x80xi32, #tpu.memory_space<vmem>> -> memref<1x1x80xi32, #tpu.memory_space<vmem>>
        %dma_wait3A_1070 = tpu.memref_squeeze %dma_wait3A_1069 : memref<1x1x80xi32, #tpu.memory_space<vmem>> -> memref<80xi32, #tpu.memory_space<vmem>>
        %dma_wait3A_1071 = tpu.memref_slice %arg3[%dma_wait3A_1061, %mul3A_2] : memref<2x320000xi32, #tpu.memory_space<hbm>> -> memref<1x80xi32, #tpu.memory_space<hbm>>
        %dma_wait3A_1072 = tpu.memref_squeeze %dma_wait3A_1071 : memref<1x80xi32, #tpu.memory_space<hbm>> -> memref<80xi32, #tpu.memory_space<hbm>>
        tpu.wait_dma2 semaphore(%arg15 : memref<!tpu.dma_semaphore, #tpu.memory_space<semaphore_mem>>) src(%dma_wait3A_1072 : memref<80xi32, #tpu.memory_space<hbm>>) dst(%dma_wait3A_1070 : memref<80xi32, #tpu.memory_space<vmem>>)
        %dma_wait3A_1073 = arith.constant 1 : i32
        %dma_wait3A_1074 = arith.constant 14 : i32
        %dma_wait3A_1075 = arith.constant 0 : i32
        %dma_wait3A_1076 = tpu.memref_slice %arg9[%sub3A_893, %dma_wait3A_1074, %dma_wait3A_1075] : memref<2x25x80xi32, #tpu.memory_space<vmem>> -> memref<1x1x80xi32, #tpu.memory_space<vmem>>
        %dma_wait3A_1077 = tpu.memref_squeeze %dma_wait3A_1076 : memref<1x1x80xi32, #tpu.memory_space<vmem>> -> memref<80xi32, #tpu.memory_space<vmem>>
        %dma_wait3A_1078 = tpu.memref_slice %arg3[%dma_wait3A_1073, %mul3A_2] : memref<2x320000xi32, #tpu.memory_space<hbm>> -> memref<1x80xi32, #tpu.memory_space<hbm>>
        %dma_wait3A_1079 = tpu.memref_squeeze %dma_wait3A_1078 : memref<1x80xi32, #tpu.memory_space<hbm>> -> memref<80xi32, #tpu.memory_space<hbm>>
        %dma_wait3A_1080 = arith.constant 0 : i32
        %dma_wait3A_1081 = tpu.memref_slice %arg9[%sub3A_893, %dma_wait3A_1074, %dma_wait3A_1080] : memref<2x25x80xi32, #tpu.memory_space<vmem>> -> memref<1x1x80xi32, #tpu.memory_space<vmem>>
        %dma_wait3A_1082 = tpu.memref_squeeze %dma_wait3A_1081 : memref<1x1x80xi32, #tpu.memory_space<vmem>> -> memref<80xi32, #tpu.memory_space<vmem>>
        %dma_wait3A_1083 = tpu.memref_slice %arg3[%dma_wait3A_1073, %mul3A_2] : memref<2x320000xi32, #tpu.memory_space<hbm>> -> memref<1x80xi32, #tpu.memory_space<hbm>>
        %dma_wait3A_1084 = tpu.memref_squeeze %dma_wait3A_1083 : memref<1x80xi32, #tpu.memory_space<hbm>> -> memref<80xi32, #tpu.memory_space<hbm>>
        tpu.wait_dma2 semaphore(%arg15 : memref<!tpu.dma_semaphore, #tpu.memory_space<semaphore_mem>>) src(%dma_wait3A_1084 : memref<80xi32, #tpu.memory_space<hbm>>) dst(%dma_wait3A_1082 : memref<80xi32, #tpu.memory_space<vmem>>)
        %dma_wait3A_1085 = arith.constant 1 : i32
        %dma_wait3A_1086 = arith.constant 15 : i32
        %dma_wait3A_1087 = arith.constant 0 : i32
        %dma_wait3A_1088 = tpu.memref_slice %arg9[%sub3A_893, %dma_wait3A_1086, %dma_wait3A_1087] : memref<2x25x80xi32, #tpu.memory_space<vmem>> -> memref<1x1x80xi32, #tpu.memory_space<vmem>>
        %dma_wait3A_1089 = tpu.memref_squeeze %dma_wait3A_1088 : memref<1x1x80xi32, #tpu.memory_space<vmem>> -> memref<80xi32, #tpu.memory_space<vmem>>
        %dma_wait3A_1090 = tpu.memref_slice %arg3[%dma_wait3A_1085, %mul3A_2] : memref<2x320000xi32, #tpu.memory_space<hbm>> -> memref<1x80xi32, #tpu.memory_space<hbm>>
        %dma_wait3A_1091 = tpu.memref_squeeze %dma_wait3A_1090 : memref<1x80xi32, #tpu.memory_space<hbm>> -> memref<80xi32, #tpu.memory_space<hbm>>
        %dma_wait3A_1092 = arith.constant 0 : i32
        %dma_wait3A_1093 = tpu.memref_slice %arg9[%sub3A_893, %dma_wait3A_1086, %dma_wait3A_1092] : memref<2x25x80xi32, #tpu.memory_space<vmem>> -> memref<1x1x80xi32, #tpu.memory_space<vmem>>
        %dma_wait3A_1094 = tpu.memref_squeeze %dma_wait3A_1093 : memref<1x1x80xi32, #tpu.memory_space<vmem>> -> memref<80xi32, #tpu.memory_space<vmem>>
        %dma_wait3A_1095 = tpu.memref_slice %arg3[%dma_wait3A_1085, %mul3A_2] : memref<2x320000xi32, #tpu.memory_space<hbm>> -> memref<1x80xi32, #tpu.memory_space<hbm>>
        %dma_wait3A_1096 = tpu.memref_squeeze %dma_wait3A_1095 : memref<1x80xi32, #tpu.memory_space<hbm>> -> memref<80xi32, #tpu.memory_space<hbm>>
        tpu.wait_dma2 semaphore(%arg15 : memref<!tpu.dma_semaphore, #tpu.memory_space<semaphore_mem>>) src(%dma_wait3A_1096 : memref<80xi32, #tpu.memory_space<hbm>>) dst(%dma_wait3A_1094 : memref<80xi32, #tpu.memory_space<vmem>>)
        %dma_wait3A_1097 = arith.constant 1 : i32
        %dma_wait3A_1098 = arith.constant 16 : i32
        %dma_wait3A_1099 = arith.constant 0 : i32
        %dma_wait3A_1100 = tpu.memref_slice %arg9[%sub3A_893, %dma_wait3A_1098, %dma_wait3A_1099] : memref<2x25x80xi32, #tpu.memory_space<vmem>> -> memref<1x1x80xi32, #tpu.memory_space<vmem>>
        %dma_wait3A_1101 = tpu.memref_squeeze %dma_wait3A_1100 : memref<1x1x80xi32, #tpu.memory_space<vmem>> -> memref<80xi32, #tpu.memory_space<vmem>>
        %dma_wait3A_1102 = tpu.memref_slice %arg3[%dma_wait3A_1097, %mul3A_2] : memref<2x320000xi32, #tpu.memory_space<hbm>> -> memref<1x80xi32, #tpu.memory_space<hbm>>
        %dma_wait3A_1103 = tpu.memref_squeeze %dma_wait3A_1102 : memref<1x80xi32, #tpu.memory_space<hbm>> -> memref<80xi32, #tpu.memory_space<hbm>>
        %dma_wait3A_1104 = arith.constant 0 : i32
        %dma_wait3A_1105 = tpu.memref_slice %arg9[%sub3A_893, %dma_wait3A_1098, %dma_wait3A_1104] : memref<2x25x80xi32, #tpu.memory_space<vmem>> -> memref<1x1x80xi32, #tpu.memory_space<vmem>>
        %dma_wait3A_1106 = tpu.memref_squeeze %dma_wait3A_1105 : memref<1x1x80xi32, #tpu.memory_space<vmem>> -> memref<80xi32, #tpu.memory_space<vmem>>
        %dma_wait3A_1107 = tpu.memref_slice %arg3[%dma_wait3A_1097, %mul3A_2] : memref<2x320000xi32, #tpu.memory_space<hbm>> -> memref<1x80xi32, #tpu.memory_space<hbm>>
        %dma_wait3A_1108 = tpu.memref_squeeze %dma_wait3A_1107 : memref<1x80xi32, #tpu.memory_space<hbm>> -> memref<80xi32, #tpu.memory_space<hbm>>
        tpu.wait_dma2 semaphore(%arg15 : memref<!tpu.dma_semaphore, #tpu.memory_space<semaphore_mem>>) src(%dma_wait3A_1108 : memref<80xi32, #tpu.memory_space<hbm>>) dst(%dma_wait3A_1106 : memref<80xi32, #tpu.memory_space<vmem>>)
        %dma_wait3A_1109 = arith.constant 1 : i32
        %dma_wait3A_1110 = arith.constant 17 : i32
        %dma_wait3A_1111 = arith.constant 0 : i32
        %dma_wait3A_1112 = tpu.memref_slice %arg9[%sub3A_893, %dma_wait3A_1110, %dma_wait3A_1111] : memref<2x25x80xi32, #tpu.memory_space<vmem>> -> memref<1x1x80xi32, #tpu.memory_space<vmem>>
        %dma_wait3A_1113 = tpu.memref_squeeze %dma_wait3A_1112 : memref<1x1x80xi32, #tpu.memory_space<vmem>> -> memref<80xi32, #tpu.memory_space<vmem>>
        %dma_wait3A_1114 = tpu.memref_slice %arg3[%dma_wait3A_1109, %mul3A_2] : memref<2x320000xi32, #tpu.memory_space<hbm>> -> memref<1x80xi32, #tpu.memory_space<hbm>>
        %dma_wait3A_1115 = tpu.memref_squeeze %dma_wait3A_1114 : memref<1x80xi32, #tpu.memory_space<hbm>> -> memref<80xi32, #tpu.memory_space<hbm>>
        %dma_wait3A_1116 = arith.constant 0 : i32
        %dma_wait3A_1117 = tpu.memref_slice %arg9[%sub3A_893, %dma_wait3A_1110, %dma_wait3A_1116] : memref<2x25x80xi32, #tpu.memory_space<vmem>> -> memref<1x1x80xi32, #tpu.memory_space<vmem>>
        %dma_wait3A_1118 = tpu.memref_squeeze %dma_wait3A_1117 : memref<1x1x80xi32, #tpu.memory_space<vmem>> -> memref<80xi32, #tpu.memory_space<vmem>>
        %dma_wait3A_1119 = tpu.memref_slice %arg3[%dma_wait3A_1109, %mul3A_2] : memref<2x320000xi32, #tpu.memory_space<hbm>> -> memref<1x80xi32, #tpu.memory_space<hbm>>
        %dma_wait3A_1120 = tpu.memref_squeeze %dma_wait3A_1119 : memref<1x80xi32, #tpu.memory_space<hbm>> -> memref<80xi32, #tpu.memory_space<hbm>>
        tpu.wait_dma2 semaphore(%arg15 : memref<!tpu.dma_semaphore, #tpu.memory_space<semaphore_mem>>) src(%dma_wait3A_1120 : memref<80xi32, #tpu.memory_space<hbm>>) dst(%dma_wait3A_1118 : memref<80xi32, #tpu.memory_space<vmem>>)
        %dma_wait3A_1121 = arith.constant 1 : i32
        %dma_wait3A_1122 = arith.constant 18 : i32
        %dma_wait3A_1123 = arith.constant 0 : i32
        %dma_wait3A_1124 = tpu.memref_slice %arg9[%sub3A_893, %dma_wait3A_1122, %dma_wait3A_1123] : memref<2x25x80xi32, #tpu.memory_space<vmem>> -> memref<1x1x80xi32, #tpu.memory_space<vmem>>
        %dma_wait3A_1125 = tpu.memref_squeeze %dma_wait3A_1124 : memref<1x1x80xi32, #tpu.memory_space<vmem>> -> memref<80xi32, #tpu.memory_space<vmem>>
        %dma_wait3A_1126 = tpu.memref_slice %arg3[%dma_wait3A_1121, %mul3A_2] : memref<2x320000xi32, #tpu.memory_space<hbm>> -> memref<1x80xi32, #tpu.memory_space<hbm>>
        %dma_wait3A_1127 = tpu.memref_squeeze %dma_wait3A_1126 : memref<1x80xi32, #tpu.memory_space<hbm>> -> memref<80xi32, #tpu.memory_space<hbm>>
        %dma_wait3A_1128 = arith.constant 0 : i32
        %dma_wait3A_1129 = tpu.memref_slice %arg9[%sub3A_893, %dma_wait3A_1122, %dma_wait3A_1128] : memref<2x25x80xi32, #tpu.memory_space<vmem>> -> memref<1x1x80xi32, #tpu.memory_space<vmem>>
        %dma_wait3A_1130 = tpu.memref_squeeze %dma_wait3A_1129 : memref<1x1x80xi32, #tpu.memory_space<vmem>> -> memref<80xi32, #tpu.memory_space<vmem>>
        %dma_wait3A_1131 = tpu.memref_slice %arg3[%dma_wait3A_1121, %mul3A_2] : memref<2x320000xi32, #tpu.memory_space<hbm>> -> memref<1x80xi32, #tpu.memory_space<hbm>>
        %dma_wait3A_1132 = tpu.memref_squeeze %dma_wait3A_1131 : memref<1x80xi32, #tpu.memory_space<hbm>> -> memref<80xi32, #tpu.memory_space<hbm>>
        tpu.wait_dma2 semaphore(%arg15 : memref<!tpu.dma_semaphore, #tpu.memory_space<semaphore_mem>>) src(%dma_wait3A_1132 : memref<80xi32, #tpu.memory_space<hbm>>) dst(%dma_wait3A_1130 : memref<80xi32, #tpu.memory_space<vmem>>)
        %dma_wait3A_1133 = arith.constant 1 : i32
        %dma_wait3A_1134 = arith.constant 19 : i32
        %dma_wait3A_1135 = arith.constant 0 : i32
        %dma_wait3A_1136 = tpu.memref_slice %arg9[%sub3A_893, %dma_wait3A_1134, %dma_wait3A_1135] : memref<2x25x80xi32, #tpu.memory_space<vmem>> -> memref<1x1x80xi32, #tpu.memory_space<vmem>>
        %dma_wait3A_1137 = tpu.memref_squeeze %dma_wait3A_1136 : memref<1x1x80xi32, #tpu.memory_space<vmem>> -> memref<80xi32, #tpu.memory_space<vmem>>
        %dma_wait3A_1138 = tpu.memref_slice %arg3[%dma_wait3A_1133, %mul3A_2] : memref<2x320000xi32, #tpu.memory_space<hbm>> -> memref<1x80xi32, #tpu.memory_space<hbm>>
        %dma_wait3A_1139 = tpu.memref_squeeze %dma_wait3A_1138 : memref<1x80xi32, #tpu.memory_space<hbm>> -> memref<80xi32, #tpu.memory_space<hbm>>
        %dma_wait3A_1140 = arith.constant 0 : i32
        %dma_wait3A_1141 = tpu.memref_slice %arg9[%sub3A_893, %dma_wait3A_1134, %dma_wait3A_1140] : memref<2x25x80xi32, #tpu.memory_space<vmem>> -> memref<1x1x80xi32, #tpu.memory_space<vmem>>
        %dma_wait3A_1142 = tpu.memref_squeeze %dma_wait3A_1141 : memref<1x1x80xi32, #tpu.memory_space<vmem>> -> memref<80xi32, #tpu.memory_space<vmem>>
        %dma_wait3A_1143 = tpu.memref_slice %arg3[%dma_wait3A_1133, %mul3A_2] : memref<2x320000xi32, #tpu.memory_space<hbm>> -> memref<1x80xi32, #tpu.memory_space<hbm>>
        %dma_wait3A_1144 = tpu.memref_squeeze %dma_wait3A_1143 : memref<1x80xi32, #tpu.memory_space<hbm>> -> memref<80xi32, #tpu.memory_space<hbm>>
        tpu.wait_dma2 semaphore(%arg15 : memref<!tpu.dma_semaphore, #tpu.memory_space<semaphore_mem>>) src(%dma_wait3A_1144 : memref<80xi32, #tpu.memory_space<hbm>>) dst(%dma_wait3A_1142 : memref<80xi32, #tpu.memory_space<vmem>>)
        %dma_wait3A_1145 = arith.constant 1 : i32
        %dma_wait3A_1146 = arith.constant 20 : i32
        %dma_wait3A_1147 = arith.constant 0 : i32
        %dma_wait3A_1148 = tpu.memref_slice %arg9[%sub3A_893, %dma_wait3A_1146, %dma_wait3A_1147] : memref<2x25x80xi32, #tpu.memory_space<vmem>> -> memref<1x1x80xi32, #tpu.memory_space<vmem>>
        %dma_wait3A_1149 = tpu.memref_squeeze %dma_wait3A_1148 : memref<1x1x80xi32, #tpu.memory_space<vmem>> -> memref<80xi32, #tpu.memory_space<vmem>>
        %dma_wait3A_1150 = tpu.memref_slice %arg3[%dma_wait3A_1145, %mul3A_2] : memref<2x320000xi32, #tpu.memory_space<hbm>> -> memref<1x80xi32, #tpu.memory_space<hbm>>
        %dma_wait3A_1151 = tpu.memref_squeeze %dma_wait3A_1150 : memref<1x80xi32, #tpu.memory_space<hbm>> -> memref<80xi32, #tpu.memory_space<hbm>>
        %dma_wait3A_1152 = arith.constant 0 : i32
        %dma_wait3A_1153 = tpu.memref_slice %arg9[%sub3A_893, %dma_wait3A_1146, %dma_wait3A_1152] : memref<2x25x80xi32, #tpu.memory_space<vmem>> -> memref<1x1x80xi32, #tpu.memory_space<vmem>>
        %dma_wait3A_1154 = tpu.memref_squeeze %dma_wait3A_1153 : memref<1x1x80xi32, #tpu.memory_space<vmem>> -> memref<80xi32, #tpu.memory_space<vmem>>
        %dma_wait3A_1155 = tpu.memref_slice %arg3[%dma_wait3A_1145, %mul3A_2] : memref<2x320000xi32, #tpu.memory_space<hbm>> -> memref<1x80xi32, #tpu.memory_space<hbm>>
        %dma_wait3A_1156 = tpu.memref_squeeze %dma_wait3A_1155 : memref<1x80xi32, #tpu.memory_space<hbm>> -> memref<80xi32, #tpu.memory_space<hbm>>
        tpu.wait_dma2 semaphore(%arg15 : memref<!tpu.dma_semaphore, #tpu.memory_space<semaphore_mem>>) src(%dma_wait3A_1156 : memref<80xi32, #tpu.memory_space<hbm>>) dst(%dma_wait3A_1154 : memref<80xi32, #tpu.memory_space<vmem>>)
        %dma_wait3A_1157 = arith.constant 1 : i32
        %dma_wait3A_1158 = arith.constant 21 : i32
        %dma_wait3A_1159 = arith.constant 0 : i32
        %dma_wait3A_1160 = tpu.memref_slice %arg9[%sub3A_893, %dma_wait3A_1158, %dma_wait3A_1159] : memref<2x25x80xi32, #tpu.memory_space<vmem>> -> memref<1x1x80xi32, #tpu.memory_space<vmem>>
        %dma_wait3A_1161 = tpu.memref_squeeze %dma_wait3A_1160 : memref<1x1x80xi32, #tpu.memory_space<vmem>> -> memref<80xi32, #tpu.memory_space<vmem>>
        %dma_wait3A_1162 = tpu.memref_slice %arg3[%dma_wait3A_1157, %mul3A_2] : memref<2x320000xi32, #tpu.memory_space<hbm>> -> memref<1x80xi32, #tpu.memory_space<hbm>>
        %dma_wait3A_1163 = tpu.memref_squeeze %dma_wait3A_1162 : memref<1x80xi32, #tpu.memory_space<hbm>> -> memref<80xi32, #tpu.memory_space<hbm>>
        %dma_wait3A_1164 = arith.constant 0 : i32
        %dma_wait3A_1165 = tpu.memref_slice %arg9[%sub3A_893, %dma_wait3A_1158, %dma_wait3A_1164] : memref<2x25x80xi32, #tpu.memory_space<vmem>> -> memref<1x1x80xi32, #tpu.memory_space<vmem>>
        %dma_wait3A_1166 = tpu.memref_squeeze %dma_wait3A_1165 : memref<1x1x80xi32, #tpu.memory_space<vmem>> -> memref<80xi32, #tpu.memory_space<vmem>>
        %dma_wait3A_1167 = tpu.memref_slice %arg3[%dma_wait3A_1157, %mul3A_2] : memref<2x320000xi32, #tpu.memory_space<hbm>> -> memref<1x80xi32, #tpu.memory_space<hbm>>
        %dma_wait3A_1168 = tpu.memref_squeeze %dma_wait3A_1167 : memref<1x80xi32, #tpu.memory_space<hbm>> -> memref<80xi32, #tpu.memory_space<hbm>>
        tpu.wait_dma2 semaphore(%arg15 : memref<!tpu.dma_semaphore, #tpu.memory_space<semaphore_mem>>) src(%dma_wait3A_1168 : memref<80xi32, #tpu.memory_space<hbm>>) dst(%dma_wait3A_1166 : memref<80xi32, #tpu.memory_space<vmem>>)
        %dma_wait3A_1169 = arith.constant 1 : i32
        %dma_wait3A_1170 = arith.constant 22 : i32
        %dma_wait3A_1171 = arith.constant 0 : i32
        %dma_wait3A_1172 = tpu.memref_slice %arg9[%sub3A_893, %dma_wait3A_1170, %dma_wait3A_1171] : memref<2x25x80xi32, #tpu.memory_space<vmem>> -> memref<1x1x80xi32, #tpu.memory_space<vmem>>
        %dma_wait3A_1173 = tpu.memref_squeeze %dma_wait3A_1172 : memref<1x1x80xi32, #tpu.memory_space<vmem>> -> memref<80xi32, #tpu.memory_space<vmem>>
        %dma_wait3A_1174 = tpu.memref_slice %arg3[%dma_wait3A_1169, %mul3A_2] : memref<2x320000xi32, #tpu.memory_space<hbm>> -> memref<1x80xi32, #tpu.memory_space<hbm>>
        %dma_wait3A_1175 = tpu.memref_squeeze %dma_wait3A_1174 : memref<1x80xi32, #tpu.memory_space<hbm>> -> memref<80xi32, #tpu.memory_space<hbm>>
        %dma_wait3A_1176 = arith.constant 0 : i32
        %dma_wait3A_1177 = tpu.memref_slice %arg9[%sub3A_893, %dma_wait3A_1170, %dma_wait3A_1176] : memref<2x25x80xi32, #tpu.memory_space<vmem>> -> memref<1x1x80xi32, #tpu.memory_space<vmem>>
        %dma_wait3A_1178 = tpu.memref_squeeze %dma_wait3A_1177 : memref<1x1x80xi32, #tpu.memory_space<vmem>> -> memref<80xi32, #tpu.memory_space<vmem>>
        %dma_wait3A_1179 = tpu.memref_slice %arg3[%dma_wait3A_1169, %mul3A_2] : memref<2x320000xi32, #tpu.memory_space<hbm>> -> memref<1x80xi32, #tpu.memory_space<hbm>>
        %dma_wait3A_1180 = tpu.memref_squeeze %dma_wait3A_1179 : memref<1x80xi32, #tpu.memory_space<hbm>> -> memref<80xi32, #tpu.memory_space<hbm>>
        tpu.wait_dma2 semaphore(%arg15 : memref<!tpu.dma_semaphore, #tpu.memory_space<semaphore_mem>>) src(%dma_wait3A_1180 : memref<80xi32, #tpu.memory_space<hbm>>) dst(%dma_wait3A_1178 : memref<80xi32, #tpu.memory_space<vmem>>)
        %dma_wait3A_1181 = arith.constant 1 : i32
        %dma_wait3A_1182 = arith.constant 23 : i32
        %dma_wait3A_1183 = arith.constant 0 : i32
        %dma_wait3A_1184 = tpu.memref_slice %arg9[%sub3A_893, %dma_wait3A_1182, %dma_wait3A_1183] : memref<2x25x80xi32, #tpu.memory_space<vmem>> -> memref<1x1x80xi32, #tpu.memory_space<vmem>>
        %dma_wait3A_1185 = tpu.memref_squeeze %dma_wait3A_1184 : memref<1x1x80xi32, #tpu.memory_space<vmem>> -> memref<80xi32, #tpu.memory_space<vmem>>
        %dma_wait3A_1186 = tpu.memref_slice %arg3[%dma_wait3A_1181, %mul3A_2] : memref<2x320000xi32, #tpu.memory_space<hbm>> -> memref<1x80xi32, #tpu.memory_space<hbm>>
        %dma_wait3A_1187 = tpu.memref_squeeze %dma_wait3A_1186 : memref<1x80xi32, #tpu.memory_space<hbm>> -> memref<80xi32, #tpu.memory_space<hbm>>
        %dma_wait3A_1188 = arith.constant 0 : i32
        %dma_wait3A_1189 = tpu.memref_slice %arg9[%sub3A_893, %dma_wait3A_1182, %dma_wait3A_1188] : memref<2x25x80xi32, #tpu.memory_space<vmem>> -> memref<1x1x80xi32, #tpu.memory_space<vmem>>
        %dma_wait3A_1190 = tpu.memref_squeeze %dma_wait3A_1189 : memref<1x1x80xi32, #tpu.memory_space<vmem>> -> memref<80xi32, #tpu.memory_space<vmem>>
        %dma_wait3A_1191 = tpu.memref_slice %arg3[%dma_wait3A_1181, %mul3A_2] : memref<2x320000xi32, #tpu.memory_space<hbm>> -> memref<1x80xi32, #tpu.memory_space<hbm>>
        %dma_wait3A_1192 = tpu.memref_squeeze %dma_wait3A_1191 : memref<1x80xi32, #tpu.memory_space<hbm>> -> memref<80xi32, #tpu.memory_space<hbm>>
        tpu.wait_dma2 semaphore(%arg15 : memref<!tpu.dma_semaphore, #tpu.memory_space<semaphore_mem>>) src(%dma_wait3A_1192 : memref<80xi32, #tpu.memory_space<hbm>>) dst(%dma_wait3A_1190 : memref<80xi32, #tpu.memory_space<vmem>>)
        %dma_wait3A_1193 = arith.constant 1 : i32
        %dma_wait3A_1194 = arith.constant 24 : i32
        %dma_wait3A_1195 = arith.constant 0 : i32
        %dma_wait3A_1196 = tpu.memref_slice %arg9[%sub3A_893, %dma_wait3A_1194, %dma_wait3A_1195] : memref<2x25x80xi32, #tpu.memory_space<vmem>> -> memref<1x1x80xi32, #tpu.memory_space<vmem>>
        %dma_wait3A_1197 = tpu.memref_squeeze %dma_wait3A_1196 : memref<1x1x80xi32, #tpu.memory_space<vmem>> -> memref<80xi32, #tpu.memory_space<vmem>>
        %dma_wait3A_1198 = tpu.memref_slice %arg3[%dma_wait3A_1193, %mul3A_2] : memref<2x320000xi32, #tpu.memory_space<hbm>> -> memref<1x80xi32, #tpu.memory_space<hbm>>
        %dma_wait3A_1199 = tpu.memref_squeeze %dma_wait3A_1198 : memref<1x80xi32, #tpu.memory_space<hbm>> -> memref<80xi32, #tpu.memory_space<hbm>>
        %dma_wait3A_1200 = arith.constant 0 : i32
        %dma_wait3A_1201 = tpu.memref_slice %arg9[%sub3A_893, %dma_wait3A_1194, %dma_wait3A_1200] : memref<2x25x80xi32, #tpu.memory_space<vmem>> -> memref<1x1x80xi32, #tpu.memory_space<vmem>>
        %dma_wait3A_1202 = tpu.memref_squeeze %dma_wait3A_1201 : memref<1x1x80xi32, #tpu.memory_space<vmem>> -> memref<80xi32, #tpu.memory_space<vmem>>
        %dma_wait3A_1203 = tpu.memref_slice %arg3[%dma_wait3A_1193, %mul3A_2] : memref<2x320000xi32, #tpu.memory_space<hbm>> -> memref<1x80xi32, #tpu.memory_space<hbm>>
        %dma_wait3A_1204 = tpu.memref_squeeze %dma_wait3A_1203 : memref<1x80xi32, #tpu.memory_space<hbm>> -> memref<80xi32, #tpu.memory_space<hbm>>
        tpu.wait_dma2 semaphore(%arg15 : memref<!tpu.dma_semaphore, #tpu.memory_space<semaphore_mem>>) src(%dma_wait3A_1204 : memref<80xi32, #tpu.memory_space<hbm>>) dst(%dma_wait3A_1202 : memref<80xi32, #tpu.memory_space<vmem>>)
      } else {
      }
      %add3A_886 = arith.constant 2 : i32
      %add3A_887 = arith.addi %add3A_824, %add3A_886 : i32
      %lt3A_888 = arith.constant 125 : i32
      %lt3A_889 = arith.cmpi slt, %add3A_887, %lt3A_888 : i32
      %convert_element_type3A_890 = arith.extui %lt3A_889 : i1 to i32
      %cond3A_891 = arith.constant 0 : i32
      %cond3A_892 = arith.cmpi ne, %convert_element_type3A_890, %cond3A_891 : i32
      scf.if %cond3A_892 {
        %add3A_893 = arith.constant 2 : i32
        %add3A_894 = arith.addi %add3A_824, %add3A_893 : i32
        %rem3A_895 = arith.constant 3 : i32
        %rem3A_896 = arith.remsi %add3A_894, %rem3A_895 : i32
        %ge3A = arith.constant 1 : i32
        %ge3A_897 = arith.cmpi sge, %add3A_824, %ge3A : i32
        %convert_element_type3A_898 = arith.extui %ge3A_897 : i1 to i32
        %cond3A_899 = arith.constant 0 : i32
        %cond3A_900 = arith.cmpi ne, %convert_element_type3A_898, %cond3A_899 : i32
        scf.if %cond3A_900 {
          %dma_wait3A_920 = arith.constant 0 : i32
          %dma_wait3A_921 = arith.constant 0 : i32
          %dma_wait3A_922 = arith.constant 0 : i32
          %dma_wait3A_923 = arith.constant 0 : i32
          %dma_wait3A_924 = tpu.memref_slice %arg10[%rem3A_896, %dma_wait3A_922, %dma_wait3A_923] : memref<3x80x128xf32, #tpu.memory_space<vmem>> -> memref<1x80x128xf32, #tpu.memory_space<vmem>>
          %dma_wait3A_925 = tpu.memref_squeeze %dma_wait3A_924 : memref<1x80x128xf32, #tpu.memory_space<vmem>> -> memref<80x128xf32, #tpu.memory_space<vmem>>
          %dma_wait3A_926 = arith.constant 0 : i32
          %dma_wait3A_927 = tpu.memref_slice %arg9[%dma_wait3A_920, %dma_wait3A_921, %dma_wait3A_926] : memref<2x25x80xi32, #tpu.memory_space<vmem>> -> memref<1x1x80xi32, #tpu.memory_space<vmem>>
          %dma_wait3A_928 = tpu.memref_squeeze %dma_wait3A_927 : memref<1x1x80xi32, #tpu.memory_space<vmem>> -> memref<80xi32, #tpu.memory_space<vmem>>
          %dma_wait3A_929 = arith.constant 0 : i32
          %dma_wait3A_930 = arith.constant 0 : i32
          %dma_wait3A_931 = tpu.memref_slice %arg12[%dma_wait3A_929, %dma_wait3A_930] : memref<10112x128xf32, #tpu.memory_space<vmem_shared>> -> memref<10112x128xf32, #tpu.memory_space<vmem_shared>>
          tpu.wait_indirect_dma semaphore(%arg14 : memref<!tpu.dma_semaphore, #tpu.memory_space<semaphore_mem>>) src(%dma_wait3A_925 : memref<80x128xf32, #tpu.memory_space<vmem>>) dst(%dma_wait3A_931 : memref<10112x128xf32, #tpu.memory_space<vmem_shared>>)
        } else {
        }
        %add3A_901 = arith.constant 2 : i32
        %add3A_902 = arith.addi %add3A_824, %add3A_901 : i32
        %div3A_903 = arith.constant 25 : i32
        %div3A_904 = arith.divsi %add3A_902, %div3A_903 : i32
        %rem3A_905 = arith.constant 25 : i32
        %rem3A_906 = arith.remsi %add3A_902, %rem3A_905 : i32
        %rem3A_907 = arith.constant 2 : i32
        %rem3A_908 = arith.remsi %div3A_904, %rem3A_907 : i32
        %mul3A_909 = arith.constant 80 : i32
        %mul3A_910 = arith.muli %rem3A_906, %mul3A_909 : i32
        %dma_start3A_911 = arith.constant 0 : i32
        %dma_start3A_912 = arith.constant 0 : i32
        %dma_start3A_913 = tpu.memref_slice %arg10[%rem3A_896, %dma_start3A_911, %dma_start3A_912] : memref<3x80x128xf32, #tpu.memory_space<vmem>> -> memref<1x80x128xf32, #tpu.memory_space<vmem>>
        %dma_start3A_914 = tpu.memref_squeeze %dma_start3A_913 : memref<1x80x128xf32, #tpu.memory_space<vmem>> -> memref<80x128xf32, #tpu.memory_space<vmem>>
        %dma_start3A_915 = tpu.memref_slice %arg8[%rem3A_908, %mul3A_910] : memref<2x2000xi32, #tpu.memory_space<vmem>> -> memref<1x80xi32, #tpu.memory_space<vmem>>
        %dma_start3A_916 = tpu.memref_squeeze %dma_start3A_915 : memref<1x80xi32, #tpu.memory_space<vmem>> -> memref<80xi32, #tpu.memory_space<vmem>>
        %dma_start3A_917 = arith.constant 0 : i32
        %dma_start3A_918 = arith.constant 0 : i32
        %dma_start3A_919 = tpu.memref_slice %arg2[%dma_start3A_917, %dma_start3A_918] : memref<10000x128xf32, #tpu.memory_space<hbm>> -> memref<10000x128xf32, #tpu.memory_space<hbm>>
        tpu.enqueue_indirect_dma source(%dma_start3A_919 : memref<10000x128xf32, #tpu.memory_space<hbm>>) target(%dma_start3A_914 : memref<80x128xf32, #tpu.memory_space<vmem>>) offsets(%dma_start3A_916 : memref<80xi32, #tpu.memory_space<vmem>>) semaphore(%arg13 : memref<!tpu.dma_semaphore, #tpu.memory_space<semaphore_mem>>)
      } else {
      }
    }
    %scan3A_763 = arith.constant 125 : i32
    %dma_start3A_764 = arith.constant 0 : i32
    %dma_start3A_765 = tpu.memref_slice %arg7[%arg0, %arg1, %dma_start3A_764] : memref<2x16x10240xf32, #tpu.memory_space<hbm>> -> memref<1x1x10240xf32, #tpu.memory_space<hbm>>
    %dma_start3A_766 = tpu.memref_squeeze %dma_start3A_765 : memref<1x1x10240xf32, #tpu.memory_space<hbm>> -> memref<10240xf32, #tpu.memory_space<hbm>>
    %dma_start3A_767 = arith.constant 0 : i32
    %dma_start3A_768 = tpu.memref_slice %arg7[%arg0, %arg1, %dma_start3A_767] : memref<2x16x10240xf32, #tpu.memory_space<hbm>> -> memref<1x1x10240xf32, #tpu.memory_space<hbm>>
    %dma_start3A_769 = tpu.memref_squeeze %dma_start3A_768 : memref<1x1x10240xf32, #tpu.memory_space<hbm>> -> memref<10240xf32, #tpu.memory_space<hbm>>
    tpu.enqueue_dma source(%arg11 : memref<10240xf32, #tpu.memory_space<vmem>>) target(%dma_start3A_769 : memref<10240xf32, #tpu.memory_space<hbm>>) target_semaphore(%arg13 : memref<!tpu.dma_semaphore, #tpu.memory_space<semaphore_mem>>)
    %dma_wait3A_770 = arith.constant 0 : i32
    %dma_wait3A_771 = arith.constant 0 : i32
    %dma_wait3A_772 = arith.constant 0 : i32
    %dma_wait3A_773 = arith.constant 0 : i32
    %dma_wait3A_774 = arith.constant 0 : i32
    %dma_wait3A_775 = tpu.memref_slice %arg10[%dma_wait3A_770, %dma_wait3A_773, %dma_wait3A_774] : memref<3x80x128xf32, #tpu.memory_space<vmem>> -> memref<1x80x128xf32, #tpu.memory_space<vmem>>
    %dma_wait3A_776 = tpu.memref_squeeze %dma_wait3A_775 : memref<1x80x128xf32, #tpu.memory_space<vmem>> -> memref<80x128xf32, #tpu.memory_space<vmem>>
    %dma_wait3A_777 = arith.constant 0 : i32
    %dma_wait3A_778 = tpu.memref_slice %arg9[%dma_wait3A_771, %dma_wait3A_772, %dma_wait3A_777] : memref<2x25x80xi32, #tpu.memory_space<vmem>> -> memref<1x1x80xi32, #tpu.memory_space<vmem>>
    %dma_wait3A_779 = tpu.memref_squeeze %dma_wait3A_778 : memref<1x1x80xi32, #tpu.memory_space<vmem>> -> memref<80xi32, #tpu.memory_space<vmem>>
    %dma_wait3A_780 = arith.constant 0 : i32
    %dma_wait3A_781 = arith.constant 0 : i32
    %dma_wait3A_782 = tpu.memref_slice %arg12[%dma_wait3A_780, %dma_wait3A_781] : memref<10112x128xf32, #tpu.memory_space<vmem_shared>> -> memref<10112x128xf32, #tpu.memory_space<vmem_shared>>
    tpu.wait_indirect_dma semaphore(%arg14 : memref<!tpu.dma_semaphore, #tpu.memory_space<semaphore_mem>>) src(%dma_wait3A_776 : memref<80x128xf32, #tpu.memory_space<vmem>>) dst(%dma_wait3A_782 : memref<10112x128xf32, #tpu.memory_space<vmem_shared>>)
    %dma_wait3A_783 = arith.constant 1 : i32
    %dma_wait3A_784 = arith.constant 0 : i32
    %dma_wait3A_785 = arith.constant 0 : i32
    %dma_wait3A_786 = arith.constant 0 : i32
    %dma_wait3A_787 = arith.constant 0 : i32
    %dma_wait3A_788 = tpu.memref_slice %arg10[%dma_wait3A_783, %dma_wait3A_786, %dma_wait3A_787] : memref<3x80x128xf32, #tpu.memory_space<vmem>> -> memref<1x80x128xf32, #tpu.memory_space<vmem>>
    %dma_wait3A_789 = tpu.memref_squeeze %dma_wait3A_788 : memref<1x80x128xf32, #tpu.memory_space<vmem>> -> memref<80x128xf32, #tpu.memory_space<vmem>>
    %dma_wait3A_790 = arith.constant 0 : i32
    %dma_wait3A_791 = tpu.memref_slice %arg9[%dma_wait3A_784, %dma_wait3A_785, %dma_wait3A_790] : memref<2x25x80xi32, #tpu.memory_space<vmem>> -> memref<1x1x80xi32, #tpu.memory_space<vmem>>
    %dma_wait3A_792 = tpu.memref_squeeze %dma_wait3A_791 : memref<1x1x80xi32, #tpu.memory_space<vmem>> -> memref<80xi32, #tpu.memory_space<vmem>>
    %dma_wait3A_793 = arith.constant 0 : i32
    %dma_wait3A_794 = arith.constant 0 : i32
    %dma_wait3A_795 = tpu.memref_slice %arg12[%dma_wait3A_793, %dma_wait3A_794] : memref<10112x128xf32, #tpu.memory_space<vmem_shared>> -> memref<10112x128xf32, #tpu.memory_space<vmem_shared>>
    tpu.wait_indirect_dma semaphore(%arg14 : memref<!tpu.dma_semaphore, #tpu.memory_space<semaphore_mem>>) src(%dma_wait3A_789 : memref<80x128xf32, #tpu.memory_space<vmem>>) dst(%dma_wait3A_795 : memref<10112x128xf32, #tpu.memory_space<vmem_shared>>)
    %dma_wait3A_796 = arith.constant 2 : i32
    %dma_wait3A_797 = arith.constant 0 : i32
    %dma_wait3A_798 = arith.constant 0 : i32
    %dma_wait3A_799 = arith.constant 0 : i32
    %dma_wait3A_800 = arith.constant 0 : i32
    %dma_wait3A_801 = tpu.memref_slice %arg10[%dma_wait3A_796, %dma_wait3A_799, %dma_wait3A_800] : memref<3x80x128xf32, #tpu.memory_space<vmem>> -> memref<1x80x128xf32, #tpu.memory_space<vmem>>
    %dma_wait3A_802 = tpu.memref_squeeze %dma_wait3A_801 : memref<1x80x128xf32, #tpu.memory_space<vmem>> -> memref<80x128xf32, #tpu.memory_space<vmem>>
    %dma_wait3A_803 = arith.constant 0 : i32
    %dma_wait3A_804 = tpu.memref_slice %arg9[%dma_wait3A_797, %dma_wait3A_798, %dma_wait3A_803] : memref<2x25x80xi32, #tpu.memory_space<vmem>> -> memref<1x1x80xi32, #tpu.memory_space<vmem>>
    %dma_wait3A_805 = tpu.memref_squeeze %dma_wait3A_804 : memref<1x1x80xi32, #tpu.memory_space<vmem>> -> memref<80xi32, #tpu.memory_space<vmem>>
    %dma_wait3A_806 = arith.constant 0 : i32
    %dma_wait3A_807 = arith.constant 0 : i32
    %dma_wait3A_808 = tpu.memref_slice %arg12[%dma_wait3A_806, %dma_wait3A_807] : memref<10112x128xf32, #tpu.memory_space<vmem_shared>> -> memref<10112x128xf32, #tpu.memory_space<vmem_shared>>
    tpu.wait_indirect_dma semaphore(%arg14 : memref<!tpu.dma_semaphore, #tpu.memory_space<semaphore_mem>>) src(%dma_wait3A_802 : memref<80x128xf32, #tpu.memory_space<vmem>>) dst(%dma_wait3A_808 : memref<10112x128xf32, #tpu.memory_space<vmem_shared>>)
    %dma_wait3A_809 = arith.constant 0 : i32
    %dma_wait3A_810 = tpu.memref_slice %arg7[%arg0, %arg1, %dma_wait3A_809] : memref<2x16x10240xf32, #tpu.memory_space<hbm>> -> memref<1x1x10240xf32, #tpu.memory_space<hbm>>
    %dma_wait3A_811 = tpu.memref_squeeze %dma_wait3A_810 : memref<1x1x10240xf32, #tpu.memory_space<hbm>> -> memref<10240xf32, #tpu.memory_space<hbm>>
    %dma_wait3A_812 = arith.constant 0 : i32
    %dma_wait3A_813 = tpu.memref_slice %arg7[%arg0, %arg1, %dma_wait3A_812] : memref<2x16x10240xf32, #tpu.memory_space<hbm>> -> memref<1x1x10240xf32, #tpu.memory_space<hbm>>
    %dma_wait3A_814 = tpu.memref_squeeze %dma_wait3A_813 : memref<1x1x10240xf32, #tpu.memory_space<hbm>> -> memref<10240xf32, #tpu.memory_space<hbm>>
    tpu.wait_dma2 semaphore(%arg13 : memref<!tpu.dma_semaphore, #tpu.memory_space<semaphore_mem>>) src(%arg11 : memref<10240xf32, #tpu.memory_space<vmem>>) dst(%dma_wait3A_814 : memref<10240xf32, #tpu.memory_space<hbm>>)
    %barrier3A_815 = arith.constant 0 : index
    tpu.barrier barrier_id(%barrier3A_815)
    %mul3A_816 = arith.constant 632 : i32
    %mul3A_817 = arith.muli %arg1, %mul3A_816 : i32
    %mul3A_818 = arith.constant 632 : i32
    %mul3A_819 = arith.muli %arg1, %mul3A_818 : i32
    "tpu.region"() ({
      %run_scoped3A = tpu.sem_alloc : memref<!tpu.dma_semaphore, #tpu.memory_space<semaphore_mem>>
      %dma_start3A_820 = arith.constant 0 : i32
      %dma_start3A_821 = tpu.memref_slice %arg6[%arg0, %mul3A_819, %dma_start3A_820] : memref<2x10112x128xf32, #tpu.memory_space<hbm>> -> memref<1x632x128xf32, #tpu.memory_space<hbm>>
      %dma_start3A_822 = tpu.memref_squeeze %dma_start3A_821 : memref<1x632x128xf32, #tpu.memory_space<hbm>> -> memref<632x128xf32, #tpu.memory_space<hbm>>
      %dma_start3A_823 = arith.constant 0 : i32
      %dma_start3A_824 = tpu.memref_slice %arg12[%mul3A_817, %dma_start3A_823] : memref<10112x128xf32, #tpu.memory_space<vmem_shared>> -> memref<632x128xf32, #tpu.memory_space<vmem_shared>>
      tpu.enqueue_dma source(%dma_start3A_824 : memref<632x128xf32, #tpu.memory_space<vmem_shared>>) target(%dma_start3A_822 : memref<632x128xf32, #tpu.memory_space<hbm>>) target_semaphore(%run_scoped3A : memref<!tpu.dma_semaphore, #tpu.memory_space<semaphore_mem>>)
      %dma_wait3A_825 = arith.constant 0 : i32
      %dma_wait3A_826 = tpu.memref_slice %arg6[%arg0, %mul3A_819, %dma_wait3A_825] : memref<2x10112x128xf32, #tpu.memory_space<hbm>> -> memref<1x632x128xf32, #tpu.memory_space<hbm>>
      %dma_wait3A_827 = tpu.memref_squeeze %dma_wait3A_826 : memref<1x632x128xf32, #tpu.memory_space<hbm>> -> memref<632x128xf32, #tpu.memory_space<hbm>>
      %dma_wait3A_828 = arith.constant 0 : i32
      %dma_wait3A_829 = tpu.memref_slice %arg12[%mul3A_817, %dma_wait3A_828] : memref<10112x128xf32, #tpu.memory_space<vmem_shared>> -> memref<632x128xf32, #tpu.memory_space<vmem_shared>>
      tpu.wait_dma2 semaphore(%run_scoped3A : memref<!tpu.dma_semaphore, #tpu.memory_space<semaphore_mem>>) src(%dma_wait3A_829 : memref<632x128xf32, #tpu.memory_space<vmem_shared>>) dst(%dma_wait3A_827 : memref<632x128xf32, #tpu.memory_space<hbm>>)
      tpu.yield
    }) : () -> ()
    return
  }
}

module attributes {stable_mosaic.version = 14 : i64} {
  func.func @_tc_body(%arg0: memref<2x10112x128xf32, #tpu.memory_space<vmem>>, %arg1: memref<2x16x10240xf32, #tpu.memory_space<vmem>>, %arg2: memref<10000x128xf32, #tpu.memory_space<vmem>>, %arg3: memref<128x128xf32, #tpu.memory_space<vmem>>, %arg4: memref<1x128xf32, #tpu.memory_space<vmem>>, %arg5: memref<128x128xf32, #tpu.memory_space<vmem>>, %arg6: memref<1x128xf32, #tpu.memory_space<vmem>>, %arg7: memref<1x128xf32, #tpu.memory_space<vmem>>, %arg8: memref<10000x128xf32, #tpu.memory_space<vmem>>) attributes {dimension_semantics = [], scalar_prefetch = 0 : i64, scratch_operands = 0 : i64, tpu.core_type = #tpu.core_type<tc>} {
    %get3A = arith.constant 0 : index
    %get3A_0 = arith.constant 0 : index
    %get3A_1 = arith.constant 0 : index
    %get3A_2 = vector.load %arg0[%get3A, %get3A_0, %get3A_1] : memref<2x10112x128xf32, #tpu.memory_space<vmem>>, vector<1x10000x128xf32>
    %get3A_3 = vector.shape_cast %get3A_2 : vector<1x10000x128xf32> to vector<10000x128xf32>
    %get3A_4 = arith.constant 1 : index
    %get3A_5 = arith.constant 0 : index
    %get3A_6 = arith.constant 0 : index
    %get3A_7 = vector.load %arg0[%get3A_4, %get3A_5, %get3A_6] : memref<2x10112x128xf32, #tpu.memory_space<vmem>>, vector<1x10000x128xf32>
    %get3A_8 = vector.shape_cast %get3A_7 : vector<1x10000x128xf32> to vector<10000x128xf32>
    %add3A = arith.addf %get3A_3, %get3A_8 : vector<10000x128xf32>
    %get3A_9 = arith.constant 0 : index
    %get3A_10 = arith.constant 0 : index
    %get3A_11 = arith.constant 0 : index
    %get3A_12 = vector.load %arg1[%get3A_9, %get3A_10, %get3A_11] : memref<2x16x10240xf32, #tpu.memory_space<vmem>>, vector<2x16x10240xf32>
    %reduce_sum3A = arith.constant dense<0.000000e+00> : vector<10240xf32>
    %reduce_sum3A_13 = vector.multi_reduction <add>, %get3A_12, %reduce_sum3A [0, 1] : vector<2x16x10240xf32> to vector<10240xf32>
    %slice3A = vector.extract_strided_slice %reduce_sum3A_13 {offsets = [0], sizes = [10000], strides = [1]} : vector<10240xf32> to vector<10000xf32>
    %reshape3A = vector.shape_cast %slice3A : vector<10000xf32> to vector<10000x1xf32>
    %max3A = arith.constant 1.000000e+00 : f32
    %max3A_14 = vector.broadcast %max3A : f32 to vector<10000x1xf32>
    %max3A_15 = arith.maximumf %reshape3A, %max3A_14 : vector<10000x1xf32>
    %div3A = vector.broadcast %max3A_15 : vector<10000x1xf32> to vector<10000x128xf32>
    %div3A_16 = arith.divf %add3A, %div3A : vector<10000x128xf32>
    %get3A_17 = arith.constant 0 : index
    %get3A_18 = arith.constant 0 : index
    %get3A_19 = vector.load %arg2[%get3A_17, %get3A_18] : memref<10000x128xf32, #tpu.memory_space<vmem>>, vector<10000x128xf32>
    %get3A_20 = arith.constant 0 : index
    %get3A_21 = arith.constant 0 : index
    %get3A_22 = vector.load %arg3[%get3A_20, %get3A_21] : memref<128x128xf32, #tpu.memory_space<vmem>>, vector<128x128xf32>
    %dot_general3A = arith.constant dense<0.000000e+00> : vector<10000x128xf32>
    %dot_general3A_23 = tpu.matmul %div3A_16, %get3A_22, %dot_general3A {dimension_numbers = #tpu.dot_dimension_numbers<[1], [1], [0], [0], [0, 0, 1, 0], [], []>, transpose_lhs_hint = false} : vector<10000x128xf32>, vector<128x128xf32>, vector<10000x128xf32> -> vector<10000x128xf32>
    %get3A_24 = arith.constant 0 : index
    %get3A_25 = arith.constant 0 : index
    %get3A_26 = vector.load %arg4[%get3A_24, %get3A_25] : memref<1x128xf32, #tpu.memory_space<vmem>>, vector<1x128xf32>
    %add3A_27 = vector.broadcast %get3A_26 : vector<1x128xf32> to vector<10000x128xf32>
    %add3A_28 = arith.addf %dot_general3A_23, %add3A_27 : vector<10000x128xf32>
    %get3A_29 = arith.constant 0 : index
    %get3A_30 = arith.constant 0 : index
    %get3A_31 = vector.load %arg5[%get3A_29, %get3A_30] : memref<128x128xf32, #tpu.memory_space<vmem>>, vector<128x128xf32>
    %dot_general3A_32 = arith.constant dense<0.000000e+00> : vector<10000x128xf32>
    %dot_general3A_33 = tpu.matmul %get3A_19, %get3A_31, %dot_general3A_32 {dimension_numbers = #tpu.dot_dimension_numbers<[1], [1], [0], [0], [0, 0, 1, 0], [], []>, transpose_lhs_hint = false} : vector<10000x128xf32>, vector<128x128xf32>, vector<10000x128xf32> -> vector<10000x128xf32>
    %add3A_34 = arith.addf %add3A_28, %dot_general3A_33 : vector<10000x128xf32>
    %reduce_sum3A_35 = arith.constant dense<0.000000e+00> : vector<128xf32>
    %reduce_sum3A_36 = vector.multi_reduction <add>, %add3A_34, %reduce_sum3A_35 [0] : vector<10000x128xf32> to vector<128xf32>
    %broadcast_in_dim3A = vector.shape_cast %reduce_sum3A_36 : vector<128xf32> to vector<1x128xf32>
    %div3A_37 = arith.constant 1.000000e+04 : f32
    %div3A_38 = vector.broadcast %div3A_37 : f32 to vector<1x128xf32>
    %div3A_39 = arith.divf %broadcast_in_dim3A, %div3A_38 : vector<1x128xf32>
    %sub3A = vector.broadcast %div3A_39 : vector<1x128xf32> to vector<10000x128xf32>
    %sub3A_40 = arith.subf %add3A_34, %sub3A : vector<10000x128xf32>
    %sub3A_41 = vector.broadcast %div3A_39 : vector<1x128xf32> to vector<10000x128xf32>
    %sub3A_42 = arith.subf %add3A_34, %sub3A_41 : vector<10000x128xf32>
    %mul3A = arith.mulf %sub3A_40, %sub3A_42 : vector<10000x128xf32>
    %reduce_sum3A_43 = arith.constant dense<0.000000e+00> : vector<128xf32>
    %reduce_sum3A_44 = vector.multi_reduction <add>, %mul3A, %reduce_sum3A_43 [0] : vector<10000x128xf32> to vector<128xf32>
    %broadcast_in_dim3A_45 = vector.shape_cast %reduce_sum3A_44 : vector<128xf32> to vector<1x128xf32>
    %div3A_46 = arith.constant 1.000000e+04 : f32
    %div3A_47 = vector.broadcast %div3A_46 : f32 to vector<1x128xf32>
    %div3A_48 = arith.divf %broadcast_in_dim3A_45, %div3A_47 : vector<1x128xf32>
    %sub3A_49 = vector.broadcast %div3A_39 : vector<1x128xf32> to vector<10000x128xf32>
    %sub3A_50 = arith.subf %add3A_34, %sub3A_49 : vector<10000x128xf32>
    %add3A_51 = arith.constant 9.99999974E-6 : f32
    %add3A_52 = vector.broadcast %add3A_51 : f32 to vector<1x128xf32>
    %add3A_53 = arith.addf %div3A_48, %add3A_52 : vector<1x128xf32>
    %rsqrt3A = math.rsqrt %add3A_53 : vector<1x128xf32>
    %mul3A_54 = vector.broadcast %rsqrt3A : vector<1x128xf32> to vector<10000x128xf32>
    %mul3A_55 = arith.mulf %sub3A_50, %mul3A_54 : vector<10000x128xf32>
    %get3A_56 = arith.constant 0 : index
    %get3A_57 = arith.constant 0 : index
    %get3A_58 = vector.load %arg6[%get3A_56, %get3A_57] : memref<1x128xf32, #tpu.memory_space<vmem>>, vector<1x128xf32>
    %mul3A_59 = vector.broadcast %get3A_58 : vector<1x128xf32> to vector<10000x128xf32>
    %mul3A_60 = arith.mulf %mul3A_55, %mul3A_59 : vector<10000x128xf32>
    %get3A_61 = arith.constant 0 : index
    %get3A_62 = arith.constant 0 : index
    %get3A_63 = vector.load %arg7[%get3A_61, %get3A_62] : memref<1x128xf32, #tpu.memory_space<vmem>>, vector<1x128xf32>
    %add3A_64 = vector.broadcast %get3A_63 : vector<1x128xf32> to vector<10000x128xf32>
    %add3A_65 = arith.addf %mul3A_60, %add3A_64 : vector<10000x128xf32>
    %max3A_66 = arith.constant 0.000000e+00 : f32
    %max3A_67 = vector.broadcast %max3A_66 : f32 to vector<10000x128xf32>
    %max3A_68 = arith.maximumf %add3A_65, %max3A_67 : vector<10000x128xf32>
    %add3A_69 = arith.addf %max3A_68, %get3A_19 : vector<10000x128xf32>
    %swap3A = arith.constant 0 : index
    %swap3A_70 = arith.constant 0 : index
    %swap3A_71 = vector.load %arg8[%swap3A, %swap3A_70] : memref<10000x128xf32, #tpu.memory_space<vmem>>, vector<10000x128xf32>
    tpu.vector_store %arg8[%swap3A, %swap3A_70], %add3A_69 {strides = array<i32>} : memref<10000x128xf32, #tpu.memory_space<vmem>>, vector<10000x128xf32>,
    return
  }
}

</mosaic_0001>

<sc_bundles>
// kernel: kernel.4.cloned.1.call-start
scs
__scs_entry_jumppad:
0x0: {  	(pc) =	sbr.rel $0x88, $3  }
0x1: {  	(tag) =	ssettag $0x0;
	lr =	simm.s32 $0x1  }
0x2: {  	[smem:$0x3F9A] =	sst lr;
	_ =	strace $0xD0000000  }
0x3: {  	_ = 	snop  }
0x4: {  	_ = 	snop  }
0x5: {  	_ = 	snop  }
0x6: {  	_ = 	snop  }
0x7: {  	_ = 	snop  }
__scs_overlays_trampoline_lowered:
0x8: {  	[smem:$0x3FA9] =	sst s0  }
0x9: {  	[smem:$0x3FAA] =	sst s1  }
0xa: {  	[smem:$0x3FAB] =	sst s2  }
0xb: {  	[smem:$0x3FAC] =	sst s3  }
0xc: {  	[smem:$0x3FAD] =	sst s4  }
0xd: {  	[smem:$0x3FAE] =	sst s5  }
0xe: {  	[smem:$0x3FAF] =	sst s6  }
0xf: {  	[smem:$0x3FB0] =	sst s7  }
0x10: {  	[smem:$0x3FB1] =	sst s8  }
0x11: {  	[smem:$0x3FB2] =	sst s9;
	s0 =	simm.s32 @!p0 $0x0  }
0x12: {  	s1 =	sld [smem:$0x3F98];
	s0 =	simm.s32 @p0 $0x1  }
0x13: {  	[smem:$0x3FB3] =	sst s0;
	s0 =	simm.s32 @!p1 $0x0  }
0x14: {  	s2 =	sld [smem:$0x3F97];
	s0 =	simm.s32 @p1 $0x1  }
0x15: {  	[smem:$0x3FB4] =	sst s0;
	s0 =	simm.s32 @!p2 $0x0  }
0x16: {  	s3 =	sld [smem:$0x3FDB];
	s0 =	simm.s32 @p2 $0x1  }
0x17: {  	s4 =	simm.s32 $0x1BF5;
	[smem:$0x3FB6] =	sst s0  }
0x18: {  	s0 =	sld [smem:$0x3F99];
	_ =	swait.ge [sflag:s4], $0x0  }
0x19: {  	s7 =	sld [smem:$0x3F9A]  }
0x1a: {  	s8 =	sadd.s32 $0xFFFFE003, lr  }
0x1b: {  	s9 =	sadd.s32 $0xFFFFFEF7, lr;
	s5 =	simm.s32 $0xFFFFFFFF;
	p2 =	slt.u32 s8, $0xFFFFF086  }
0x1c: {  	p1 =	slt.u32 s9, $0xF7A;
	s5 =	simm.s32 @!p2 $0x0  }
0x1d: {  	s5 =	simm.s32 @p1 $0x1;
	p0 =	seq.s32 s7, s2  }
0x1e: {  	s7 =	smul.u32 @!p0 $0xF7A, s2;
	p2 =	seq.s32 @!p0 s5, $0x0  }
0x1f: {  	s9 =	smul.u32 $0xF7A, s1;
	s8 =	simm.s32 @!p0 $0x1BF5;
	p2 =	por !p2, p0  }
0x20: {  	[sflag:s8] =	ssyncset.s32 @!p0 $0xFFFFF086;
	s6 =	sadd.s32 @!p0 s3, s7;
	s7 =	simm.s32 @!p0 $0x108  }
0x21: {  	s3 =	sadd.s32 s3, s9;
	s6 =	sadd.s32 @!p0 $0x88, s6;
	s7 =	simm.s32 @p2 $0x1082  }
0x22: {  	[simem:s7], [sflag:s8] =	dma.local @!p0 [hbm:s6], $0xF7A  }
0x23: {  	s9 =	sor.u32 $0xD0000000, s2;
	s6 =	simm.s32 $0x108;
	_ =	swait.ge @!p0 [sflag:s8], $0x0  }
0x24: {  	s3 =	sadd.s32 $0x88, s3;
	s6 =	simm.s32 @!p1 $0x1082;
	[sflag:s4] =	ssyncset.s32 $0xFFFFF086  }
0x25: {  	[simem:s6], [sflag:s4] =	dma.local [hbm:s3], $0xF7A  }
0x26: {  	[smem:$0x3F9A] =	sst s1;
	(tag) =	ssettag s2;
	_ =	strace s9  }
0x27: {  	s1 =	sld [smem:$0x3FAA]  }
0x28: {  	s2 =	sld [smem:$0x3FAB]  }
0x29: {  	s4 =	sld [smem:$0x3FAD]  }
0x2a: {  	p0 =	seq.s32 s5, $0x0;
	s5 =	sld [smem:$0x3FAE]  }
0x2b: {  	s6 =	sld [smem:$0x3FAF]  }
0x2c: {  	s7 =	sld [smem:$0x3FB0]  }
0x2d: {  	s3 =	simm.s32 $0x108;
	s8 =	sld [smem:$0x3FB1]  }
0x2e: {  	s3 =	simm.s32 @!p0 $0x1082;
	s9 =	sld [smem:$0x3FB2]  }
0x2f: {  	lr =	sadd.s32 s0, s3;
	s0 =	sld [smem:$0x3FA9]  }
0x30: {  	s3 =	sld [smem:$0x3FAC]  }
0x31: {  	[smem:$0x3FB5] =	sst s10  }
0x32: {  	s10 =	sld [smem:$0x3FB3];
	_ =	sdelay $0x3  }
0x33: {  	p0 =	seq.s32 s10, $0x1;
	s10 =	sld [smem:$0x3FB5];
	_ =	sdelay $0x3  }
0x34: {  	[smem:$0x3FB5] =	sst s10  }
0x35: {  	s10 =	sld [smem:$0x3FB4];
	_ =	sdelay $0x3  }
0x36: {  	p1 =	seq.s32 s10, $0x1;
	s10 =	sld [smem:$0x3FB5];
	_ =	sdelay $0x3  }
0x37: {  	[smem:$0x3FB5] =	sst s10  }
0x38: {  	s10 =	sld [smem:$0x3FB6]  }
0x39: {  	_ = 	snop;
	(pc) =	sbr.ind lr, $3  }
0x3a: {  	_ = 	snop  }
0x3b: {  	_ = 	snop  }
0x3c: {  	p2 =	seq.s32 s10, $0x1;
	s10 =	sld [smem:$0x3FB5]  }
0x3d: {  	_ =	shalt  }
0x3e: {  	_ =	shalt  }
0x3f: {  	_ =	shalt  }
0x40: {  	_ =	shalt  }
0x41: {  	_ =	shalt  }
0x42: {  	_ =	shalt  }
0x43: {  	_ =	shalt  }
0x44: {  	_ =	shalt  }
0x45: {  	_ =	shalt  }
0x46: {  	_ =	shalt  }
0x47: {  	_ =	shalt  }
0x48: {  	_ =	shalt  }
0x49: {  	_ =	shalt  }
0x4a: {  	_ =	shalt  }
0x4b: {  	_ =	shalt  }
0x4c: {  	_ =	shalt  }
0x4d: {  	_ =	shalt  }
0x4e: {  	_ =	shalt  }
0x4f: {  	_ =	shalt  }
0x50: {  	_ =	shalt  }
0x51: {  	_ =	shalt  }
0x52: {  	_ =	shalt  }
0x53: {  	_ =	shalt  }
0x54: {  	_ =	shalt  }
0x55: {  	_ =	shalt  }
0x56: {  	_ =	shalt  }
0x57: {  	_ =	shalt  }
0x58: {  	_ =	shalt  }
0x59: {  	_ =	shalt  }
0x5a: {  	_ =	shalt  }
0x5b: {  	_ =	shalt  }
0x5c: {  	_ =	shalt  }
0x5d: {  	_ =	shalt  }
0x5e: {  	_ =	shalt  }
0x5f: {  	_ =	shalt  }
0x60: {  	_ =	shalt  }
0x61: {  	_ =	shalt  }
0x62: {  	_ =	shalt  }
0x63: {  	_ =	shalt  }
0x64: {  	_ =	shalt  }
0x65: {  	_ =	shalt  }
0x66: {  	_ =	shalt  }
0x67: {  	_ =	shalt  }
0x68: {  	_ =	shalt  }
0x69: {  	_ =	shalt  }
0x6a: {  	_ =	shalt  }
0x6b: {  	_ =	shalt  }
0x6c: {  	_ =	shalt  }
0x6d: {  	_ =	shalt  }
0x6e: {  	_ =	shalt  }
0x6f: {  	_ =	shalt  }
0x70: {  	_ =	shalt  }
0x71: {  	_ =	shalt  }
0x72: {  	_ =	shalt  }
0x73: {  	_ =	shalt  }
0x74: {  	_ =	shalt  }
0x75: {  	_ =	shalt  }
0x76: {  	_ =	shalt  }
0x77: {  	_ =	shalt  }
0x78: {  	_ =	shalt  }
0x79: {  	_ =	shalt  }
0x7a: {  	_ =	shalt  }
0x7b: {  	_ =	shalt  }
0x7c: {  	_ =	shalt  }
0x7d: {  	_ =	shalt  }
0x7e: {  	_ =	shalt  }
0x7f: {  	_ =	shalt  }
0x80: {  	_ =	shalt  }
0x81: {  	_ =	shalt  }
0x82: {  	_ =	shalt  }
0x83: {  	_ =	shalt  }
0x84: {  	_ =	shalt  }
0x85: {  	_ =	shalt  }
0x86: {  	_ =	shalt  }
0x87: {  	_ =	shalt  }
.Lfunc_end0:
.L_simem_size_0:
called_computation_lowered:
.L_overlay_start_0:
0x88: {  	s2 =	sld [smem:$0x3FD9]  }
0x89: {  	s3 =	sld [smem:$0x3FFE];
	_ =	sdelay $0x1  }
0x8a: {  	s1 =	srdreg.scid  }
0x8b: {  	s0 =	sand.u32 $0x1, s1  }
0x8c: {  	s17 =	sshll.u32 s0, $0xA;
	s2 =	sadd.s32 s3, s2  }
0x8d: {  	s2 =	sadd.s32 s2, s17  }
0x8e: {  	[smem:$0x3FC1] =	sst s2  }
0x8f: {  	_ = 	snop  }
0x90: {  	s2 =	sld [smem:$0x3FC9]  }
0x91: {  	s18 =	sld [smem:$0x3FD0];
	(tm) =	ssettm $0x1  }
0x92: {  	s4 =	sld [smem:$0x3FFB];
	_ =	sdelay $0x3  }
0x93: {  	_ =	strace s4  }
0x94: {  	s4 =	sld [smem:$0x3FFC];
	_ =	sdelay $0x3  }
0x95: {  	_ =	strace s4  }
0x96: {  	s4 =	sld [smem:$0x3FFD];
	_ =	sdelay $0x3  }
0x97: {  	_ =	strace s4  }
0x98: {  	_ =	strace $0x8FFFFFFF  }
0x99: {  	s19 =	sld [smem:$0x3FDB];
	_ =	sdelay $0x1  }
0x9a: {  	s5 =	simm.s32 $_scs_section_size  }
0x9b: {  	s6 =	simm.s32 $_size__tile_overlayer_lowered;
	s7 =	simm.s32 $_tile_overlayer_lowered  }
0x9c: {  	s22 =	simm.s32 $0x1BFF;
	s21 =	sshll.u32 s7, $0x1;
	s4 =	sadd.s32 s5, s19  }
0x9d: {  	s8 =	simm.s32 $0x0;
	s20 =	sshll.u32 s6, $0x1;
	s6 =	sadd.s32 s21, s4  }
0x9e: {  	[timem:s8], [sflag:s22] =	dma.local [hbm:s6], s20  }
0x9f: {  	_ =	swait.ge [sflag:s22], s20  }
0xa0: {  	s5 =	ssub.s32 $0x0, s20;
	[sflag:s22] =	ssyncset.done $0x0  }
0xa1: {  	[sflag:s22] =	ssyncadd.s32 s5;
	_ =	sdelay $0x1  }
0xa2: {  	s23 =	simm.s32 $0x1B8B  }
0xa3: {  	_ =	swait.ge [sflag:s23], $0x1  }
0xa4: {  	[sflag:s23] =	ssyncset.done $0x0  }
0xa5: {  	s25 =	simm.s32 $0x1B8E;
	s24 =	sld [smem:$0x3FFE];
	[sflag:s23] =	ssyncadd.s32 $0xFFFFFFFF  }
0xa6: {  	s26 =	simm.s32 $execute0_lowered;
	[smem:$0x3FD2] =	sst s25  }
0xa7: {  	s6 =	sshll.u32 s26, $0x1;
	_ =	strace $0x80000046;
	[dreg:$0x1] =	wrdreg $0xFFFFFFFF  }
0xa8: {  	s28 =	simm.s32 $_size_execute0_lowered;
	s4 =	sadd.s32 s4, s6;
	[dreg:$0x0] =	wrdreg $0x0  }
0xa9: {  	s6 =	sshll.u32 s28, $0x1;
	[dreg:$0x2] =	wrdreg s4  }
0xaa: {  	[dreg:$0x3] =	wrdreg s6  }
0xab: {  	[dreg:$0x4] =	wrdreg $0xC0  }
0xac: {  	_ =	task [dreg:s8], $0x5FFFF  }
0xad: {  	[dreg:$0x1] =	wrdreg $0xFFFFFFFF  }
0xae: {  	[dreg:$0x0] =	wrdreg $0x60  }
0xaf: {  	[dreg:$0x2] =	wrdreg s2  }
0xb0: {  	[dreg:$0x3] =	wrdreg s18  }
0xb1: {  	[dreg:$0x4] =	wrdreg s24  }
0xb2: {  	[dreg:$0x5] =	wrdreg $0xBF400  }
0xb3: {  	[dreg:$0x6] =	wrdreg $0x9  }
0xb4: {  	_ =	task.clear_ibuf [dreg:s8], $0x7FFFF;
	_ =	strace $0x90000046  }
0xb5: {  	s29 =	simm.s32 $0x9;
	_ =	strace $0x80000048  }
0xb6: {  	_ =	swait.ge [sflag:s29], $0x1  }
0xb7: {  	[sflag:s29] =	ssyncadd.s32 $0xFFFFFFFF  }
0xb8: {  	_ =	strace $0x90000048  }
0xb9: {  	_ =	sfence  }
0xba: {  	s30 =	sld [smem:$0x0];
	_ =	sdelay $0x2  }
0xbb: {  	s31 =	sshll.u32 s1, $0xD;
	s1 =	sshrl.u32 s1, $0x2  }
0xbc: {  	s3 =	sand.u32 $0x4000, s31;
	s1 =	sadd.s32 s1, s30  }
0xbd: {  	s0 =	sor.u32 s3, s0;
	s1 =	sshll.u32 s1, $0x11  }
0xbe: {  	s0 =	sor.u32 s1, s0  }
0xbf: {  	s0 =	sadd.s32 $0x8F2B, s0  }
0xc0: {  	[sflag:s0] =	ssyncadd.remote.s32 $0x1  }
0xc1: {  	_ =	sfence.sel $0xFFFF  }
0xc2: {  	[dreg:$0x0] =	wrdreg $0xFFFFFFFF;
	(pc) =	sbr.abs _section_cstart, $3  }
0xc3: {  	[dreg:$0x1] =	wrdreg $0xFFFFFFFF  }
0xc4: {  	_ =	task.clear_ibuf [dreg:s8], $0x2FFFF;
	_ =	strace $0x9FFFFFFF  }
0xc5: {  	(tm) =	ssettm $0x7FFFFFFF  }
tec
execute0_lowered:
.L_overlay_start_1:
0x0: {  	(tag) =	ssettag $0x1  }
0x1: {  	s1 =	rddreg [dreg:$0x0]  }
0x2: {  	s2 =	rddreg [dreg:$0x1]  }
0x3: {  	s0 =	rddreg [dreg:$0x2];
	s3 =	srdreg.scid  }
0x4: {  	s11 =	stileid.u32;
	s4 =	rddreg [dreg:$0x3];
	s5 =	simm.s32 $0x0  }
0x5: {  	s3 =	sand.u32 $0x1, s3;
	s6 =	smul.u32 $0x13C00, s11;
	[smem:$0x7FF] =	sst s5  }
0x6: {  	s9 =	sadd.s32 $0x2200, s0;
	s29 =	smul.u32 $0x2800, s11;
	s10 =	sadd.s32 $0x1C00, s0  }
0x7: {  	s30 =	sshll.u32 s11, $0x1;
	s11 =	sshll.u32 s11, $0x6;
	s7 =	smul.u32 $0x13C000, s3  }
0x8: {  	s8 =	smul.u32 $0x28000, s3;
	_ =	strace $0x80000047;
	[dreg:$0x5] =	wrdreg s9  }
0x9: {  	[dreg:$0x6] =	wrdreg s10;
	s31 =	sor.u32 s3, s30;
	s3 =	ssub.s32 $0x2, s3  }
0xa: {  	[dreg:$0x7] =	wrdreg s11;
	s13 =	sor.u32 $0x1C02, s11;
	s9 =	smul.u32 $0x2710, s31  }
0xb: {  	s10 =	sshrl.u32 s3, $0x1;
	[dreg:$0x9] =	wrdreg s13;
	s7 =	sadd.s32 s6, s7  }
0xc: {  	s3 =	ssub.s32 s3, s10;
	s6 =	sadd.s32 s6, s4;
	s12 =	sshrl.u32 s9, $0x3  }
0xd: {  	[dreg:$0x8] =	wrdreg s6;
	s25 =	smax.u32 s3, $0x1;
	s11 =	sadd.s32 s2, s12  }
0xe: {  	[dreg:$0x16] =	wrdreg s25;
	s14 =	sadd.s32 $0x9C40, s11  }
0xf: {  	s15 =	sadd.s32 $0x9C4A, s11;
	[dreg:$0xa] =	wrdreg s14  }
0x10: {  	s16 =	sadd.s32 $0x9C54, s11;
	[dreg:$0xb] =	wrdreg s15  }
0x11: {  	s17 =	sadd.s32 $0x9C5E, s11;
	[dreg:$0xc] =	wrdreg s16  }
0x12: {  	s8 =	sadd.s32 s29, s8;
	s18 =	sadd.s32 $0x9C68, s11;
	[dreg:$0xd] =	wrdreg s17  }
0x13: {  	s7 =	sshrl.u32 s7, $0x3;
	s19 =	sadd.s32 $0x9C72, s11;
	[dreg:$0xe] =	wrdreg s18  }
0x14: {  	s8 =	sshrl.u32 s8, $0x3;
	s20 =	sadd.s32 $0x9C7C, s11;
	[dreg:$0xf] =	wrdreg s19  }
0x15: {  	s7 =	sadd.s32 s7, s0;
	s21 =	sadd.s32 $0x9C86, s11;
	[dreg:$0x10] =	wrdreg s20  }
0x16: {  	s0 =	sadd.s32 s8, s0;
	s22 =	sadd.s32 $0x9C90, s11;
	[dreg:$0x11] =	wrdreg s21  }
0x17: {  	s8 =	simm.s32 $0x0;
	s23 =	sadd.s32 $0x9C9A, s11;
	[dreg:$0x12] =	wrdreg s22  }
0x18: {  	s0 =	sadd.s32 $0x4A00, s0;
	s24 =	sadd.s32 $0xEA00, s7;
	[dreg:$0x13] =	wrdreg s23  }
0x19: {  	s26 =	sadd.s32 $0x9CA4, s11;
	s28 =	sadd.s32 $0x9CAE, s11;
	[dreg:$0x14] =	wrdreg s0  }
0x1a: {  	s29 =	sadd.s32 $0x9CB8, s11;
	s30 =	sadd.s32 $0x9CC2, s11;
	[dreg:$0x15] =	wrdreg s24  }
0x1b: {  	s31 =	sadd.s32 $0x9CCC, s11;
	s3 =	sadd.s32 $0x9CD6, s11;
	[dreg:$0x17] =	wrdreg s26  }
0x1c: {  	s6 =	sadd.s32 $0x9CEA, s11;
	s7 =	sadd.s32 $0x9CF4, s11;
	[dreg:$0x18] =	wrdreg s28  }
0x1d: {  	s10 =	sadd.s32 $0x9D08, s11;
	s12 =	sadd.s32 $0x9D12, s11;
	[dreg:$0x19] =	wrdreg s29  }
.Ltmp0:
0x1e: {  	s13 =	sadd.s32 $0x9D1C, s11;
	[dreg:$0x1a] =	wrdreg s30;
	(pc) =	sbr.rel .LBB2_1-.Ltmp0, $4  }
0x1f: {  	s22 =	sadd.s32 $0x7D0, s9;
	[dreg:$0x1b] =	wrdreg s31;
	s0 =	sadd.s32 $0x9CE0, s11  }
0x20: {  	s9 =	sadd.s32 $0x9CFE, s11;
	s14 =	sadd.s32 $0x9D26, s11;
	s15 =	sadd.s32 $0x9D30, s11  }
0x21: {  	s16 =	simm.s32 $0x9740;
	s17 =	simm.s32 $0x4;
	s18 =	simm.s32 $0x2  }
0x22: {  	v0 =	vimm.f32 $1.000000000e+00;
	s19 =	simm.s32 $0x3;
	s20 =	simm.s32 $0x50;
	s21 =	simm.s32 $0x1  }
.LBB2_12:
0x23: {  	s24 =	rddreg [dreg:$0x14]  }
0x24: {  	[hbm4b:s24+s5] =	stream.linear.scatter [tilespmem:s16], [sflag:$0x1], $0x2800, $0x38;
	[tilespmem:$0x1FB40] =	vst v63  }
0x25: {  	_ =	swait.ge [sflag:s18], $0x2800  }
0x26: {  	[sflag:s18] =	ssyncset.done $0x0  }
0x27: {  	[sflag:s18] =	ssyncadd.s32 $0xFFFFD800  }
0x28: {  	_ =	swait.ge [sflag:s18], $0x2800  }
0x29: {  	[sflag:s18] =	ssyncset.done $0x0  }
0x2a: {  	[sflag:s18] =	ssyncadd.s32 $0xFFFFD800  }
0x2b: {  	_ =	swait.ge [sflag:s18], $0x2800  }
0x2c: {  	[sflag:s18] =	ssyncset.done $0x0  }
0x2d: {  	[sflag:s18] =	ssyncadd.s32 $0xFFFFD800  }
0x2e: {  	_ =	swait.ge [sflag:s21], $0x2800  }
0x2f: {  	[sflag:s21] =	ssyncset.done $0x0  }
0x30: {  	[sflag:s21] =	ssyncadd.s32 $0xFFFFD800  }
0x31: {  	[bflag:$0x0] =	sbarrier.arrive $0xFFFF  }
0x32: {  	s30 =	rddreg [dreg:$0x7]  }
0x33: {  	s25 =	rddreg [dreg:$0x15];
	s24 =	sor.u32 $0x1C04, s30  }
0x34: {  	[hbm:s25], [sflag:s24] =	dma.local [spmem:s23], $0x2780  }
0x35: {  	_ =	swait.ge [sflag:s17], $0x2780  }
0x36: {  	s8 =	sadd.s32 $0x1, s8;
	s31 =	rddreg [dreg:$0x16]  }
0x37: {  	p0 =	sne.s32 s8, s31  }
.Ltmp1:
0x38: {  	_ = 	snop;
	(pc) =	sbr.rel @!p0 .LBB2_13-.Ltmp1, $3  }
0x39: {  	_ =	sdelay $0x1  }
0x3a: {  	[sflag:s17] =	ssyncset.done $0x0  }
0x3b: {  	[sflag:s17] =	ssyncadd.s32 $0xFFFFD880  }
.LBB2_1:
0x3c: {  	s23 =	rddreg [dreg:$0x8]  }
0x3d: {  	s24 =	rddreg [dreg:$0x5]  }
0x3e: {  	s25 =	rddreg [dreg:$0x9];
	s23 =	sshrl.u32 s23, $0x3  }
0x3f: {  	[spmem:s23], [sflag:s25] =	dma.local [hbm:s24], $0x2780  }
0x40: {  	[tilespmem:s5], [sflag:$0x3] =	stream.linear.gather [hbm4b:s11+s5], $0x7D0, $0x38;
	[tilespmem:$0x1FB40] =	vst v63  }
0x41: {  	s31 =	simm.s32 $0xFA0;
	s24 =	rddreg [dreg:$0xa]  }
0x42: {  	[tilespmem:s31], [sflag:$0x3] =	stream.linear.gather [hbm4b:s24+s5], $0x50, $0x38;
	[tilespmem:$0x1FB40] =	vst v63  }
0x43: {  	s26 =	simm.s32 $0xFF0;
	s25 =	rddreg [dreg:$0xb]  }
0x44: {  	[tilespmem:s26], [sflag:$0x3] =	stream.linear.gather [hbm4b:s25+s5], $0x50, $0x38;
	[tilespmem:$0x1FB40] =	vst v63  }
0x45: {  	s29 =	simm.s32 $0x1040;
	s28 =	rddreg [dreg:$0xc]  }
0x46: {  	[tilespmem:s29], [sflag:$0x3] =	stream.linear.gather [hbm4b:s28+s5], $0x50, $0x38;
	[tilespmem:$0x1FB40] =	vst v63  }
0x47: {  	s30 =	rddreg [dreg:$0xd];
	s31 =	simm.s32 $0x1090  }
0x48: {  	[tilespmem:s31], [sflag:$0x3] =	stream.linear.gather [hbm4b:s30+s5], $0x50, $0x38;
	[tilespmem:$0x1FB40] =	vst v63  }
0x49: {  	s25 =	rddreg [dreg:$0xe];
	s26 =	simm.s32 $0x10E0  }
0x4a: {  	[tilespmem:s26], [sflag:$0x3] =	stream.linear.gather [hbm4b:s25+s5], $0x50, $0x38;
	[tilespmem:$0x1FB40] =	vst v63  }
0x4b: {  	s28 =	rddreg [dreg:$0xf];
	s29 =	simm.s32 $0x1130  }
0x4c: {  	[tilespmem:s29], [sflag:$0x3] =	stream.linear.gather [hbm4b:s28+s5], $0x50, $0x38;
	[tilespmem:$0x1FB40] =	vst v63  }
0x4d: {  	s30 =	rddreg [dreg:$0x10];
	s31 =	simm.s32 $0x1180  }
0x4e: {  	[tilespmem:s31], [sflag:$0x3] =	stream.linear.gather [hbm4b:s30+s5], $0x50, $0x38;
	[tilespmem:$0x1FB40] =	vst v63  }
0x4f: {  	s25 =	rddreg [dreg:$0x11];
	s26 =	simm.s32 $0x11D0  }
0x50: {  	[tilespmem:s26], [sflag:$0x3] =	stream.linear.gather [hbm4b:s25+s5], $0x50, $0x38;
	[tilespmem:$0x1FB40] =	vst v63  }
0x51: {  	s28 =	rddreg [dreg:$0x12];
	s29 =	simm.s32 $0x1220  }
0x52: {  	[tilespmem:s29], [sflag:$0x3] =	stream.linear.gather [hbm4b:s28+s5], $0x50, $0x38;
	[tilespmem:$0x1FB40] =	vst v63  }
0x53: {  	s30 =	rddreg [dreg:$0x13];
	s31 =	simm.s32 $0x1270  }
0x54: {  	[tilespmem:s31], [sflag:$0x3] =	stream.linear.gather [hbm4b:s30+s5], $0x50, $0x38;
	[tilespmem:$0x1FB40] =	vst v63  }
0x55: {  	s25 =	rddreg [dreg:$0x17];
	s26 =	simm.s32 $0x12C0  }
0x56: {  	[tilespmem:s26], [sflag:$0x3] =	stream.linear.gather [hbm4b:s25+s5], $0x50, $0x38;
	[tilespmem:$0x1FB40] =	vst v63  }
0x57: {  	s28 =	rddreg [dreg:$0x18];
	s29 =	simm.s32 $0x1310  }
0x58: {  	[tilespmem:s29], [sflag:$0x3] =	stream.linear.gather [hbm4b:s28+s5], $0x50, $0x38;
	[tilespmem:$0x1FB40] =	vst v63  }
0x59: {  	s30 =	rddreg [dreg:$0x19];
	s31 =	simm.s32 $0x1360  }
0x5a: {  	[tilespmem:s31], [sflag:$0x3] =	stream.linear.gather [hbm4b:s30+s5], $0x50, $0x38;
	[tilespmem:$0x1FB40] =	vst v63  }
0x5b: {  	s26 =	rddreg [dreg:$0x1a];
	s28 =	simm.s32 $0x13B0  }
0x5c: {  	[tilespmem:s28], [sflag:$0x3] =	stream.linear.gather [hbm4b:s26+s5], $0x50, $0x38;
	[tilespmem:$0x1FB40] =	vst v63  }
0x5d: {  	s29 =	rddreg [dreg:$0x1b];
	s30 =	simm.s32 $0x1400  }
0x5e: {  	[tilespmem:s30], [sflag:$0x3] =	stream.linear.gather [hbm4b:s29+s5], $0x50, $0x38;
	[tilespmem:$0x1FB40] =	vst v63  }
0x5f: {  	s31 =	simm.s32 $0x1450  }
0x60: {  	[tilespmem:s31], [sflag:$0x3] =	stream.linear.gather [hbm4b:s3+s5], $0x50, $0x38;
	[tilespmem:$0x1FB40] =	vst v63  }
0x61: {  	s25 =	simm.s32 $0x14A0  }
0x62: {  	[tilespmem:s25], [sflag:$0x3] =	stream.linear.gather [hbm4b:s0+s5], $0x50, $0x38;
	[tilespmem:$0x1FB40] =	vst v63  }
0x63: {  	s26 =	simm.s32 $0x14F0  }
0x64: {  	[tilespmem:s26], [sflag:$0x3] =	stream.linear.gather [hbm4b:s6+s5], $0x50, $0x38;
	[tilespmem:$0x1FB40] =	vst v63  }
0x65: {  	s28 =	simm.s32 $0x1540  }
0x66: {  	[tilespmem:s28], [sflag:$0x3] =	stream.linear.gather [hbm4b:s7+s5], $0x50, $0x38;
	[tilespmem:$0x1FB40] =	vst v63  }
0x67: {  	s29 =	simm.s32 $0x1590  }
0x68: {  	[tilespmem:s29], [sflag:$0x3] =	stream.linear.gather [hbm4b:s9+s5], $0x50, $0x38;
	[tilespmem:$0x1FB40] =	vst v63  }
0x69: {  	s30 =	simm.s32 $0x15E0  }
0x6a: {  	[tilespmem:s30], [sflag:$0x3] =	stream.linear.gather [hbm4b:s10+s5], $0x50, $0x38;
	[tilespmem:$0x1FB40] =	vst v63  }
0x6b: {  	s31 =	simm.s32 $0x1630  }
0x6c: {  	[tilespmem:s31], [sflag:$0x3] =	stream.linear.gather [hbm4b:s12+s5], $0x50, $0x38;
	[tilespmem:$0x1FB40] =	vst v63  }
0x6d: {  	s25 =	simm.s32 $0x1680  }
0x6e: {  	[tilespmem:s25], [sflag:$0x3] =	stream.linear.gather [hbm4b:s13+s5], $0x50, $0x38;
	[tilespmem:$0x1FB40] =	vst v63  }
0x6f: {  	s26 =	simm.s32 $0x16D0  }
0x70: {  	[tilespmem:s26], [sflag:$0x3] =	stream.linear.gather [hbm4b:s14+s5], $0x50, $0x38;
	[tilespmem:$0x1FB40] =	vst v63  }
0x71: {  	s28 =	simm.s32 $0x1720  }
0x72: {  	[tilespmem:s28], [sflag:$0x3] =	stream.linear.gather [hbm4b:s15+s5], $0x50, $0x38;
	[tilespmem:$0x1FB40] =	vst v63  }
0x73: {  	s29 =	rddreg [dreg:$0x6]  }
0x74: {  	[tilespmem:s16], [sflag:$0x4] =	stream.linear.gather [hbm4b:s29+s5], $0x2800, $0x38;
	[tilespmem:$0x1FB40] =	vst v63  }
0x75: {  	_ =	swait.ge [sflag:s17], $0x2800  }
0x76: {  	[sflag:s17] =	ssyncset.done $0x0  }
0x77: {  	[sflag:s17] =	ssyncadd.s32 $0xFFFFD800  }
0x78: {  	_ =	swait.ge [sflag:s18], $0x2780  }
0x79: {  	[sflag:s18] =	ssyncset.done $0x0  }
0x7a: {  	[sflag:s18] =	ssyncadd.s32 $0xFFFFD880  }
0x7b: {  	_ =	swait.ge [sflag:s19], $0x7D0  }
0x7c: {  	[sflag:s19] =	ssyncset.done $0x0  }
0x7d: {  	[sflag:s19] =	ssyncadd.s32 $0xFFFFF830  }
0x7e: {  	_ =	swait.ge [sflag:s19], $0x50  }
0x7f: {  	[sflag:s19] =	ssyncset.done $0x0  }
0x80: {  	[sflag:s19] =	ssyncadd.s32 $0xFFFFFFB0  }
0x81: {  	_ =	swait.ge [sflag:s19], $0x50  }
0x82: {  	[sflag:s19] =	ssyncset.done $0x0  }
0x83: {  	[sflag:s19] =	ssyncadd.s32 $0xFFFFFFB0  }
0x84: {  	_ =	swait.ge [sflag:s19], $0x50  }
0x85: {  	[sflag:s19] =	ssyncset.done $0x0  }
0x86: {  	[sflag:s19] =	ssyncadd.s32 $0xFFFFFFB0  }
0x87: {  	_ =	swait.ge [sflag:s19], $0x50  }
0x88: {  	[sflag:s19] =	ssyncset.done $0x0  }
0x89: {  	[sflag:s19] =	ssyncadd.s32 $0xFFFFFFB0  }
0x8a: {  	_ =	swait.ge [sflag:s19], $0x50  }
0x8b: {  	[sflag:s19] =	ssyncset.done $0x0  }
0x8c: {  	[sflag:s19] =	ssyncadd.s32 $0xFFFFFFB0  }
0x8d: {  	_ =	swait.ge [sflag:s19], $0x50  }
0x8e: {  	[sflag:s19] =	ssyncset.done $0x0  }
0x8f: {  	[sflag:s19] =	ssyncadd.s32 $0xFFFFFFB0  }
0x90: {  	_ =	swait.ge [sflag:s19], $0x50  }
0x91: {  	[sflag:s19] =	ssyncset.done $0x0  }
0x92: {  	[sflag:s19] =	ssyncadd.s32 $0xFFFFFFB0  }
0x93: {  	_ =	swait.ge [sflag:s19], $0x50  }
0x94: {  	[sflag:s19] =	ssyncset.done $0x0  }
0x95: {  	[sflag:s19] =	ssyncadd.s32 $0xFFFFFFB0  }
0x96: {  	_ =	swait.ge [sflag:s19], $0x50  }
0x97: {  	[sflag:s19] =	ssyncset.done $0x0  }
0x98: {  	[sflag:s19] =	ssyncadd.s32 $0xFFFFFFB0  }
0x99: {  	_ =	swait.ge [sflag:s19], $0x50  }
0x9a: {  	[sflag:s19] =	ssyncset.done $0x0  }
0x9b: {  	[sflag:s19] =	ssyncadd.s32 $0xFFFFFFB0  }
0x9c: {  	_ =	swait.ge [sflag:s19], $0x50  }
0x9d: {  	[sflag:s19] =	ssyncset.done $0x0  }
0x9e: {  	[sflag:s19] =	ssyncadd.s32 $0xFFFFFFB0  }
0x9f: {  	_ =	swait.ge [sflag:s19], $0x50  }
0xa0: {  	[sflag:s19] =	ssyncset.done $0x0  }
0xa1: {  	[sflag:s19] =	ssyncadd.s32 $0xFFFFFFB0  }
0xa2: {  	_ =	swait.ge [sflag:s19], $0x50  }
0xa3: {  	[sflag:s19] =	ssyncset.done $0x0  }
0xa4: {  	[sflag:s19] =	ssyncadd.s32 $0xFFFFFFB0  }
0xa5: {  	_ =	swait.ge [sflag:s19], $0x50  }
0xa6: {  	[sflag:s19] =	ssyncset.done $0x0  }
0xa7: {  	[sflag:s19] =	ssyncadd.s32 $0xFFFFFFB0  }
0xa8: {  	_ =	swait.ge [sflag:s19], $0x50  }
0xa9: {  	[sflag:s19] =	ssyncset.done $0x0  }
0xaa: {  	[sflag:s19] =	ssyncadd.s32 $0xFFFFFFB0  }
0xab: {  	_ =	swait.ge [sflag:s19], $0x50  }
0xac: {  	[sflag:s19] =	ssyncset.done $0x0  }
0xad: {  	[sflag:s19] =	ssyncadd.s32 $0xFFFFFFB0  }
0xae: {  	_ =	swait.ge [sflag:s19], $0x50  }
0xaf: {  	[sflag:s19] =	ssyncset.done $0x0  }
0xb0: {  	[sflag:s19] =	ssyncadd.s32 $0xFFFFFFB0  }
0xb1: {  	_ =	swait.ge [sflag:s19], $0x50  }
0xb2: {  	[sflag:s19] =	ssyncset.done $0x0  }
0xb3: {  	[sflag:s19] =	ssyncadd.s32 $0xFFFFFFB0  }
0xb4: {  	_ =	swait.ge [sflag:s19], $0x50  }
0xb5: {  	[sflag:s19] =	ssyncset.done $0x0  }
0xb6: {  	[sflag:s19] =	ssyncadd.s32 $0xFFFFFFB0  }
0xb7: {  	_ =	swait.ge [sflag:s19], $0x50  }
0xb8: {  	[sflag:s19] =	ssyncset.done $0x0  }
0xb9: {  	[sflag:s19] =	ssyncadd.s32 $0xFFFFFFB0  }
0xba: {  	_ =	swait.ge [sflag:s19], $0x50  }
0xbb: {  	[sflag:s19] =	ssyncset.done $0x0  }
0xbc: {  	[sflag:s19] =	ssyncadd.s32 $0xFFFFFFB0  }
0xbd: {  	_ =	swait.ge [sflag:s19], $0x50  }
0xbe: {  	[sflag:s19] =	ssyncset.done $0x0  }
0xbf: {  	[sflag:s19] =	ssyncadd.s32 $0xFFFFFFB0  }
0xc0: {  	_ =	swait.ge [sflag:s19], $0x50  }
0xc1: {  	[sflag:s19] =	ssyncset.done $0x0  }
0xc2: {  	[sflag:s19] =	ssyncadd.s32 $0xFFFFFFB0  }
0xc3: {  	_ =	swait.ge [sflag:s19], $0x50  }
0xc4: {  	[sflag:s19] =	ssyncset.done $0x0  }
0xc5: {  	[sflag:s19] =	ssyncadd.s32 $0xFFFFFFB0  }
0xc6: {  	_ =	swait.ge [sflag:s19], $0x50  }
0xc7: {  	[sflag:s19] =	ssyncset.done $0x0  }
0xc8: {  	s30 =	simm.s32 $0x1F40;
	[sflag:s19] =	ssyncadd.s32 $0xFFFFFFB0  }
0xc9: {  	[tilespmem:s30], [sflag:$0x1] =	stream.indirect.gather [hbm4b:s1+s20], $0x80, s5, s20, $0xb8;
	[tilespmem:$0x1FB40] =	vst v63  }
.Ltmp2:
0xca: {  	_ = 	snop;
	(pc) =	sbr.rel .LBB2_2-.Ltmp2, $4  }
0xcb: {  	s31 =	simm.s32 $0x4740  }
0xcc: {  	[tilespmem:s31], [sflag:$0x1] =	stream.indirect.gather [hbm4b:s1+s20], $0x80, s20, s20, $0xb8;
	[tilespmem:$0x1FB40] =	vst v63  }
0xcd: {  	[bflag:$0x0] =	sbarrier.arrive $0xFFFF  }
0xce: {  	s24 =	simm.s32 $0x0  }
.LBB2_5:
0xcf: {  	_ =	swait.ge [sflag:s19], $0x7D0  }
0xd0: {  	[sflag:s19] =	ssyncset.done $0x0  }
0xd1: {  	[sflag:s19] =	ssyncadd.s32 $0xFFFFF830  }
0xd2: {  	_ =	swait.ge [sflag:s19], $0x50  }
0xd3: {  	[sflag:s19] =	ssyncset.done $0x0  }
0xd4: {  	[sflag:s19] =	ssyncadd.s32 $0xFFFFFFB0  }
0xd5: {  	_ =	swait.ge [sflag:s19], $0x50  }
0xd6: {  	[sflag:s19] =	ssyncset.done $0x0  }
0xd7: {  	[sflag:s19] =	ssyncadd.s32 $0xFFFFFFB0  }
0xd8: {  	_ =	swait.ge [sflag:s19], $0x50  }
0xd9: {  	[sflag:s19] =	ssyncset.done $0x0  }
0xda: {  	[sflag:s19] =	ssyncadd.s32 $0xFFFFFFB0  }
0xdb: {  	_ =	swait.ge [sflag:s19], $0x50  }
0xdc: {  	[sflag:s19] =	ssyncset.done $0x0  }
0xdd: {  	[sflag:s19] =	ssyncadd.s32 $0xFFFFFFB0  }
0xde: {  	_ =	swait.ge [sflag:s19], $0x50  }
0xdf: {  	[sflag:s19] =	ssyncset.done $0x0  }
0xe0: {  	[sflag:s19] =	ssyncadd.s32 $0xFFFFFFB0  }
0xe1: {  	_ =	swait.ge [sflag:s19], $0x50  }
0xe2: {  	[sflag:s19] =	ssyncset.done $0x0  }
0xe3: {  	[sflag:s19] =	ssyncadd.s32 $0xFFFFFFB0  }
0xe4: {  	_ =	swait.ge [sflag:s19], $0x50  }
0xe5: {  	[sflag:s19] =	ssyncset.done $0x0  }
0xe6: {  	[sflag:s19] =	ssyncadd.s32 $0xFFFFFFB0  }
0xe7: {  	_ =	swait.ge [sflag:s19], $0x50  }
0xe8: {  	[sflag:s19] =	ssyncset.done $0x0  }
0xe9: {  	[sflag:s19] =	ssyncadd.s32 $0xFFFFFFB0  }
0xea: {  	_ =	swait.ge [sflag:s19], $0x50  }
0xeb: {  	[sflag:s19] =	ssyncset.done $0x0  }
0xec: {  	[sflag:s19] =	ssyncadd.s32 $0xFFFFFFB0  }
0xed: {  	_ =	swait.ge [sflag:s19], $0x50  }
0xee: {  	[sflag:s19] =	ssyncset.done $0x0  }
0xef: {  	[sflag:s19] =	ssyncadd.s32 $0xFFFFFFB0  }
0xf0: {  	_ =	swait.ge [sflag:s19], $0x50  }
0xf1: {  	[sflag:s19] =	ssyncset.done $0x0  }
0xf2: {  	[sflag:s19] =	ssyncadd.s32 $0xFFFFFFB0  }
0xf3: {  	_ =	swait.ge [sflag:s19], $0x50  }
0xf4: {  	[sflag:s19] =	ssyncset.done $0x0  }
0xf5: {  	[sflag:s19] =	ssyncadd.s32 $0xFFFFFFB0  }
0xf6: {  	_ =	swait.ge [sflag:s19], $0x50  }
0xf7: {  	[sflag:s19] =	ssyncset.done $0x0  }
0xf8: {  	[sflag:s19] =	ssyncadd.s32 $0xFFFFFFB0  }
0xf9: {  	_ =	swait.ge [sflag:s19], $0x50  }
0xfa: {  	[sflag:s19] =	ssyncset.done $0x0  }
0xfb: {  	[sflag:s19] =	ssyncadd.s32 $0xFFFFFFB0  }
0xfc: {  	_ =	swait.ge [sflag:s19], $0x50  }
0xfd: {  	[sflag:s19] =	ssyncset.done $0x0  }
0xfe: {  	[sflag:s19] =	ssyncadd.s32 $0xFFFFFFB0  }
0xff: {  	_ =	swait.ge [sflag:s19], $0x50  }
0x100: {  	[sflag:s19] =	ssyncset.done $0x0  }
0x101: {  	[sflag:s19] =	ssyncadd.s32 $0xFFFFFFB0  }
0x102: {  	_ =	swait.ge [sflag:s19], $0x50  }
0x103: {  	[sflag:s19] =	ssyncset.done $0x0  }
0x104: {  	[sflag:s19] =	ssyncadd.s32 $0xFFFFFFB0  }
0x105: {  	_ =	swait.ge [sflag:s19], $0x50  }
0x106: {  	[sflag:s19] =	ssyncset.done $0x0  }
0x107: {  	[sflag:s19] =	ssyncadd.s32 $0xFFFFFFB0  }
0x108: {  	_ =	swait.ge [sflag:s19], $0x50  }
0x109: {  	[sflag:s19] =	ssyncset.done $0x0  }
0x10a: {  	[sflag:s19] =	ssyncadd.s32 $0xFFFFFFB0  }
0x10b: {  	_ =	swait.ge [sflag:s19], $0x50  }
0x10c: {  	[sflag:s19] =	ssyncset.done $0x0  }
0x10d: {  	[sflag:s19] =	ssyncadd.s32 $0xFFFFFFB0  }
0x10e: {  	_ =	swait.ge [sflag:s19], $0x50  }
0x10f: {  	[sflag:s19] =	ssyncset.done $0x0  }
0x110: {  	[sflag:s19] =	ssyncadd.s32 $0xFFFFFFB0  }
0x111: {  	_ =	swait.ge [sflag:s19], $0x50  }
0x112: {  	[sflag:s19] =	ssyncset.done $0x0  }
0x113: {  	[sflag:s19] =	ssyncadd.s32 $0xFFFFFFB0  }
0x114: {  	_ =	swait.ge [sflag:s19], $0x50  }
0x115: {  	[sflag:s19] =	ssyncset.done $0x0  }
0x116: {  	[sflag:s19] =	ssyncadd.s32 $0xFFFFFFB0  }
0x117: {  	_ =	swait.ge [sflag:s19], $0x50  }
0x118: {  	[sflag:s19] =	ssyncset.done $0x0  }
0x119: {  	[sflag:s19] =	ssyncadd.s32 $0xFFFFFFB0  }
0x11a: {  	_ =	swait.ge [sflag:s19], $0x50  }
0x11b: {  	[sflag:s19] =	ssyncset.done $0x0  }
0x11c: {  	[sflag:s19] =	ssyncadd.s32 $0xFFFFFFB0  }
.LBB2_6:
0x11d: {  	s25 =	sadd.s32 $0x2, s24  }
0x11e: {  	s26 =	sand.u32 $0xFF, s25  }
0x11f: {  	s26 =	smul.u32 $0xAB, s26;
	_ =	sdelay $0x1  }
0x120: {  	s26 =	sshrl.u32 s26, $0x9  }
0x121: {  	s26 =	smul.u32 $0x3, s26;
	_ =	sdelay $0x1  }
0x122: {  	_ =	swait.ge [sflag:s18], $0x2800;
	s26 =	ssub.s32 s25, s26  }
0x123: {  	[sflag:s18] =	ssyncset.done $0x0;
	s26 =	sand.u32 $0xFF, s26  }
0x124: {  	[sflag:s18] =	ssyncadd.s32 $0xFFFFD800;
	s26 =	smul.u32 $0xA000, s26  }
.LBB2_10:
0x125: {  	s28 =	sand.u32 $0xFF, s25  }
0x126: {  	s28 =	smul.u32 $0x29, s28;
	_ =	sdelay $0x1  }
0x127: {  	s28 =	sshrl.u32 s28, $0xA  }
0x128: {  	s29 =	smul.u32 $0x19, s28;
	_ =	sdelay $0x1  }
0x129: {  	s31 =	ssub.s32 s25, s29  }
0x12a: {  	s25 =	sand.u32 $0xFF, s31  }
0x12b: {  	s28 =	sand.u32 $0x1, s28;
	s25 =	smul.u32 $0x140, s25  }
0x12c: {  	p0 =	seq.s32 s28, $0x1;
	s28 =	simm.s32 $0x7D0  }
0x12d: {  	s26 =	sshrl.u32 s26, $0x2;
	s28 =	simm.s32 @!p0 $0x0;
	s25 =	sshrl.u32 s25, $0x2  }
0x12e: {  	s26 =	sadd.s32 $0x1F40, s26;
	s25 =	sadd.s32 s25, s28  }
0x12f: {  	[tilespmem:s26], [sflag:$0x1] =	stream.indirect.gather [hbm4b:s1+s20], $0x80, s25, s20, $0xb8;
	[tilespmem:$0x1FB40] =	vst v63  }
.LBB2_11:
0x130: {  	s24 =	sadd.s32 $0x1, s24  }
0x131: {  	p0 =	sne.s32 s24, $0x7D  }
.Ltmp3:
0x132: {  	_ = 	snop;
	(pc) =	sbr.rel @!p0 .LBB2_12-.Ltmp3, $1  }
0x133: {  	_ =	sdelay $0x3  }
.LBB2_2:
0x134: {  	s25 =	smul.u32 $0x29, s24;
	_ =	sdelay $0x1  }
0x135: {  	s26 =	sshrl.u32 s25, $0xA  }
0x136: {  	s28 =	sand.u32 $0x3F, s26  }
0x137: {  	s31 =	smul.u32 $0x19, s28;
	_ =	sdelay $0x1  }
0x138: {  	p0 =	sgt.u32 s24, $0x63;
	s25 =	ssub.s32 s24, s31  }
0x139: {  	s29 =	sand.u32 @!p0 $0xFF, s25  }
0x13a: {  	p1 =	sne.s32 @!p0 s29, $0x1  }
0x13b: {  	p0 =	por p0, p1  }
.Ltmp4:
0x13c: {  	_ = 	snop;
	(pc) =	sbr.rel @p0 .LBB2_4-.Ltmp4, $2  }
0x13d: {  	_ =	sdelay $0x2  }
0x13e: {  	s26 =	sand.u32 $0x1, s26  }
0x13f: {  	s28 =	smul.u32 $0x7D0, s28;
	_ =	sdelay $0x1  }
0x140: {  	s29 =	sxor.u32 $0x1, s26;
	s30 =	sadd.s32 s28, s22  }
0x141: {  	s28 =	smul.u32 $0x7D0, s29;
	s31 =	sshrl.u32 s30, $0x3  }
0x142: {  	s29 =	sadd.s32 s2, s31  }
0x143: {  	[tilespmem:s28], [sflag:$0x3] =	stream.linear.gather [hbm4b:s29+s5], $0x7D0, $0x38;
	[tilespmem:$0x1FB40] =	vst v63  }
0x144: {  	s30 =	sadd.s32 $0xFA0, s28;
	s31 =	sadd.s32 $0x9C40, s29  }
0x145: {  	[tilespmem:s30], [sflag:$0x3] =	stream.linear.gather [hbm4b:s31+s5], $0x50, $0x38;
	[tilespmem:$0x1FB40] =	vst v63  }
0x146: {  	s30 =	sadd.s32 $0xFF0, s28;
	s31 =	sadd.s32 $0x9C4A, s29  }
0x147: {  	[tilespmem:s30], [sflag:$0x3] =	stream.linear.gather [hbm4b:s31+s5], $0x50, $0x38;
	[tilespmem:$0x1FB40] =	vst v63  }
0x148: {  	s30 =	sadd.s32 $0x1040, s28;
	s31 =	sadd.s32 $0x9C54, s29  }
0x149: {  	[tilespmem:s30], [sflag:$0x3] =	stream.linear.gather [hbm4b:s31+s5], $0x50, $0x38;
	[tilespmem:$0x1FB40] =	vst v63  }
0x14a: {  	s30 =	sadd.s32 $0x1090, s28;
	s31 =	sadd.s32 $0x9C5E, s29  }
0x14b: {  	[tilespmem:s30], [sflag:$0x3] =	stream.linear.gather [hbm4b:s31+s5], $0x50, $0x38;
	[tilespmem:$0x1FB40] =	vst v63  }
0x14c: {  	s30 =	sadd.s32 $0x10E0, s28;
	s31 =	sadd.s32 $0x9C68, s29  }
0x14d: {  	[tilespmem:s30], [sflag:$0x3] =	stream.linear.gather [hbm4b:s31+s5], $0x50, $0x38;
	[tilespmem:$0x1FB40] =	vst v63  }
0x14e: {  	s30 =	sadd.s32 $0x1130, s28;
	s31 =	sadd.s32 $0x9C72, s29  }
0x14f: {  	[tilespmem:s30], [sflag:$0x3] =	stream.linear.gather [hbm4b:s31+s5], $0x50, $0x38;
	[tilespmem:$0x1FB40] =	vst v63  }
0x150: {  	s30 =	sadd.s32 $0x1180, s28;
	s31 =	sadd.s32 $0x9C7C, s29  }
0x151: {  	[tilespmem:s30], [sflag:$0x3] =	stream.linear.gather [hbm4b:s31+s5], $0x50, $0x38;
	[tilespmem:$0x1FB40] =	vst v63  }
0x152: {  	s30 =	sadd.s32 $0x11D0, s28;
	s31 =	sadd.s32 $0x9C86, s29  }
0x153: {  	[tilespmem:s30], [sflag:$0x3] =	stream.linear.gather [hbm4b:s31+s5], $0x50, $0x38;
	[tilespmem:$0x1FB40] =	vst v63  }
0x154: {  	s30 =	sadd.s32 $0x1220, s28;
	s31 =	sadd.s32 $0x9C90, s29  }
0x155: {  	[tilespmem:s30], [sflag:$0x3] =	stream.linear.gather [hbm4b:s31+s5], $0x50, $0x38;
	[tilespmem:$0x1FB40] =	vst v63  }
0x156: {  	s30 =	sadd.s32 $0x1270, s28;
	s31 =	sadd.s32 $0x9C9A, s29  }
0x157: {  	[tilespmem:s30], [sflag:$0x3] =	stream.linear.gather [hbm4b:s31+s5], $0x50, $0x38;
	[tilespmem:$0x1FB40] =	vst v63  }
0x158: {  	s30 =	sadd.s32 $0x12C0, s28;
	s31 =	sadd.s32 $0x9CA4, s29  }
0x159: {  	[tilespmem:s30], [sflag:$0x3] =	stream.linear.gather [hbm4b:s31+s5], $0x50, $0x38;
	[tilespmem:$0x1FB40] =	vst v63  }
0x15a: {  	s30 =	sadd.s32 $0x1310, s28;
	s31 =	sadd.s32 $0x9CAE, s29  }
0x15b: {  	[tilespmem:s30], [sflag:$0x3] =	stream.linear.gather [hbm4b:s31+s5], $0x50, $0x38;
	[tilespmem:$0x1FB40] =	vst v63  }
0x15c: {  	s30 =	sadd.s32 $0x1360, s28;
	s31 =	sadd.s32 $0x9CB8, s29  }
0x15d: {  	[tilespmem:s30], [sflag:$0x3] =	stream.linear.gather [hbm4b:s31+s5], $0x50, $0x38;
	[tilespmem:$0x1FB40] =	vst v63  }
0x15e: {  	s30 =	sadd.s32 $0x13B0, s28;
	s31 =	sadd.s32 $0x9CC2, s29  }
0x15f: {  	[tilespmem:s30], [sflag:$0x3] =	stream.linear.gather [hbm4b:s31+s5], $0x50, $0x38;
	[tilespmem:$0x1FB40] =	vst v63  }
0x160: {  	s30 =	sadd.s32 $0x1400, s28;
	s31 =	sadd.s32 $0x9CCC, s29  }
0x161: {  	[tilespmem:s30], [sflag:$0x3] =	stream.linear.gather [hbm4b:s31+s5], $0x50, $0x38;
	[tilespmem:$0x1FB40] =	vst v63  }
0x162: {  	s30 =	sadd.s32 $0x1450, s28;
	s31 =	sadd.s32 $0x9CD6, s29  }
0x163: {  	[tilespmem:s30], [sflag:$0x3] =	stream.linear.gather [hbm4b:s31+s5], $0x50, $0x38;
	[tilespmem:$0x1FB40] =	vst v63  }
0x164: {  	s30 =	sadd.s32 $0x14A0, s28;
	s31 =	sadd.s32 $0x9CE0, s29  }
0x165: {  	[tilespmem:s30], [sflag:$0x3] =	stream.linear.gather [hbm4b:s31+s5], $0x50, $0x38;
	[tilespmem:$0x1FB40] =	vst v63  }
0x166: {  	s30 =	sadd.s32 $0x14F0, s28;
	s31 =	sadd.s32 $0x9CEA, s29  }
0x167: {  	[tilespmem:s30], [sflag:$0x3] =	stream.linear.gather [hbm4b:s31+s5], $0x50, $0x38;
	[tilespmem:$0x1FB40] =	vst v63  }
0x168: {  	s30 =	sadd.s32 $0x1540, s28;
	s31 =	sadd.s32 $0x9CF4, s29  }
0x169: {  	[tilespmem:s30], [sflag:$0x3] =	stream.linear.gather [hbm4b:s31+s5], $0x50, $0x38;
	[tilespmem:$0x1FB40] =	vst v63  }
0x16a: {  	s30 =	sadd.s32 $0x1590, s28;
	s31 =	sadd.s32 $0x9CFE, s29  }
0x16b: {  	[tilespmem:s30], [sflag:$0x3] =	stream.linear.gather [hbm4b:s31+s5], $0x50, $0x38;
	[tilespmem:$0x1FB40] =	vst v63  }
0x16c: {  	s30 =	sadd.s32 $0x15E0, s28;
	s31 =	sadd.s32 $0x9D08, s29  }
0x16d: {  	[tilespmem:s30], [sflag:$0x3] =	stream.linear.gather [hbm4b:s31+s5], $0x50, $0x38;
	[tilespmem:$0x1FB40] =	vst v63  }
0x16e: {  	s30 =	sadd.s32 $0x1630, s28;
	s31 =	sadd.s32 $0x9D12, s29  }
0x16f: {  	[tilespmem:s30], [sflag:$0x3] =	stream.linear.gather [hbm4b:s31+s5], $0x50, $0x38;
	[tilespmem:$0x1FB40] =	vst v63  }
0x170: {  	s30 =	sadd.s32 $0x1680, s28;
	s31 =	sadd.s32 $0x9D1C, s29  }
0x171: {  	[tilespmem:s30], [sflag:$0x3] =	stream.linear.gather [hbm4b:s31+s5], $0x50, $0x38;
	[tilespmem:$0x1FB40] =	vst v63  }
0x172: {  	s30 =	sadd.s32 $0x16D0, s28;
	s31 =	sadd.s32 $0x9D26, s29  }
0x173: {  	[tilespmem:s30], [sflag:$0x3] =	stream.linear.gather [hbm4b:s31+s5], $0x50, $0x38;
	[tilespmem:$0x1FB40] =	vst v63  }
0x174: {  	s28 =	sadd.s32 $0x1720, s28;
	s29 =	sadd.s32 $0x9D30, s29  }
0x175: {  	[tilespmem:s28], [sflag:$0x3] =	stream.linear.gather [hbm4b:s29+s5], $0x50, $0x38;
	[tilespmem:$0x1FB40] =	vst v63  }
.LBB2_4:
0x176: {  	s28 =	sand.u32 $0xFF, s25;
	s26 =	smul.u32 $0x1F40, s26  }
0x177: {  	s28 =	smul.u32 $0x140, s28;
	_ =	sdelay $0x1  }
0x178: {  	s26 =	sshrl.u32 s26, $0x2;
	s28 =	sshrl.u32 s28, $0x2  }
0x179: {  	s26 =	sadd.s32 s28, s26  }
0x17a: {  	v1 =	vld [tilespmem:s26+$0xFA0];
	_ =	sdelay $0x7  }
0x17b: {  	[tilespmem:v1+s16+$0x0] =	vst.idx.add.f32.msk $0xffff, v0  }
0x17c: {  	v1 =	vld [tilespmem:s26+$0xFB0];
	_ =	sdelay $0x7  }
0x17d: {  	[tilespmem:v1+s16+$0x0] =	vst.idx.add.f32.msk $0xffff, v0  }
0x17e: {  	v1 =	vld [tilespmem:s26+$0xFC0];
	_ =	sdelay $0x7  }
0x17f: {  	[tilespmem:v1+s16+$0x0] =	vst.idx.add.f32.msk $0xffff, v0  }
0x180: {  	v1 =	vld [tilespmem:s26+$0xFD0];
	_ =	sdelay $0x7  }
0x181: {  	s31 =	smul.u32 $0xAB, s24;
	[tilespmem:v1+s16+$0x0] =	vst.idx.add.f32.msk $0xffff, v0  }
0x182: {  	v1 =	vld [tilespmem:s26+$0xFE0]  }
0x183: {  	s28 =	sshrl.u32 s31, $0x9  }
0x184: {  	s28 =	sand.u32 $0x7F, s28  }
0x185: {  	s28 =	smul.u32 $0x3, s28  }
0x186: {  	p0 =	sgt.u32 s24, $0x7A  }
0x187: {  	s25 =	sand.u32 @!p0 $0xFF, s25;
	s28 =	ssub.s32 s24, s28  }
0x188: {  	p1 =	sne.s32 @!p0 s25, $0x17;
	s28 =	sand.u32 $0xFF, s28  }
0x189: {  	p1 =	por p0, p1;
	s28 =	smul.u32 $0xA000, s28  }
.Ltmp5:
0x18a: {  	[tilespmem:v1+s16+$0x0] =	vst.idx.add.f32.msk $0xffff, v0;
	(pc) =	sbr.rel @!p1 .LBB2_5-.Ltmp5, $4  }
0x18b: {  	_ =	swait.ge [sflag:s21], $0x2800  }
0x18c: {  	s28 =	sshrl.u32 s28, $0x2;
	[sflag:s21] =	ssyncset.done $0x0  }
0x18d: {  	s28 =	sadd.s32 $0x1F40, s28;
	s26 =	sadd.s32 $0xFA0, s26;
	[sflag:s21] =	ssyncadd.s32 $0xFFFFD800  }
0x18e: {  	[spmem:s4] =	stream.indirect.scatter.add.f32 [tilespmem:s28], [sflag:$0x2], $0x80, s26, s20, $0xb8;
	[tilespmem:$0x1FB40] =	vst v63  }
.Ltmp6:
0x18f: {  	(pc) =	sbr.rel @p0 .LBB2_11-.Ltmp6, $1  }
0x190: {  	_ =	sdelay $0x3  }
0x191: {  	p0 =	seq.s32 s24, $0x0  }
.Ltmp7:
0x192: {  	_ = 	snop;
	(pc) =	sbr.rel @!p0 .LBB2_6-.Ltmp7, $1  }
0x193: {  	_ =	sdelay $0x3  }
.Ltmp8:
0x194: {  	(pc) =	sbr.rel .LBB2_10-.Ltmp8, $2  }
0x195: {  	_ =	sdelay $0x2  }
0x196: {  	s26 =	simm.s32 $0x14000;
	s25 =	simm.s32 $0x2  }
.LBB2_13:
0x197: {  	_ =	sfence.sel $0x180000  }
0x198: {  	[bflag:$0x0] =	sbarrier.arrive $0xFFFF  }
0x199: {  	_ =	strace $0x90000047  }
0x19a: {  	s0 =	stileid.u32;
	[bflag:$0x2] =	sbarrier.arrive $0xFFFF  }
0x19b: {  	p0 =	sne.s32 s0, $0x0;
	s0 =	rddreg [dreg:$0x4]  }
0x19c: {  	s0 =	sadd.s32 @!p0 $0x100000, s0  }
0x19d: {  	[sflag:s0] =	ssyncadd.tile.s32 @!p0 $0x1;
	_ =	shalt  }
.Lfunc_end2:
_tile_overlayer_lowered:
.L_overlay_start_2:
0x19e: {  	(tag) =	ssettag $0x2  }
0x19f: {  	s0 =	rddreg [dreg:$0x0];
	s2 =	stileid.u32  }
0x1a0: {  	s1 =	rddreg [dreg:$0x1];
	p0 =	sne.s32 s2, $0x0  }
0x1a1: {  	s3 =	rddreg [dreg:$0x2];
	[bflag:$0x3] =	sbarrier.arrive $0xFFFF;
	s2 =	simm.s32 @!p0 $0x1C04  }
0x1a2: {  	[timem:s3], [sflag:s2] =	dma.local @!p0 [hbm:s0], s1  }
0x1a3: {  	s0 =	simm.s32 @!p0 $0x4  }
0x1a4: {  	_ =	swait.ge @!p0 [sflag:s0], s1  }
0x1a5: {  	s1 =	ssub.s32 @!p0 $0x0, s1;
	[sflag:s0] =	ssyncset.done @!p0 $0x0  }
0x1a6: {  	[sflag:s0] =	ssyncadd.s32 @!p0 s1  }
0x1a7: {  	[bflag:$0x3] =	sbarrier.arrive $0xFFFF  }
0x1a8: {  	_ =	shalt  }

</sc_bundles>
